<compile_context>
chip_gen: v7x
topology: tpu7x:2x2x1
jax: 0.10.2.dev20260603
libtpu: 0.0.44.dev20260713+nightly
codegen_flags: <defaults>
</compile_context>

<pallas_src>
import functools

import jax
import jax.numpy as jnp
from jax import lax
from jax.experimental import pallas as pl
from jax.experimental.pallas import tpu as pltpu
from jax.experimental.pallas import tpu_sc as plsc

_E = 8
_R = 8
_NEG = -3.0e38
_D = 2048
_NB = 4
_CH = _D // 16


def _sc_router_kernel(h_hbm, gw_hbm, gb_hbm, a2_hbm, b2_hbm,
                      delta_hbm, wt_hbm, st_hbm,
                      h_v, g_v, stage_v, l8_v, idx_v, arows_v, brows_v,
                      pd_v, wtbuf_v, wtsum_v, red_v, redi_v, slog_sh,
                      spart_sh, wpart_sh, sem):
    wid = lax.axis_index("s") * 2 + lax.axis_index("c")
    b = wid // 8
    k = lax.rem(wid, 8)
    iota16 = lax.iota(jnp.int32, 16)

    def allred(v, op):
        ref = red_v if v.dtype == jnp.float32 else redi_v
        for sh in (8, 4, 2, 1):
            ref[...] = v
            shifted = plsc.load_gather(ref, [lax.rem(iota16 + sh, 16)])
            v = op(v, shifted)
        return v

    pltpu.sync_copy(h_hbm.at[b], h_v)
    pltpu.sync_copy(gw_hbm.at[k], g_v)

    def dot_step(i, acc):
        return acc + h_v[pl.ds(i * 16, 16)] * g_v[pl.ds(i * 16, 16)]

    acc = lax.fori_loop(0, _CH, dot_step, jnp.zeros((16,), jnp.float32))
    stage_v[...] = allred(acc, jnp.add)
    pltpu.sync_copy(stage_v, slog_sh.at[wid])
    plsc.subcore_barrier()

    pltpu.sync_copy(slog_sh.at[pl.ds(b * 8, 8)], l8_v)
    rows = jnp.minimum(iota16, 7)
    lvec = plsc.load_gather(l8_v, [rows, iota16])
    pltpu.sync_copy(gb_hbm, stage_v)
    lvec = jnp.where(iota16 < 8, lvec + stage_v[...], _NEG)
    m1v = allred(lvec, jnp.maximum)
    i1v = allred(jnp.where(lvec == m1v, iota16, 99), jnp.minimum)
    masked = jnp.where(iota16 == i1v, _NEG, lvec)
    m2v = allred(masked, jnp.maximum)
    i2v = allred(jnp.where(masked == m2v, iota16, 99), jnp.minimum)
    ev = jnp.exp(m2v - m1v)
    w1v = 1.0 / (1.0 + ev)
    w2v = 1.0 - w1v

    idx_v[...] = jnp.where(iota16 < 8, i1v * 8 + iota16,
                           i2v * 8 + iota16 - 8)
    pltpu.async_copy(a2_hbm.at[idx_v], arows_v, sem).wait()
    pltpu.async_copy(b2_hbm.at[idx_v], brows_v, sem).wait()

    r0 = 2 * k
    r1 = 2 * k + 1

    def t_step(i, accs):
        a0, a1 = accs
        hv = h_v[pl.ds(i * 16, 16)]
        return (a0 + arows_v[r0, pl.ds(i * 16, 16)] * hv,
                a1 + arows_v[r1, pl.ds(i * 16, 16)] * hv)

    z16 = jnp.zeros((16,), jnp.float32)
    acc0, acc1 = lax.fori_loop(0, _CH, t_step, (z16, z16))
    t0v = allred(acc0, jnp.add)
    t1v = allred(acc1, jnp.add)
    r0v = jnp.full((16,), r0, jnp.int32)
    r1v = jnp.full((16,), r1, jnp.int32)
    wt0v = t0v * (1.0 / _R) * jnp.where(r0v < 8, w1v, w2v)
    wt1v = t1v * (1.0 / _R) * jnp.where(r1v < 8, w1v, w2v)

    def pd_step(i, _):
        pd_v[pl.ds(i * 16, 16)] = (wt0v * brows_v[r0, pl.ds(i * 16, 16)]
                                   + wt1v * brows_v[r1, pl.ds(i * 16, 16)])
        return 0

    lax.fori_loop(0, _CH, pd_step, 0)
    pltpu.sync_copy(pd_v, spart_sh.at[wid])

    gpos0v = plsc.load_gather(idx_v, [lax.rem(r0v, 16)])
    gpos1v = plsc.load_gather(idx_v, [lax.rem(r1v, 16)])
    for c in range(4):
        wtbuf_v[pl.ds(c * 16, 16)] = (
            jnp.where(c * 16 + iota16 == gpos0v, wt0v, 0.0)
            + jnp.where(c * 16 + iota16 == gpos1v, wt1v, 0.0))
    pltpu.sync_copy(wtbuf_v, wpart_sh.at[wid])
    plsc.subcore_barrier()

    @pl.when(k == 0)
    def _():
        for j in range(1, 8):
            pltpu.sync_copy(spart_sh.at[b * 8 + j], g_v)

            def add_step(i, _):
                pd_v[pl.ds(i * 16, 16)] += g_v[pl.ds(i * 16, 16)]
                return 0

            lax.fori_loop(0, _CH, add_step, 0)
            pltpu.sync_copy(wpart_sh.at[b * 8 + j], wtsum_v)
            for c in range(4):
                wtbuf_v[pl.ds(c * 16, 16)] += wtsum_v[pl.ds(c * 16, 16)]
        pltpu.sync_copy(pd_v, delta_hbm.at[b])
        pltpu.sync_copy(wtbuf_v, wt_hbm.at[b])

        def s_step(i, accs):
            sd, sd2 = accs
            v = pd_v[pl.ds(i * 16, 16)]
            return sd + v, sd2 + v * v

        sd, sd2 = lax.fori_loop(0, _CH, s_step, (z16, z16))
        sdtv = allred(sd, jnp.add)
        sd2tv = allred(sd2, jnp.add)
        stage_v[...] = (jnp.where(iota16 == 0, sdtv, 0.0)
                        + jnp.where(iota16 == 1, sd2tv, 0.0))
        pltpu.sync_copy(stage_v, st_hbm.at[b])


def _sc_router(h, gate_W, gb16, A2, B2):
    mesh = plsc.VectorSubcoreMesh(core_axis_name="c", subcore_axis_name="s")
    f = functools.partial(
        pl.kernel, mesh=mesh,
        compiler_params=pltpu.CompilerParams(needs_layout_passes=False),
        out_type=[
            jax.ShapeDtypeStruct((_NB, _D), jnp.float32),
            jax.ShapeDtypeStruct((_NB, 64), jnp.float32),
            jax.ShapeDtypeStruct((_NB, 16), jnp.float32),
        ],
        scratch_types=[
            pltpu.VMEM((_D,), jnp.float32),
            pltpu.VMEM((_D,), jnp.float32),
            pltpu.VMEM((16,), jnp.float32),
            pltpu.VMEM((8, 16), jnp.float32),
            pltpu.VMEM((16,), jnp.int32),
            pltpu.VMEM((16, _D), jnp.float32),
            pltpu.VMEM((16, _D), jnp.float32),
            pltpu.VMEM((_D,), jnp.float32),
            pltpu.VMEM((64,), jnp.float32),
            pltpu.VMEM((64,), jnp.float32),
            pltpu.VMEM((16,), jnp.float32),
            pltpu.VMEM((16,), jnp.int32),
            pltpu.VMEM_SHARED((32, 16), jnp.float32),
            pltpu.VMEM_SHARED((32, _D), jnp.float32),
            pltpu.VMEM_SHARED((32, 64), jnp.float32),
            pltpu.SemaphoreType.DMA,
        ],
    )(_sc_router_kernel)
    return f(h, gate_W, gb16, A2, B2)


def _pass1_kernel(x_ref, w65_ref, h_ref, xb_ref, s2_ref, *, inv_s):
    s = pl.program_id(1)
    ns = pl.num_programs(1)
    xm = x_ref[0]

    @pl.when(s == 0)
    def _():
        h_ref[...] = jnp.zeros_like(h_ref)

    h_ref[...] += jnp.sum(xm, axis=0)[None, None, :]

    @pl.when(s == ns - 1)
    def _():
        h_ref[...] = h_ref[...] * inv_s

    xb_ref[0] = lax.dot_general(xm, w65_ref[...], (((1,), (0,)), ((), ())),
                                preferred_element_type=jnp.float32)
    s2_ref[0] = jnp.sum(xm * xm, axis=1, keepdims=True)


def _pass2_kernel(x_ref, xb_ref, s2_ref, delta_ref, wt_ref, st_ref,
                  gamma_ref, beta_ref, o_ref):
    D = x_ref.shape[2]
    xm = x_ref[0]
    xb = xb_ref[0]
    s1 = xb[:, 64:65]
    cross = jnp.sum(xb[:, 0:64] * wt_ref[0], axis=1, keepdims=True)
    sum_d = st_ref[0, 0, 0]
    sum_d2 = st_ref[0, 0, 1]
    mu = (s1 + sum_d) * (1.0 / D)
    var = ((s2_ref[0] + 2.0 * cross + sum_d2) * (1.0 / D) - mu * mu)
    rs = lax.rsqrt(var + 1e-5)
    o_ref[...] = (((xm + delta_ref[0] - mu) * rs) * gamma_ref[...]
                  + beta_ref[...])[None]


def kernel(x, gate_W, gate_b, A_all, B_all, gamma, beta):
    B, S, D = x.shape
    s_blk = 512
    ns = S // s_blk

    A2 = A_all.reshape(_E * _R, D)
    B2 = jnp.transpose(B_all, (0, 2, 1)).reshape(_E * _R, D)
    w65 = jnp.concatenate([B2.T, jnp.ones((D, 1), jnp.float32)], axis=1)
    gb16 = jnp.pad(gate_b, (0, 8))
    gm = gamma.reshape(1, D)
    bt = beta.reshape(1, D)

    h, xb, s2 = pl.pallas_call(
        functools.partial(_pass1_kernel, inv_s=1.0 / S),
        grid=(B, ns),
        in_specs=[
            pl.BlockSpec((1, s_blk, D), lambda b, s: (b, s, 0)),
            pl.BlockSpec((D, _E * _R + 1), lambda b, s: (0, 0)),
        ],
        out_specs=[
            pl.BlockSpec((1, 1, D), lambda b, s: (b, 0, 0)),
            pl.BlockSpec((1, s_blk, _E * _R + 1), lambda b, s: (b, s, 0)),
            pl.BlockSpec((1, s_blk, 1), lambda b, s: (b, s, 0)),
        ],
        out_shape=[
            jax.ShapeDtypeStruct((B, 1, D), jnp.float32),
            jax.ShapeDtypeStruct((B, S, _E * _R + 1), jnp.float32),
            jax.ShapeDtypeStruct((B, S, 1), jnp.float32),
        ],
    )(x, w65)

    delta, wt, st = _sc_router(h.reshape(B, D), gate_W, gb16, A2, B2)

    out = pl.pallas_call(
        _pass2_kernel,
        grid=(B, ns),
        in_specs=[
            pl.BlockSpec((1, s_blk, D), lambda b, s: (b, s, 0)),
            pl.BlockSpec((1, s_blk, _E * _R + 1), lambda b, s: (b, s, 0)),
            pl.BlockSpec((1, s_blk, 1), lambda b, s: (b, s, 0)),
            pl.BlockSpec((1, 1, D), lambda b, s: (b, 0, 0)),
            pl.BlockSpec((1, 1, 64), lambda b, s: (b, 0, 0)),
            pl.BlockSpec((1, 1, 16), lambda b, s: (b, 0, 0)),
            pl.BlockSpec((1, D), lambda b, s: (0, 0)),
            pl.BlockSpec((1, D), lambda b, s: (0, 0)),
        ],
        out_specs=pl.BlockSpec((1, s_blk, D), lambda b, s: (b, s, 0)),
        out_shape=jax.ShapeDtypeStruct((B, S, D), jnp.float32),
    )(x, xb, s2, delta.reshape(B, 1, D), wt.reshape(B, 1, 64),
      st.reshape(B, 1, 16), gm, bt)
    return out

# --- scband reference (transcript-rebuilt; emitter-appended) ---
"""Pipeline reference for scband-mo-lelayer-57690000720299 (READ-ONLY COPY).

The authoritative reference and input builder live on the scoring server;
editing this copy changes nothing except your own understanding.
"""

import jax, jax.numpy as jnp
import numpy as np

D_MODEL = 2048
N_EXPERTS = 8
RANK = 8
TOP_K = 2
ALPHA = 1.0 / RANK


def setup_inputs(seed: int = 0) -> dict:
    key = jax.random.key(seed)
    ks = [jax.random.fold_in(key, i) for i in range(8)]
    x = jax.random.normal(ks[0], (4, 2048, D_MODEL), dtype=jnp.float32)
    gate_W = jax.random.normal(ks[1], (N_EXPERTS, D_MODEL), dtype=jnp.float32) * 0.02
    gate_b = jnp.zeros((N_EXPERTS,), dtype=jnp.float32)
    # stacked LoRA expert weights: A: [E, rank, d], B: [E, d, rank]
    A_all = jax.random.normal(ks[2], (N_EXPERTS, RANK, D_MODEL), dtype=jnp.float32) * 0.02
    B_all = jax.random.normal(ks[3], (N_EXPERTS, D_MODEL, RANK), dtype=jnp.float32) * 0.02
    gamma = jnp.ones((D_MODEL,), dtype=jnp.float32)
    beta = jnp.zeros((D_MODEL,), dtype=jnp.float32)
    return {"x": x, "gate_W": gate_W, "gate_b": gate_b, "A_all": A_all, "B_all": B_all, "gamma": gamma, "beta": beta}


def reference(x, gate_W, gate_b, A_all, B_all, gamma, beta):
    # h_mean = x.mean(dim=1)
    h = jnp.mean(x, axis=1)  # [B, d]
    # router: logits = gate(h); top-k; softmax over top-k logits
    logits = h @ gate_W.T + gate_b  # [B, E]
    top_vals, top_idx = jax.lax.top_k(logits, TOP_K)  # [B, k]
    w = jax.nn.softmax(top_vals, axis=-1)  # [B, k]
    # sparse LoRA delta: for each top-k slot, gather expert A/B and apply
    delta = jnp.zeros_like(h)
    for i in range(TOP_K):
        eidx = top_idx[:, i]  # [B]
        Ai = jnp.take(A_all, eidx, axis=0)  # [B, rank, d]
        Bi = jnp.take(B_all, eidx, axis=0)  # [B, d, rank]
        t = jnp.einsum('brd,bd->br', Ai, h)  # A @ h
        out = jnp.einsum('bdr,br->bd', Bi, t) * ALPHA  # B @ (A @ h) * alpha
        delta = delta + w[:, i:i + 1] * out
    y = x + delta[:, None, :]
    # LayerNorm over last dim, eps=1e-5
    mu = jnp.mean(y, axis=-1, keepdims=True)
    var = jnp.mean((y - mu) ** 2, axis=-1, keepdims=True)
    return (y - mu) / jnp.sqrt(var + 1e-5) * gamma + beta

if __name__ == "__main__":
    import jax
    _d = setup_inputs()
    print(jax.jit(kernel)(*tuple(_d.values())))

</pallas_src>

<mosaic_0001>
#map = affine_map<(d0, d1) -> (0, 0)>
#map1 = affine_map<(d0, d1) -> (0)>
module attributes {stable_mosaic.version = 14 : i64} {
  func.func @_sc_router_kernel(%arg0: i32, %arg1: i32, %arg2: memref<4x2048xf32, #tpu.memory_space<hbm>>, %arg3: memref<8x2048xf32, #tpu.memory_space<hbm>>, %arg4: memref<16xf32, #tpu.memory_space<hbm>>, %arg5: memref<64x2048xf32, #tpu.memory_space<hbm>>, %arg6: memref<64x2048xf32, #tpu.memory_space<hbm>>, %arg7: memref<4x2048xf32, #tpu.memory_space<hbm>>, %arg8: memref<4x64xf32, #tpu.memory_space<hbm>>, %arg9: memref<4x16xf32, #tpu.memory_space<hbm>>, %arg10: memref<2048xf32, #tpu.memory_space<vmem>>, %arg11: memref<2048xf32, #tpu.memory_space<vmem>>, %arg12: memref<16xf32, #tpu.memory_space<vmem>>, %arg13: memref<8x16xf32, #tpu.memory_space<vmem>>, %arg14: memref<16xi32, #tpu.memory_space<vmem>>, %arg15: memref<16x2048xf32, #tpu.memory_space<vmem>>, %arg16: memref<16x2048xf32, #tpu.memory_space<vmem>>, %arg17: memref<2048xf32, #tpu.memory_space<vmem>>, %arg18: memref<64xf32, #tpu.memory_space<vmem>>, %arg19: memref<64xf32, #tpu.memory_space<vmem>>, %arg20: memref<16xf32, #tpu.memory_space<vmem>>, %arg21: memref<16xi32, #tpu.memory_space<vmem>>, %arg22: memref<32x16xf32, #tpu.memory_space<vmem_shared>>, %arg23: memref<32x2048xf32, #tpu.memory_space<vmem_shared>>, %arg24: memref<32x64xf32, #tpu.memory_space<vmem_shared>>, %arg25: memref<!tpu.dma_semaphore, #tpu.memory_space<semaphore_mem>>) attributes {dimension_semantics = [#tpu.dimension_semantics<core_parallel>, #tpu.dimension_semantics<subcore_parallel>], iteration_bounds = array<i64: 2, 16>, scalar_prefetch = 0 : i64, scratch_operands = 16 : i64, tpu.core_type = #tpu.core_type<sc_vector_subcore>, window_params = [{transform_indices = #map}, {transform_indices = #map}, {transform_indices = #map1}, {transform_indices = #map}, {transform_indices = #map}, {transform_indices = #map}, {transform_indices = #map}, {transform_indices = #map}]} {
    %mul3A = arith.constant 2 : i32
    %mul3A_0 = arith.muli %arg1, %mul3A : i32
    %add3A = arith.addi %mul3A_0, %arg0 : i32
    %jit3A = arith.constant 8 : i32
    %div3A = arith.divsi %add3A, %jit3A : i32
    %sign3A = arith.constant 0 : i32
    %sign3A_1 = arith.cmpi sgt, %add3A, %sign3A : i32
    %sign3A_2 = arith.extui %sign3A_1 : i1 to i32
    %sign3A_3 = arith.constant 0 : i32
    %sign3A_4 = arith.cmpi slt, %add3A, %sign3A_3 : i32
    %sign3A_5 = arith.extui %sign3A_4 : i1 to i32
    %sign3A_6 = arith.subi %sign3A_2, %sign3A_5 : i32
    %sign3A_7 = arith.constant 0 : i32
    %sign3A_8 = arith.cmpi sgt, %jit3A, %sign3A_7 : i32
    %sign3A_9 = arith.extui %sign3A_8 : i1 to i32
    %sign3A_10 = arith.constant 0 : i32
    %sign3A_11 = arith.cmpi slt, %jit3A, %sign3A_10 : i32
    %sign3A_12 = arith.extui %sign3A_11 : i1 to i32
    %sign3A_13 = arith.subi %sign3A_9, %sign3A_12 : i32
    %ne3A = arith.cmpi ne, %sign3A_6, %sign3A_13 : i32
    %rem3A = arith.remsi %add3A, %jit3A : i32
    %ne3A_14 = arith.constant 0 : i32
    %ne3A_15 = arith.cmpi ne, %rem3A, %ne3A_14 : i32
    %and3A = arith.andi %ne3A, %ne3A_15 : i1
    %sub3A = arith.constant 1 : i32
    %sub3A_16 = arith.subi %div3A, %sub3A : i32
    %select_n3A = arith.select %and3A, %sub3A_16, %div3A : i32
    %rem3A_17 = arith.constant 8 : i32
    %rem3A_18 = arith.remsi %add3A, %rem3A_17 : i32
    %iota3A = tpu.iota {dimensions = array<i32: 0>} : vector<16xi32>
    "tpu.region"() ({
      %run_scoped3A = tpu.sem_alloc : memref<!tpu.dma_semaphore, #tpu.memory_space<semaphore_mem>>
      %dma_start3A_483 = arith.constant 0 : i32
      %dma_start3A_484 = tpu.memref_slice %arg2[%select_n3A, %dma_start3A_483] : memref<4x2048xf32, #tpu.memory_space<hbm>> -> memref<1x2048xf32, #tpu.memory_space<hbm>>
      %dma_start3A_485 = tpu.memref_squeeze %dma_start3A_484 : memref<1x2048xf32, #tpu.memory_space<hbm>> -> memref<2048xf32, #tpu.memory_space<hbm>>
      %dma_start3A_486 = arith.constant 0 : i32
      %dma_start3A_487 = tpu.memref_slice %arg2[%select_n3A, %dma_start3A_486] : memref<4x2048xf32, #tpu.memory_space<hbm>> -> memref<1x2048xf32, #tpu.memory_space<hbm>>
      %dma_start3A_488 = tpu.memref_squeeze %dma_start3A_487 : memref<1x2048xf32, #tpu.memory_space<hbm>> -> memref<2048xf32, #tpu.memory_space<hbm>>
      tpu.enqueue_dma source(%dma_start3A_488 : memref<2048xf32, #tpu.memory_space<hbm>>) target(%arg10 : memref<2048xf32, #tpu.memory_space<vmem>>) target_semaphore(%run_scoped3A : memref<!tpu.dma_semaphore, #tpu.memory_space<semaphore_mem>>)
      %dma_wait3A_489 = arith.constant 0 : i32
      %dma_wait3A_490 = tpu.memref_slice %arg2[%select_n3A, %dma_wait3A_489] : memref<4x2048xf32, #tpu.memory_space<hbm>> -> memref<1x2048xf32, #tpu.memory_space<hbm>>
      %dma_wait3A_491 = tpu.memref_squeeze %dma_wait3A_490 : memref<1x2048xf32, #tpu.memory_space<hbm>> -> memref<2048xf32, #tpu.memory_space<hbm>>
      %dma_wait3A_492 = arith.constant 0 : i32
      %dma_wait3A_493 = tpu.memref_slice %arg2[%select_n3A, %dma_wait3A_492] : memref<4x2048xf32, #tpu.memory_space<hbm>> -> memref<1x2048xf32, #tpu.memory_space<hbm>>
      %dma_wait3A_494 = tpu.memref_squeeze %dma_wait3A_493 : memref<1x2048xf32, #tpu.memory_space<hbm>> -> memref<2048xf32, #tpu.memory_space<hbm>>
      tpu.wait_dma2 semaphore(%run_scoped3A : memref<!tpu.dma_semaphore, #tpu.memory_space<semaphore_mem>>) src(%dma_wait3A_494 : memref<2048xf32, #tpu.memory_space<hbm>>) dst(%arg10 : memref<2048xf32, #tpu.memory_space<vmem>>)
      tpu.yield
    }) : () -> ()
    "tpu.region"() ({
      %run_scoped3A = tpu.sem_alloc : memref<!tpu.dma_semaphore, #tpu.memory_space<semaphore_mem>>
      %dma_start3A_483 = arith.constant 0 : i32
      %dma_start3A_484 = tpu.memref_slice %arg3[%rem3A_18, %dma_start3A_483] : memref<8x2048xf32, #tpu.memory_space<hbm>> -> memref<1x2048xf32, #tpu.memory_space<hbm>>
      %dma_start3A_485 = tpu.memref_squeeze %dma_start3A_484 : memref<1x2048xf32, #tpu.memory_space<hbm>> -> memref<2048xf32, #tpu.memory_space<hbm>>
      %dma_start3A_486 = arith.constant 0 : i32
      %dma_start3A_487 = tpu.memref_slice %arg3[%rem3A_18, %dma_start3A_486] : memref<8x2048xf32, #tpu.memory_space<hbm>> -> memref<1x2048xf32, #tpu.memory_space<hbm>>
      %dma_start3A_488 = tpu.memref_squeeze %dma_start3A_487 : memref<1x2048xf32, #tpu.memory_space<hbm>> -> memref<2048xf32, #tpu.memory_space<hbm>>
      tpu.enqueue_dma source(%dma_start3A_488 : memref<2048xf32, #tpu.memory_space<hbm>>) target(%arg11 : memref<2048xf32, #tpu.memory_space<vmem>>) target_semaphore(%run_scoped3A : memref<!tpu.dma_semaphore, #tpu.memory_space<semaphore_mem>>)
      %dma_wait3A_489 = arith.constant 0 : i32
      %dma_wait3A_490 = tpu.memref_slice %arg3[%rem3A_18, %dma_wait3A_489] : memref<8x2048xf32, #tpu.memory_space<hbm>> -> memref<1x2048xf32, #tpu.memory_space<hbm>>
      %dma_wait3A_491 = tpu.memref_squeeze %dma_wait3A_490 : memref<1x2048xf32, #tpu.memory_space<hbm>> -> memref<2048xf32, #tpu.memory_space<hbm>>
      %dma_wait3A_492 = arith.constant 0 : i32
      %dma_wait3A_493 = tpu.memref_slice %arg3[%rem3A_18, %dma_wait3A_492] : memref<8x2048xf32, #tpu.memory_space<hbm>> -> memref<1x2048xf32, #tpu.memory_space<hbm>>
      %dma_wait3A_494 = tpu.memref_squeeze %dma_wait3A_493 : memref<1x2048xf32, #tpu.memory_space<hbm>> -> memref<2048xf32, #tpu.memory_space<hbm>>
      tpu.wait_dma2 semaphore(%run_scoped3A : memref<!tpu.dma_semaphore, #tpu.memory_space<semaphore_mem>>) src(%dma_wait3A_494 : memref<2048xf32, #tpu.memory_space<hbm>>) dst(%arg11 : memref<2048xf32, #tpu.memory_space<vmem>>)
      tpu.yield
    }) : () -> ()
    %broadcast_in_dim3A = arith.constant 0.000000e+00 : f32
    %broadcast_in_dim3A_19 = vector.broadcast %broadcast_in_dim3A : f32 to vector<16xf32>
    %scan3A = arith.constant 0 : i32
    %scan3A_20 = arith.constant 128 : i32
    %scan3A_21 = arith.addi %scan3A, %scan3A_20 : i32
    %scan3A_22 = arith.constant 1 : i32
    %scan3A_23 = scf.for %scan3A_483 = %scan3A to %scan3A_21 step %scan3A_22 iter_args(%scan3A_484 = %broadcast_in_dim3A_19) -> (vector<16xf32>)  : i32 {
      %mul3A_485 = arith.constant 16 : i32
      %mul3A_486 = arith.muli %scan3A_483, %mul3A_485 : i32
      %get3A_487 = arith.index_cast %mul3A_486 : i32 to index
      %get3A_488 = tpu.vector_load %arg10[%get3A_487] {strides = array<i32>} : memref<2048xf32, #tpu.memory_space<vmem>>, vector<16xf32>,
      %mul3A_489 = arith.constant 16 : i32
      %mul3A_490 = arith.muli %scan3A_483, %mul3A_489 : i32
      %get3A_491 = arith.index_cast %mul3A_490 : i32 to index
      %get3A_492 = tpu.vector_load %arg11[%get3A_491] {strides = array<i32>} : memref<2048xf32, #tpu.memory_space<vmem>>, vector<16xf32>,
      %mul3A_493 = arith.mulf %get3A_488, %get3A_492 : vector<16xf32>
      %add3A_494 = arith.addf %scan3A_484, %mul3A_493 : vector<16xf32>
      scf.yield %add3A_494 : vector<16xf32>
    }
    %scan3A_24 = arith.constant 128 : i32
    %swap3A = arith.constant 0 : index
    %swap3A_25 = tpu.vector_load %arg20[%swap3A] {strides = array<i32>} : memref<16xf32, #tpu.memory_space<vmem>>, vector<16xf32>,
    tpu.vector_store %arg20[%swap3A], %scan3A_23 {strides = array<i32>} : memref<16xf32, #tpu.memory_space<vmem>>, vector<16xf32>,
    %add3A_26 = arith.constant 8 : i32
    %add3A_27 = vector.broadcast %add3A_26 : i32 to vector<16xi32>
    %add3A_28 = arith.addi %iota3A, %add3A_27 : vector<16xi32>
    %rem3A_29 = arith.constant 16 : i32
    %rem3A_30 = vector.broadcast %rem3A_29 : i32 to vector<16xi32>
    %rem3A_31 = arith.remsi %add3A_28, %rem3A_30 : vector<16xi32>
    %gather3A = tpu.vector_load_idx %arg20[%rem3A_31] : memref<16xf32, #tpu.memory_space<vmem>>[vector<16xi32>], vector<16xf32>,
    %add3A_32 = arith.addf %scan3A_23, %gather3A : vector<16xf32>
    %swap3A_33 = arith.constant 0 : index
    %swap3A_34 = tpu.vector_load %arg20[%swap3A_33] {strides = array<i32>} : memref<16xf32, #tpu.memory_space<vmem>>, vector<16xf32>,
    tpu.vector_store %arg20[%swap3A_33], %add3A_32 {strides = array<i32>} : memref<16xf32, #tpu.memory_space<vmem>>, vector<16xf32>,
    %add3A_35 = arith.constant 4 : i32
    %add3A_36 = vector.broadcast %add3A_35 : i32 to vector<16xi32>
    %add3A_37 = arith.addi %iota3A, %add3A_36 : vector<16xi32>
    %rem3A_38 = arith.constant 16 : i32
    %rem3A_39 = vector.broadcast %rem3A_38 : i32 to vector<16xi32>
    %rem3A_40 = arith.remsi %add3A_37, %rem3A_39 : vector<16xi32>
    %gather3A_41 = tpu.vector_load_idx %arg20[%rem3A_40] : memref<16xf32, #tpu.memory_space<vmem>>[vector<16xi32>], vector<16xf32>,
    %add3A_42 = arith.addf %add3A_32, %gather3A_41 : vector<16xf32>
    %swap3A_43 = arith.constant 0 : index
    %swap3A_44 = tpu.vector_load %arg20[%swap3A_43] {strides = array<i32>} : memref<16xf32, #tpu.memory_space<vmem>>, vector<16xf32>,
    tpu.vector_store %arg20[%swap3A_43], %add3A_42 {strides = array<i32>} : memref<16xf32, #tpu.memory_space<vmem>>, vector<16xf32>,
    %add3A_45 = arith.constant 2 : i32
    %add3A_46 = vector.broadcast %add3A_45 : i32 to vector<16xi32>
    %add3A_47 = arith.addi %iota3A, %add3A_46 : vector<16xi32>
    %rem3A_48 = arith.constant 16 : i32
    %rem3A_49 = vector.broadcast %rem3A_48 : i32 to vector<16xi32>
    %rem3A_50 = arith.remsi %add3A_47, %rem3A_49 : vector<16xi32>
    %gather3A_51 = tpu.vector_load_idx %arg20[%rem3A_50] : memref<16xf32, #tpu.memory_space<vmem>>[vector<16xi32>], vector<16xf32>,
    %add3A_52 = arith.addf %add3A_42, %gather3A_51 : vector<16xf32>
    %swap3A_53 = arith.constant 0 : index
    %swap3A_54 = tpu.vector_load %arg20[%swap3A_53] {strides = array<i32>} : memref<16xf32, #tpu.memory_space<vmem>>, vector<16xf32>,
    tpu.vector_store %arg20[%swap3A_53], %add3A_52 {strides = array<i32>} : memref<16xf32, #tpu.memory_space<vmem>>, vector<16xf32>,
    %add3A_55 = arith.constant 1 : i32
    %add3A_56 = vector.broadcast %add3A_55 : i32 to vector<16xi32>
    %add3A_57 = arith.addi %iota3A, %add3A_56 : vector<16xi32>
    %rem3A_58 = arith.constant 16 : i32
    %rem3A_59 = vector.broadcast %rem3A_58 : i32 to vector<16xi32>
    %rem3A_60 = arith.remsi %add3A_57, %rem3A_59 : vector<16xi32>
    %gather3A_61 = tpu.vector_load_idx %arg20[%rem3A_60] : memref<16xf32, #tpu.memory_space<vmem>>[vector<16xi32>], vector<16xf32>,
    %add3A_62 = arith.addf %add3A_52, %gather3A_61 : vector<16xf32>
    %swap3A_63 = arith.constant 0 : index
    %swap3A_64 = tpu.vector_load %arg12[%swap3A_63] {strides = array<i32>} : memref<16xf32, #tpu.memory_space<vmem>>, vector<16xf32>,
    tpu.vector_store %arg12[%swap3A_63], %add3A_62 {strides = array<i32>} : memref<16xf32, #tpu.memory_space<vmem>>, vector<16xf32>,
    "tpu.region"() ({
      %run_scoped3A = tpu.sem_alloc : memref<!tpu.dma_semaphore, #tpu.memory_space<semaphore_mem>>
      %dma_start3A_483 = arith.constant 0 : i32
      %dma_start3A_484 = tpu.memref_slice %arg22[%add3A, %dma_start3A_483] : memref<32x16xf32, #tpu.memory_space<vmem_shared>> -> memref<1x16xf32, #tpu.memory_space<vmem_shared>>
      %dma_start3A_485 = tpu.memref_squeeze %dma_start3A_484 : memref<1x16xf32, #tpu.memory_space<vmem_shared>> -> memref<16xf32, #tpu.memory_space<vmem_shared>>
      %dma_start3A_486 = arith.constant 0 : i32
      %dma_start3A_487 = tpu.memref_slice %arg22[%add3A, %dma_start3A_486] : memref<32x16xf32, #tpu.memory_space<vmem_shared>> -> memref<1x16xf32, #tpu.memory_space<vmem_shared>>
      %dma_start3A_488 = tpu.memref_squeeze %dma_start3A_487 : memref<1x16xf32, #tpu.memory_space<vmem_shared>> -> memref<16xf32, #tpu.memory_space<vmem_shared>>
      tpu.enqueue_dma source(%arg12 : memref<16xf32, #tpu.memory_space<vmem>>) target(%dma_start3A_488 : memref<16xf32, #tpu.memory_space<vmem_shared>>) target_semaphore(%run_scoped3A : memref<!tpu.dma_semaphore, #tpu.memory_space<semaphore_mem>>)
      %dma_wait3A_489 = arith.constant 0 : i32
      %dma_wait3A_490 = tpu.memref_slice %arg22[%add3A, %dma_wait3A_489] : memref<32x16xf32, #tpu.memory_space<vmem_shared>> -> memref<1x16xf32, #tpu.memory_space<vmem_shared>>
      %dma_wait3A_491 = tpu.memref_squeeze %dma_wait3A_490 : memref<1x16xf32, #tpu.memory_space<vmem_shared>> -> memref<16xf32, #tpu.memory_space<vmem_shared>>
      %dma_wait3A_492 = arith.constant 0 : i32
      %dma_wait3A_493 = tpu.memref_slice %arg22[%add3A, %dma_wait3A_492] : memref<32x16xf32, #tpu.memory_space<vmem_shared>> -> memref<1x16xf32, #tpu.memory_space<vmem_shared>>
      %dma_wait3A_494 = tpu.memref_squeeze %dma_wait3A_493 : memref<1x16xf32, #tpu.memory_space<vmem_shared>> -> memref<16xf32, #tpu.memory_space<vmem_shared>>
      tpu.wait_dma2 semaphore(%run_scoped3A : memref<!tpu.dma_semaphore, #tpu.memory_space<semaphore_mem>>) src(%arg12 : memref<16xf32, #tpu.memory_space<vmem>>) dst(%dma_wait3A_494 : memref<16xf32, #tpu.memory_space<vmem_shared>>)
      tpu.yield
    }) : () -> ()
    %barrier3A = arith.constant 0 : index
    tpu.barrier barrier_id(%barrier3A)
    %mul3A_65 = arith.constant 8 : i32
    %mul3A_66 = arith.muli %select_n3A, %mul3A_65 : i32
    "tpu.region"() ({
      %run_scoped3A = tpu.sem_alloc : memref<!tpu.dma_semaphore, #tpu.memory_space<semaphore_mem>>
      %dma_start3A_483 = arith.constant 0 : i32
      %dma_start3A_484 = tpu.memref_slice %arg22[%mul3A_66, %dma_start3A_483] : memref<32x16xf32, #tpu.memory_space<vmem_shared>> -> memref<8x16xf32, #tpu.memory_space<vmem_shared>>
      %dma_start3A_485 = arith.constant 0 : i32
      %dma_start3A_486 = tpu.memref_slice %arg22[%mul3A_66, %dma_start3A_485] : memref<32x16xf32, #tpu.memory_space<vmem_shared>> -> memref<8x16xf32, #tpu.memory_space<vmem_shared>>
      tpu.enqueue_dma source(%dma_start3A_486 : memref<8x16xf32, #tpu.memory_space<vmem_shared>>) target(%arg13 : memref<8x16xf32, #tpu.memory_space<vmem>>) target_semaphore(%run_scoped3A : memref<!tpu.dma_semaphore, #tpu.memory_space<semaphore_mem>>)
      %dma_wait3A_487 = arith.constant 0 : i32
      %dma_wait3A_488 = tpu.memref_slice %arg22[%mul3A_66, %dma_wait3A_487] : memref<32x16xf32, #tpu.memory_space<vmem_shared>> -> memref<8x16xf32, #tpu.memory_space<vmem_shared>>
      %dma_wait3A_489 = arith.constant 0 : i32
      %dma_wait3A_490 = tpu.memref_slice %arg22[%mul3A_66, %dma_wait3A_489] : memref<32x16xf32, #tpu.memory_space<vmem_shared>> -> memref<8x16xf32, #tpu.memory_space<vmem_shared>>
      tpu.wait_dma2 semaphore(%run_scoped3A : memref<!tpu.dma_semaphore, #tpu.memory_space<semaphore_mem>>) src(%dma_wait3A_490 : memref<8x16xf32, #tpu.memory_space<vmem_shared>>) dst(%arg13 : memref<8x16xf32, #tpu.memory_space<vmem>>)
      tpu.yield
    }) : () -> ()
    %min3A = arith.constant 7 : i32
    %min3A_67 = vector.broadcast %min3A : i32 to vector<16xi32>
    %min3A_68 = arith.minsi %iota3A, %min3A_67 : vector<16xi32>
    %gather3A_69 = tpu.vector_load_idx %arg13[%min3A_68, %iota3A] : memref<8x16xf32, #tpu.memory_space<vmem>>[vector<16xi32>, vector<16xi32>], vector<16xf32>,
    "tpu.region"() ({
      %run_scoped3A = tpu.sem_alloc : memref<!tpu.dma_semaphore, #tpu.memory_space<semaphore_mem>>
      tpu.enqueue_dma source(%arg4 : memref<16xf32, #tpu.memory_space<hbm>>) target(%arg12 : memref<16xf32, #tpu.memory_space<vmem>>) target_semaphore(%run_scoped3A : memref<!tpu.dma_semaphore, #tpu.memory_space<semaphore_mem>>)
      tpu.wait_dma2 semaphore(%run_scoped3A : memref<!tpu.dma_semaphore, #tpu.memory_space<semaphore_mem>>) src(%arg4 : memref<16xf32, #tpu.memory_space<hbm>>) dst(%arg12 : memref<16xf32, #tpu.memory_space<vmem>>)
      tpu.yield
    }) : () -> ()
    %lt3A = arith.constant 8 : i32
    %lt3A_70 = vector.broadcast %lt3A : i32 to vector<16xi32>
    %lt3A_71 = arith.cmpi slt, %iota3A, %lt3A_70 : vector<16xi32>
    %get3A = arith.constant 0 : index
    %get3A_72 = tpu.vector_load %arg12[%get3A] {strides = array<i32>} : memref<16xf32, #tpu.memory_space<vmem>>, vector<16xf32>,
    %add3A_73 = arith.addf %gather3A_69, %get3A_72 : vector<16xf32>
    %jit3A_74 = arith.constant -3.000000e+38 : f32
    %broadcast_in_dim3A_75 = vector.broadcast %jit3A_74 : f32 to vector<16xf32>
    %select_n3A_76 = arith.select %lt3A_71, %add3A_73, %broadcast_in_dim3A_75 : vector<16xi1>, vector<16xf32>
    %swap3A_77 = arith.constant 0 : index
    %swap3A_78 = tpu.vector_load %arg20[%swap3A_77] {strides = array<i32>} : memref<16xf32, #tpu.memory_space<vmem>>, vector<16xf32>,
    tpu.vector_store %arg20[%swap3A_77], %select_n3A_76 {strides = array<i32>} : memref<16xf32, #tpu.memory_space<vmem>>, vector<16xf32>,
    %add3A_79 = arith.constant 8 : i32
    %add3A_80 = vector.broadcast %add3A_79 : i32 to vector<16xi32>
    %add3A_81 = arith.addi %iota3A, %add3A_80 : vector<16xi32>
    %rem3A_82 = arith.constant 16 : i32
    %rem3A_83 = vector.broadcast %rem3A_82 : i32 to vector<16xi32>
    %rem3A_84 = arith.remsi %add3A_81, %rem3A_83 : vector<16xi32>
    %gather3A_85 = tpu.vector_load_idx %arg20[%rem3A_84] : memref<16xf32, #tpu.memory_space<vmem>>[vector<16xi32>], vector<16xf32>,
    %max3A = arith.maximumf %select_n3A_76, %gather3A_85 : vector<16xf32>
    %swap3A_86 = arith.constant 0 : index
    %swap3A_87 = tpu.vector_load %arg20[%swap3A_86] {strides = array<i32>} : memref<16xf32, #tpu.memory_space<vmem>>, vector<16xf32>,
    tpu.vector_store %arg20[%swap3A_86], %max3A {strides = array<i32>} : memref<16xf32, #tpu.memory_space<vmem>>, vector<16xf32>,
    %add3A_88 = arith.constant 4 : i32
    %add3A_89 = vector.broadcast %add3A_88 : i32 to vector<16xi32>
    %add3A_90 = arith.addi %iota3A, %add3A_89 : vector<16xi32>
    %rem3A_91 = arith.constant 16 : i32
    %rem3A_92 = vector.broadcast %rem3A_91 : i32 to vector<16xi32>
    %rem3A_93 = arith.remsi %add3A_90, %rem3A_92 : vector<16xi32>
    %gather3A_94 = tpu.vector_load_idx %arg20[%rem3A_93] : memref<16xf32, #tpu.memory_space<vmem>>[vector<16xi32>], vector<16xf32>,
    %max3A_95 = arith.maximumf %max3A, %gather3A_94 : vector<16xf32>
    %swap3A_96 = arith.constant 0 : index
    %swap3A_97 = tpu.vector_load %arg20[%swap3A_96] {strides = array<i32>} : memref<16xf32, #tpu.memory_space<vmem>>, vector<16xf32>,
    tpu.vector_store %arg20[%swap3A_96], %max3A_95 {strides = array<i32>} : memref<16xf32, #tpu.memory_space<vmem>>, vector<16xf32>,
    %add3A_98 = arith.constant 2 : i32
    %add3A_99 = vector.broadcast %add3A_98 : i32 to vector<16xi32>
    %add3A_100 = arith.addi %iota3A, %add3A_99 : vector<16xi32>
    %rem3A_101 = arith.constant 16 : i32
    %rem3A_102 = vector.broadcast %rem3A_101 : i32 to vector<16xi32>
    %rem3A_103 = arith.remsi %add3A_100, %rem3A_102 : vector<16xi32>
    %gather3A_104 = tpu.vector_load_idx %arg20[%rem3A_103] : memref<16xf32, #tpu.memory_space<vmem>>[vector<16xi32>], vector<16xf32>,
    %max3A_105 = arith.maximumf %max3A_95, %gather3A_104 : vector<16xf32>
    %swap3A_106 = arith.constant 0 : index
    %swap3A_107 = tpu.vector_load %arg20[%swap3A_106] {strides = array<i32>} : memref<16xf32, #tpu.memory_space<vmem>>, vector<16xf32>,
    tpu.vector_store %arg20[%swap3A_106], %max3A_105 {strides = array<i32>} : memref<16xf32, #tpu.memory_space<vmem>>, vector<16xf32>,
    %add3A_108 = arith.constant 1 : i32
    %add3A_109 = vector.broadcast %add3A_108 : i32 to vector<16xi32>
    %add3A_110 = arith.addi %iota3A, %add3A_109 : vector<16xi32>
    %rem3A_111 = arith.constant 16 : i32
    %rem3A_112 = vector.broadcast %rem3A_111 : i32 to vector<16xi32>
    %rem3A_113 = arith.remsi %add3A_110, %rem3A_112 : vector<16xi32>
    %gather3A_114 = tpu.vector_load_idx %arg20[%rem3A_113] : memref<16xf32, #tpu.memory_space<vmem>>[vector<16xi32>], vector<16xf32>,
    %max3A_115 = arith.maximumf %max3A_105, %gather3A_114 : vector<16xf32>
    %eq3A = arith.cmpf oeq, %select_n3A_76, %max3A_115 : vector<16xf32>
    %jit3A_116 = arith.constant 99 : i32
    %broadcast_in_dim3A_117 = vector.broadcast %jit3A_116 : i32 to vector<16xi32>
    %select_n3A_118 = arith.select %eq3A, %iota3A, %broadcast_in_dim3A_117 : vector<16xi1>, vector<16xi32>
    %swap3A_119 = arith.constant 0 : index
    %swap3A_120 = tpu.vector_load %arg21[%swap3A_119] {strides = array<i32>} : memref<16xi32, #tpu.memory_space<vmem>>, vector<16xi32>,
    tpu.vector_store %arg21[%swap3A_119], %select_n3A_118 {strides = array<i32>} : memref<16xi32, #tpu.memory_space<vmem>>, vector<16xi32>,
    %add3A_121 = arith.constant 8 : i32
    %add3A_122 = vector.broadcast %add3A_121 : i32 to vector<16xi32>
    %add3A_123 = arith.addi %iota3A, %add3A_122 : vector<16xi32>
    %rem3A_124 = arith.constant 16 : i32
    %rem3A_125 = vector.broadcast %rem3A_124 : i32 to vector<16xi32>
    %rem3A_126 = arith.remsi %add3A_123, %rem3A_125 : vector<16xi32>
    %gather3A_127 = tpu.vector_load_idx %arg21[%rem3A_126] : memref<16xi32, #tpu.memory_space<vmem>>[vector<16xi32>], vector<16xi32>,
    %min3A_128 = arith.minsi %select_n3A_118, %gather3A_127 : vector<16xi32>
    %swap3A_129 = arith.constant 0 : index
    %swap3A_130 = tpu.vector_load %arg21[%swap3A_129] {strides = array<i32>} : memref<16xi32, #tpu.memory_space<vmem>>, vector<16xi32>,
    tpu.vector_store %arg21[%swap3A_129], %min3A_128 {strides = array<i32>} : memref<16xi32, #tpu.memory_space<vmem>>, vector<16xi32>,
    %add3A_131 = arith.constant 4 : i32
    %add3A_132 = vector.broadcast %add3A_131 : i32 to vector<16xi32>
    %add3A_133 = arith.addi %iota3A, %add3A_132 : vector<16xi32>
    %rem3A_134 = arith.constant 16 : i32
    %rem3A_135 = vector.broadcast %rem3A_134 : i32 to vector<16xi32>
    %rem3A_136 = arith.remsi %add3A_133, %rem3A_135 : vector<16xi32>
    %gather3A_137 = tpu.vector_load_idx %arg21[%rem3A_136] : memref<16xi32, #tpu.memory_space<vmem>>[vector<16xi32>], vector<16xi32>,
    %min3A_138 = arith.minsi %min3A_128, %gather3A_137 : vector<16xi32>
    %swap3A_139 = arith.constant 0 : index
    %swap3A_140 = tpu.vector_load %arg21[%swap3A_139] {strides = array<i32>} : memref<16xi32, #tpu.memory_space<vmem>>, vector<16xi32>,
    tpu.vector_store %arg21[%swap3A_139], %min3A_138 {strides = array<i32>} : memref<16xi32, #tpu.memory_space<vmem>>, vector<16xi32>,
    %add3A_141 = arith.constant 2 : i32
    %add3A_142 = vector.broadcast %add3A_141 : i32 to vector<16xi32>
    %add3A_143 = arith.addi %iota3A, %add3A_142 : vector<16xi32>
    %rem3A_144 = arith.constant 16 : i32
    %rem3A_145 = vector.broadcast %rem3A_144 : i32 to vector<16xi32>
    %rem3A_146 = arith.remsi %add3A_143, %rem3A_145 : vector<16xi32>
    %gather3A_147 = tpu.vector_load_idx %arg21[%rem3A_146] : memref<16xi32, #tpu.memory_space<vmem>>[vector<16xi32>], vector<16xi32>,
    %min3A_148 = arith.minsi %min3A_138, %gather3A_147 : vector<16xi32>
    %swap3A_149 = arith.constant 0 : index
    %swap3A_150 = tpu.vector_load %arg21[%swap3A_149] {strides = array<i32>} : memref<16xi32, #tpu.memory_space<vmem>>, vector<16xi32>,
    tpu.vector_store %arg21[%swap3A_149], %min3A_148 {strides = array<i32>} : memref<16xi32, #tpu.memory_space<vmem>>, vector<16xi32>,
    %add3A_151 = arith.constant 1 : i32
    %add3A_152 = vector.broadcast %add3A_151 : i32 to vector<16xi32>
    %add3A_153 = arith.addi %iota3A, %add3A_152 : vector<16xi32>
    %rem3A_154 = arith.constant 16 : i32
    %rem3A_155 = vector.broadcast %rem3A_154 : i32 to vector<16xi32>
    %rem3A_156 = arith.remsi %add3A_153, %rem3A_155 : vector<16xi32>
    %gather3A_157 = tpu.vector_load_idx %arg21[%rem3A_156] : memref<16xi32, #tpu.memory_space<vmem>>[vector<16xi32>], vector<16xi32>,
    %min3A_158 = arith.minsi %min3A_148, %gather3A_157 : vector<16xi32>
    %eq3A_159 = arith.cmpi eq, %iota3A, %min3A_158 : vector<16xi32>
    %jit3A_160 = arith.constant -3.000000e+38 : f32
    %broadcast_in_dim3A_161 = vector.broadcast %jit3A_160 : f32 to vector<16xf32>
    %select_n3A_162 = arith.select %eq3A_159, %broadcast_in_dim3A_161, %select_n3A_76 : vector<16xi1>, vector<16xf32>
    %swap3A_163 = arith.constant 0 : index
    %swap3A_164 = tpu.vector_load %arg20[%swap3A_163] {strides = array<i32>} : memref<16xf32, #tpu.memory_space<vmem>>, vector<16xf32>,
    tpu.vector_store %arg20[%swap3A_163], %select_n3A_162 {strides = array<i32>} : memref<16xf32, #tpu.memory_space<vmem>>, vector<16xf32>,
    %add3A_165 = arith.constant 8 : i32
    %add3A_166 = vector.broadcast %add3A_165 : i32 to vector<16xi32>
    %add3A_167 = arith.addi %iota3A, %add3A_166 : vector<16xi32>
    %rem3A_168 = arith.constant 16 : i32
    %rem3A_169 = vector.broadcast %rem3A_168 : i32 to vector<16xi32>
    %rem3A_170 = arith.remsi %add3A_167, %rem3A_169 : vector<16xi32>
    %gather3A_171 = tpu.vector_load_idx %arg20[%rem3A_170] : memref<16xf32, #tpu.memory_space<vmem>>[vector<16xi32>], vector<16xf32>,
    %max3A_172 = arith.maximumf %select_n3A_162, %gather3A_171 : vector<16xf32>
    %swap3A_173 = arith.constant 0 : index
    %swap3A_174 = tpu.vector_load %arg20[%swap3A_173] {strides = array<i32>} : memref<16xf32, #tpu.memory_space<vmem>>, vector<16xf32>,
    tpu.vector_store %arg20[%swap3A_173], %max3A_172 {strides = array<i32>} : memref<16xf32, #tpu.memory_space<vmem>>, vector<16xf32>,
    %add3A_175 = arith.constant 4 : i32
    %add3A_176 = vector.broadcast %add3A_175 : i32 to vector<16xi32>
    %add3A_177 = arith.addi %iota3A, %add3A_176 : vector<16xi32>
    %rem3A_178 = arith.constant 16 : i32
    %rem3A_179 = vector.broadcast %rem3A_178 : i32 to vector<16xi32>
    %rem3A_180 = arith.remsi %add3A_177, %rem3A_179 : vector<16xi32>
    %gather3A_181 = tpu.vector_load_idx %arg20[%rem3A_180] : memref<16xf32, #tpu.memory_space<vmem>>[vector<16xi32>], vector<16xf32>,
    %max3A_182 = arith.maximumf %max3A_172, %gather3A_181 : vector<16xf32>
    %swap3A_183 = arith.constant 0 : index
    %swap3A_184 = tpu.vector_load %arg20[%swap3A_183] {strides = array<i32>} : memref<16xf32, #tpu.memory_space<vmem>>, vector<16xf32>,
    tpu.vector_store %arg20[%swap3A_183], %max3A_182 {strides = array<i32>} : memref<16xf32, #tpu.memory_space<vmem>>, vector<16xf32>,
    %add3A_185 = arith.constant 2 : i32
    %add3A_186 = vector.broadcast %add3A_185 : i32 to vector<16xi32>
    %add3A_187 = arith.addi %iota3A, %add3A_186 : vector<16xi32>
    %rem3A_188 = arith.constant 16 : i32
    %rem3A_189 = vector.broadcast %rem3A_188 : i32 to vector<16xi32>
    %rem3A_190 = arith.remsi %add3A_187, %rem3A_189 : vector<16xi32>
    %gather3A_191 = tpu.vector_load_idx %arg20[%rem3A_190] : memref<16xf32, #tpu.memory_space<vmem>>[vector<16xi32>], vector<16xf32>,
    %max3A_192 = arith.maximumf %max3A_182, %gather3A_191 : vector<16xf32>
    %swap3A_193 = arith.constant 0 : index
    %swap3A_194 = tpu.vector_load %arg20[%swap3A_193] {strides = array<i32>} : memref<16xf32, #tpu.memory_space<vmem>>, vector<16xf32>,
    tpu.vector_store %arg20[%swap3A_193], %max3A_192 {strides = array<i32>} : memref<16xf32, #tpu.memory_space<vmem>>, vector<16xf32>,
    %add3A_195 = arith.constant 1 : i32
    %add3A_196 = vector.broadcast %add3A_195 : i32 to vector<16xi32>
    %add3A_197 = arith.addi %iota3A, %add3A_196 : vector<16xi32>
    %rem3A_198 = arith.constant 16 : i32
    %rem3A_199 = vector.broadcast %rem3A_198 : i32 to vector<16xi32>
    %rem3A_200 = arith.remsi %add3A_197, %rem3A_199 : vector<16xi32>
    %gather3A_201 = tpu.vector_load_idx %arg20[%rem3A_200] : memref<16xf32, #tpu.memory_space<vmem>>[vector<16xi32>], vector<16xf32>,
    %max3A_202 = arith.maximumf %max3A_192, %gather3A_201 : vector<16xf32>
    %eq3A_203 = arith.cmpf oeq, %select_n3A_162, %max3A_202 : vector<16xf32>
    %jit3A_204 = arith.constant 99 : i32
    %broadcast_in_dim3A_205 = vector.broadcast %jit3A_204 : i32 to vector<16xi32>
    %select_n3A_206 = arith.select %eq3A_203, %iota3A, %broadcast_in_dim3A_205 : vector<16xi1>, vector<16xi32>
    %swap3A_207 = arith.constant 0 : index
    %swap3A_208 = tpu.vector_load %arg21[%swap3A_207] {strides = array<i32>} : memref<16xi32, #tpu.memory_space<vmem>>, vector<16xi32>,
    tpu.vector_store %arg21[%swap3A_207], %select_n3A_206 {strides = array<i32>} : memref<16xi32, #tpu.memory_space<vmem>>, vector<16xi32>,
    %add3A_209 = arith.constant 8 : i32
    %add3A_210 = vector.broadcast %add3A_209 : i32 to vector<16xi32>
    %add3A_211 = arith.addi %iota3A, %add3A_210 : vector<16xi32>
    %rem3A_212 = arith.constant 16 : i32
    %rem3A_213 = vector.broadcast %rem3A_212 : i32 to vector<16xi32>
    %rem3A_214 = arith.remsi %add3A_211, %rem3A_213 : vector<16xi32>
    %gather3A_215 = tpu.vector_load_idx %arg21[%rem3A_214] : memref<16xi32, #tpu.memory_space<vmem>>[vector<16xi32>], vector<16xi32>,
    %min3A_216 = arith.minsi %select_n3A_206, %gather3A_215 : vector<16xi32>
    %swap3A_217 = arith.constant 0 : index
    %swap3A_218 = tpu.vector_load %arg21[%swap3A_217] {strides = array<i32>} : memref<16xi32, #tpu.memory_space<vmem>>, vector<16xi32>,
    tpu.vector_store %arg21[%swap3A_217], %min3A_216 {strides = array<i32>} : memref<16xi32, #tpu.memory_space<vmem>>, vector<16xi32>,
    %add3A_219 = arith.constant 4 : i32
    %add3A_220 = vector.broadcast %add3A_219 : i32 to vector<16xi32>
    %add3A_221 = arith.addi %iota3A, %add3A_220 : vector<16xi32>
    %rem3A_222 = arith.constant 16 : i32
    %rem3A_223 = vector.broadcast %rem3A_222 : i32 to vector<16xi32>
    %rem3A_224 = arith.remsi %add3A_221, %rem3A_223 : vector<16xi32>
    %gather3A_225 = tpu.vector_load_idx %arg21[%rem3A_224] : memref<16xi32, #tpu.memory_space<vmem>>[vector<16xi32>], vector<16xi32>,
    %min3A_226 = arith.minsi %min3A_216, %gather3A_225 : vector<16xi32>
    %swap3A_227 = arith.constant 0 : index
    %swap3A_228 = tpu.vector_load %arg21[%swap3A_227] {strides = array<i32>} : memref<16xi32, #tpu.memory_space<vmem>>, vector<16xi32>,
    tpu.vector_store %arg21[%swap3A_227], %min3A_226 {strides = array<i32>} : memref<16xi32, #tpu.memory_space<vmem>>, vector<16xi32>,
    %add3A_229 = arith.constant 2 : i32
    %add3A_230 = vector.broadcast %add3A_229 : i32 to vector<16xi32>
    %add3A_231 = arith.addi %iota3A, %add3A_230 : vector<16xi32>
    %rem3A_232 = arith.constant 16 : i32
    %rem3A_233 = vector.broadcast %rem3A_232 : i32 to vector<16xi32>
    %rem3A_234 = arith.remsi %add3A_231, %rem3A_233 : vector<16xi32>
    %gather3A_235 = tpu.vector_load_idx %arg21[%rem3A_234] : memref<16xi32, #tpu.memory_space<vmem>>[vector<16xi32>], vector<16xi32>,
    %min3A_236 = arith.minsi %min3A_226, %gather3A_235 : vector<16xi32>
    %swap3A_237 = arith.constant 0 : index
    %swap3A_238 = tpu.vector_load %arg21[%swap3A_237] {strides = array<i32>} : memref<16xi32, #tpu.memory_space<vmem>>, vector<16xi32>,
    tpu.vector_store %arg21[%swap3A_237], %min3A_236 {strides = array<i32>} : memref<16xi32, #tpu.memory_space<vmem>>, vector<16xi32>,
    %add3A_239 = arith.constant 1 : i32
    %add3A_240 = vector.broadcast %add3A_239 : i32 to vector<16xi32>
    %add3A_241 = arith.addi %iota3A, %add3A_240 : vector<16xi32>
    %rem3A_242 = arith.constant 16 : i32
    %rem3A_243 = vector.broadcast %rem3A_242 : i32 to vector<16xi32>
    %rem3A_244 = arith.remsi %add3A_241, %rem3A_243 : vector<16xi32>
    %gather3A_245 = tpu.vector_load_idx %arg21[%rem3A_244] : memref<16xi32, #tpu.memory_space<vmem>>[vector<16xi32>], vector<16xi32>,
    %min3A_246 = arith.minsi %min3A_236, %gather3A_245 : vector<16xi32>
    %sub3A_247 = arith.subf %max3A_202, %max3A_115 : vector<16xf32>
    %exp3A = math.exp %sub3A_247 : vector<16xf32>
    %add3A_248 = arith.constant 1.000000e+00 : f32
    %add3A_249 = vector.broadcast %add3A_248 : f32 to vector<16xf32>
    %add3A_250 = arith.addf %add3A_249, %exp3A : vector<16xf32>
    %div3A_251 = arith.constant 1.000000e+00 : f32
    %div3A_252 = vector.broadcast %div3A_251 : f32 to vector<16xf32>
    %div3A_253 = arith.divf %div3A_252, %add3A_250 : vector<16xf32>
    %sub3A_254 = arith.constant 1.000000e+00 : f32
    %sub3A_255 = vector.broadcast %sub3A_254 : f32 to vector<16xf32>
    %sub3A_256 = arith.subf %sub3A_255, %div3A_253 : vector<16xf32>
    %lt3A_257 = arith.constant 8 : i32
    %lt3A_258 = vector.broadcast %lt3A_257 : i32 to vector<16xi32>
    %lt3A_259 = arith.cmpi slt, %iota3A, %lt3A_258 : vector<16xi32>
    %mul3A_260 = arith.constant 8 : i32
    %mul3A_261 = vector.broadcast %mul3A_260 : i32 to vector<16xi32>
    %mul3A_262 = arith.muli %min3A_158, %mul3A_261 : vector<16xi32>
    %add3A_263 = arith.addi %mul3A_262, %iota3A : vector<16xi32>
    %mul3A_264 = arith.constant 8 : i32
    %mul3A_265 = vector.broadcast %mul3A_264 : i32 to vector<16xi32>
    %mul3A_266 = arith.muli %min3A_246, %mul3A_265 : vector<16xi32>
    %add3A_267 = arith.addi %mul3A_266, %iota3A : vector<16xi32>
    %sub3A_268 = arith.constant 8 : i32
    %sub3A_269 = vector.broadcast %sub3A_268 : i32 to vector<16xi32>
    %sub3A_270 = arith.subi %add3A_267, %sub3A_269 : vector<16xi32>
    %select_n3A_271 = arith.select %lt3A_259, %add3A_263, %sub3A_270 : vector<16xi1>, vector<16xi32>
    %swap3A_272 = arith.constant 0 : index
    %swap3A_273 = tpu.vector_load %arg14[%swap3A_272] {strides = array<i32>} : memref<16xi32, #tpu.memory_space<vmem>>, vector<16xi32>,
    tpu.vector_store %arg14[%swap3A_272], %select_n3A_271 {strides = array<i32>} : memref<16xi32, #tpu.memory_space<vmem>>, vector<16xi32>,
    %dma_start3A = arith.constant 0 : i32
    %dma_start3A_274 = arith.constant 0 : i32
    %dma_start3A_275 = tpu.memref_slice %arg5[%dma_start3A, %dma_start3A_274] : memref<64x2048xf32, #tpu.memory_space<hbm>> -> memref<64x2048xf32, #tpu.memory_space<hbm>>
    tpu.enqueue_indirect_dma source(%dma_start3A_275 : memref<64x2048xf32, #tpu.memory_space<hbm>>) target(%arg15 : memref<16x2048xf32, #tpu.memory_space<vmem>>) offsets(%arg14 : memref<16xi32, #tpu.memory_space<vmem>>) semaphore(%arg25 : memref<!tpu.dma_semaphore, #tpu.memory_space<semaphore_mem>>)
    %dma_wait3A = arith.constant 0 : i32
    %dma_wait3A_276 = arith.constant 0 : i32
    %dma_wait3A_277 = tpu.memref_slice %arg5[%dma_wait3A, %dma_wait3A_276] : memref<64x2048xf32, #tpu.memory_space<hbm>> -> memref<64x2048xf32, #tpu.memory_space<hbm>>
    tpu.wait_indirect_dma semaphore(%arg25 : memref<!tpu.dma_semaphore, #tpu.memory_space<semaphore_mem>>) src(%dma_wait3A_277 : memref<64x2048xf32, #tpu.memory_space<hbm>>) dst(%arg15 : memref<16x2048xf32, #tpu.memory_space<vmem>>)
    %dma_start3A_278 = arith.constant 0 : i32
    %dma_start3A_279 = arith.constant 0 : i32
    %dma_start3A_280 = tpu.memref_slice %arg6[%dma_start3A_278, %dma_start3A_279] : memref<64x2048xf32, #tpu.memory_space<hbm>> -> memref<64x2048xf32, #tpu.memory_space<hbm>>
    tpu.enqueue_indirect_dma source(%dma_start3A_280 : memref<64x2048xf32, #tpu.memory_space<hbm>>) target(%arg16 : memref<16x2048xf32, #tpu.memory_space<vmem>>) offsets(%arg14 : memref<16xi32, #tpu.memory_space<vmem>>) semaphore(%arg25 : memref<!tpu.dma_semaphore, #tpu.memory_space<semaphore_mem>>)
    %dma_wait3A_281 = arith.constant 0 : i32
    %dma_wait3A_282 = arith.constant 0 : i32
    %dma_wait3A_283 = tpu.memref_slice %arg6[%dma_wait3A_281, %dma_wait3A_282] : memref<64x2048xf32, #tpu.memory_space<hbm>> -> memref<64x2048xf32, #tpu.memory_space<hbm>>
    tpu.wait_indirect_dma semaphore(%arg25 : memref<!tpu.dma_semaphore, #tpu.memory_space<semaphore_mem>>) src(%dma_wait3A_283 : memref<64x2048xf32, #tpu.memory_space<hbm>>) dst(%arg16 : memref<16x2048xf32, #tpu.memory_space<vmem>>)
    %mul3A_284 = arith.constant 2 : i32
    %mul3A_285 = arith.muli %mul3A_284, %rem3A_18 : i32
    %mul3A_286 = arith.constant 2 : i32
    %mul3A_287 = arith.muli %mul3A_286, %rem3A_18 : i32
    %add3A_288 = arith.constant 1 : i32
    %add3A_289 = arith.addi %mul3A_287, %add3A_288 : i32
    %broadcast_in_dim3A_290 = arith.constant 0.000000e+00 : f32
    %broadcast_in_dim3A_291 = vector.broadcast %broadcast_in_dim3A_290 : f32 to vector<16xf32>
    %scan3A_292 = arith.constant 0 : i32
    %scan3A_293 = arith.constant 128 : i32
    %scan3A_294 = arith.addi %scan3A_292, %scan3A_293 : i32
    %scan3A_295 = arith.constant 1 : i32
    %scan3A_296:2 = scf.for %scan3A_483 = %scan3A_292 to %scan3A_294 step %scan3A_295 iter_args(%scan3A_484 = %broadcast_in_dim3A_291, %scan3A_485 = %broadcast_in_dim3A_291) -> (vector<16xf32>, vector<16xf32>)  : i32 {
      %mul3A_486 = arith.constant 16 : i32
      %mul3A_487 = arith.muli %scan3A_483, %mul3A_486 : i32
      %get3A_488 = arith.index_cast %mul3A_487 : i32 to index
      %get3A_489 = tpu.vector_load %arg10[%get3A_488] {strides = array<i32>} : memref<2048xf32, #tpu.memory_space<vmem>>, vector<16xf32>,
      %mul3A_490 = arith.constant 16 : i32
      %mul3A_491 = arith.muli %scan3A_483, %mul3A_490 : i32
      %get3A_492 = arith.index_cast %mul3A_285 : i32 to index
      %get3A_493 = arith.index_cast %mul3A_491 : i32 to index
      %get3A_494 = tpu.vector_load %arg15[%get3A_492, %get3A_493] {strides = array<i32>} : memref<16x2048xf32, #tpu.memory_space<vmem>>, vector<16xf32>,
      %mul3A_495 = arith.mulf %get3A_494, %get3A_489 : vector<16xf32>
      %add3A_496 = arith.addf %scan3A_484, %mul3A_495 : vector<16xf32>
      %mul3A_497 = arith.constant 16 : i32
      %mul3A_498 = arith.muli %scan3A_483, %mul3A_497 : i32
      %get3A_499 = arith.index_cast %add3A_289 : i32 to index
      %get3A_500 = arith.index_cast %mul3A_498 : i32 to index
      %get3A_501 = tpu.vector_load %arg15[%get3A_499, %get3A_500] {strides = array<i32>} : memref<16x2048xf32, #tpu.memory_space<vmem>>, vector<16xf32>,
      %mul3A_502 = arith.mulf %get3A_501, %get3A_489 : vector<16xf32>
      %add3A_503 = arith.addf %scan3A_485, %mul3A_502 : vector<16xf32>
      scf.yield %add3A_496, %add3A_503 : vector<16xf32>, vector<16xf32>
    }
    %scan3A_297 = arith.constant 128 : i32
    %swap3A_298 = arith.constant 0 : index
    %swap3A_299 = tpu.vector_load %arg20[%swap3A_298] {strides = array<i32>} : memref<16xf32, #tpu.memory_space<vmem>>, vector<16xf32>,
    tpu.vector_store %arg20[%swap3A_298], %scan3A_296#0 {strides = array<i32>} : memref<16xf32, #tpu.memory_space<vmem>>, vector<16xf32>,
    %add3A_300 = arith.constant 8 : i32
    %add3A_301 = vector.broadcast %add3A_300 : i32 to vector<16xi32>
    %add3A_302 = arith.addi %iota3A, %add3A_301 : vector<16xi32>
    %rem3A_303 = arith.constant 16 : i32
    %rem3A_304 = vector.broadcast %rem3A_303 : i32 to vector<16xi32>
    %rem3A_305 = arith.remsi %add3A_302, %rem3A_304 : vector<16xi32>
    %gather3A_306 = tpu.vector_load_idx %arg20[%rem3A_305] : memref<16xf32, #tpu.memory_space<vmem>>[vector<16xi32>], vector<16xf32>,
    %add3A_307 = arith.addf %scan3A_296#0, %gather3A_306 : vector<16xf32>
    %swap3A_308 = arith.constant 0 : index
    %swap3A_309 = tpu.vector_load %arg20[%swap3A_308] {strides = array<i32>} : memref<16xf32, #tpu.memory_space<vmem>>, vector<16xf32>,
    tpu.vector_store %arg20[%swap3A_308], %add3A_307 {strides = array<i32>} : memref<16xf32, #tpu.memory_space<vmem>>, vector<16xf32>,
    %add3A_310 = arith.constant 4 : i32
    %add3A_311 = vector.broadcast %add3A_310 : i32 to vector<16xi32>
    %add3A_312 = arith.addi %iota3A, %add3A_311 : vector<16xi32>
    %rem3A_313 = arith.constant 16 : i32
    %rem3A_314 = vector.broadcast %rem3A_313 : i32 to vector<16xi32>
    %rem3A_315 = arith.remsi %add3A_312, %rem3A_314 : vector<16xi32>
    %gather3A_316 = tpu.vector_load_idx %arg20[%rem3A_315] : memref<16xf32, #tpu.memory_space<vmem>>[vector<16xi32>], vector<16xf32>,
    %add3A_317 = arith.addf %add3A_307, %gather3A_316 : vector<16xf32>
    %swap3A_318 = arith.constant 0 : index
    %swap3A_319 = tpu.vector_load %arg20[%swap3A_318] {strides = array<i32>} : memref<16xf32, #tpu.memory_space<vmem>>, vector<16xf32>,
    tpu.vector_store %arg20[%swap3A_318], %add3A_317 {strides = array<i32>} : memref<16xf32, #tpu.memory_space<vmem>>, vector<16xf32>,
    %add3A_320 = arith.constant 2 : i32
    %add3A_321 = vector.broadcast %add3A_320 : i32 to vector<16xi32>
    %add3A_322 = arith.addi %iota3A, %add3A_321 : vector<16xi32>
    %rem3A_323 = arith.constant 16 : i32
    %rem3A_324 = vector.broadcast %rem3A_323 : i32 to vector<16xi32>
    %rem3A_325 = arith.remsi %add3A_322, %rem3A_324 : vector<16xi32>
    %gather3A_326 = tpu.vector_load_idx %arg20[%rem3A_325] : memref<16xf32, #tpu.memory_space<vmem>>[vector<16xi32>], vector<16xf32>,
    %add3A_327 = arith.addf %add3A_317, %gather3A_326 : vector<16xf32>
    %swap3A_328 = arith.constant 0 : index
    %swap3A_329 = tpu.vector_load %arg20[%swap3A_328] {strides = array<i32>} : memref<16xf32, #tpu.memory_space<vmem>>, vector<16xf32>,
    tpu.vector_store %arg20[%swap3A_328], %add3A_327 {strides = array<i32>} : memref<16xf32, #tpu.memory_space<vmem>>, vector<16xf32>,
    %add3A_330 = arith.constant 1 : i32
    %add3A_331 = vector.broadcast %add3A_330 : i32 to vector<16xi32>
    %add3A_332 = arith.addi %iota3A, %add3A_331 : vector<16xi32>
    %rem3A_333 = arith.constant 16 : i32
    %rem3A_334 = vector.broadcast %rem3A_333 : i32 to vector<16xi32>
    %rem3A_335 = arith.remsi %add3A_332, %rem3A_334 : vector<16xi32>
    %gather3A_336 = tpu.vector_load_idx %arg20[%rem3A_335] : memref<16xf32, #tpu.memory_space<vmem>>[vector<16xi32>], vector<16xf32>,
    %add3A_337 = arith.addf %add3A_327, %gather3A_336 : vector<16xf32>
    %swap3A_338 = arith.constant 0 : index
    %swap3A_339 = tpu.vector_load %arg20[%swap3A_338] {strides = array<i32>} : memref<16xf32, #tpu.memory_space<vmem>>, vector<16xf32>,
    tpu.vector_store %arg20[%swap3A_338], %scan3A_296#1 {strides = array<i32>} : memref<16xf32, #tpu.memory_space<vmem>>, vector<16xf32>,
    %add3A_340 = arith.constant 8 : i32
    %add3A_341 = vector.broadcast %add3A_340 : i32 to vector<16xi32>
    %add3A_342 = arith.addi %iota3A, %add3A_341 : vector<16xi32>
    %rem3A_343 = arith.constant 16 : i32
    %rem3A_344 = vector.broadcast %rem3A_343 : i32 to vector<16xi32>
    %rem3A_345 = arith.remsi %add3A_342, %rem3A_344 : vector<16xi32>
    %gather3A_346 = tpu.vector_load_idx %arg20[%rem3A_345] : memref<16xf32, #tpu.memory_space<vmem>>[vector<16xi32>], vector<16xf32>,
    %add3A_347 = arith.addf %scan3A_296#1, %gather3A_346 : vector<16xf32>
    %swap3A_348 = arith.constant 0 : index
    %swap3A_349 = tpu.vector_load %arg20[%swap3A_348] {strides = array<i32>} : memref<16xf32, #tpu.memory_space<vmem>>, vector<16xf32>,
    tpu.vector_store %arg20[%swap3A_348], %add3A_347 {strides = array<i32>} : memref<16xf32, #tpu.memory_space<vmem>>, vector<16xf32>,
    %add3A_350 = arith.constant 4 : i32
    %add3A_351 = vector.broadcast %add3A_350 : i32 to vector<16xi32>
    %add3A_352 = arith.addi %iota3A, %add3A_351 : vector<16xi32>
    %rem3A_353 = arith.constant 16 : i32
    %rem3A_354 = vector.broadcast %rem3A_353 : i32 to vector<16xi32>
    %rem3A_355 = arith.remsi %add3A_352, %rem3A_354 : vector<16xi32>
    %gather3A_356 = tpu.vector_load_idx %arg20[%rem3A_355] : memref<16xf32, #tpu.memory_space<vmem>>[vector<16xi32>], vector<16xf32>,
    %add3A_357 = arith.addf %add3A_347, %gather3A_356 : vector<16xf32>
    %swap3A_358 = arith.constant 0 : index
    %swap3A_359 = tpu.vector_load %arg20[%swap3A_358] {strides = array<i32>} : memref<16xf32, #tpu.memory_space<vmem>>, vector<16xf32>,
    tpu.vector_store %arg20[%swap3A_358], %add3A_357 {strides = array<i32>} : memref<16xf32, #tpu.memory_space<vmem>>, vector<16xf32>,
    %add3A_360 = arith.constant 2 : i32
    %add3A_361 = vector.broadcast %add3A_360 : i32 to vector<16xi32>
    %add3A_362 = arith.addi %iota3A, %add3A_361 : vector<16xi32>
    %rem3A_363 = arith.constant 16 : i32
    %rem3A_364 = vector.broadcast %rem3A_363 : i32 to vector<16xi32>
    %rem3A_365 = arith.remsi %add3A_362, %rem3A_364 : vector<16xi32>
    %gather3A_366 = tpu.vector_load_idx %arg20[%rem3A_365] : memref<16xf32, #tpu.memory_space<vmem>>[vector<16xi32>], vector<16xf32>,
    %add3A_367 = arith.addf %add3A_357, %gather3A_366 : vector<16xf32>
    %swap3A_368 = arith.constant 0 : index
    %swap3A_369 = tpu.vector_load %arg20[%swap3A_368] {strides = array<i32>} : memref<16xf32, #tpu.memory_space<vmem>>, vector<16xf32>,
    tpu.vector_store %arg20[%swap3A_368], %add3A_367 {strides = array<i32>} : memref<16xf32, #tpu.memory_space<vmem>>, vector<16xf32>,
    %add3A_370 = arith.constant 1 : i32
    %add3A_371 = vector.broadcast %add3A_370 : i32 to vector<16xi32>
    %add3A_372 = arith.addi %iota3A, %add3A_371 : vector<16xi32>
    %rem3A_373 = arith.constant 16 : i32
    %rem3A_374 = vector.broadcast %rem3A_373 : i32 to vector<16xi32>
    %rem3A_375 = arith.remsi %add3A_372, %rem3A_374 : vector<16xi32>
    %gather3A_376 = tpu.vector_load_idx %arg20[%rem3A_375] : memref<16xf32, #tpu.memory_space<vmem>>[vector<16xi32>], vector<16xf32>,
    %add3A_377 = arith.addf %add3A_367, %gather3A_376 : vector<16xf32>
    %broadcast_in_dim3A_378 = vector.broadcast %mul3A_285 : i32 to vector<16xi32>
    %broadcast_in_dim3A_379 = vector.broadcast %add3A_289 : i32 to vector<16xi32>
    %mul3A_380 = arith.constant 1.250000e-01 : f32
    %mul3A_381 = vector.broadcast %mul3A_380 : f32 to vector<16xf32>
    %mul3A_382 = arith.mulf %add3A_337, %mul3A_381 : vector<16xf32>
    %lt3A_383 = arith.constant 8 : i32
    %lt3A_384 = vector.broadcast %lt3A_383 : i32 to vector<16xi32>
    %lt3A_385 = arith.cmpi slt, %broadcast_in_dim3A_378, %lt3A_384 : vector<16xi32>
    %select_n3A_386 = arith.select %lt3A_385, %div3A_253, %sub3A_256 : vector<16xi1>, vector<16xf32>
    %mul3A_387 = arith.mulf %mul3A_382, %select_n3A_386 : vector<16xf32>
    %mul3A_388 = arith.constant 1.250000e-01 : f32
    %mul3A_389 = vector.broadcast %mul3A_388 : f32 to vector<16xf32>
    %mul3A_390 = arith.mulf %add3A_377, %mul3A_389 : vector<16xf32>
    %lt3A_391 = arith.constant 8 : i32
    %lt3A_392 = vector.broadcast %lt3A_391 : i32 to vector<16xi32>
    %lt3A_393 = arith.cmpi slt, %broadcast_in_dim3A_379, %lt3A_392 : vector<16xi32>
    %select_n3A_394 = arith.select %lt3A_393, %div3A_253, %sub3A_256 : vector<16xi1>, vector<16xf32>
    %mul3A_395 = arith.mulf %mul3A_390, %select_n3A_394 : vector<16xf32>
    %scan3A_396 = arith.constant 0 : i32
    %scan3A_397 = arith.constant 0 : i32
    %scan3A_398 = arith.constant 128 : i32
    %scan3A_399 = arith.addi %scan3A_397, %scan3A_398 : i32
    %scan3A_400 = arith.constant 1 : i32
    %scan3A_401 = scf.for %scan3A_483 = %scan3A_397 to %scan3A_399 step %scan3A_400 iter_args(%scan3A_484 = %scan3A_396) -> (i32)  : i32 {
      %mul3A_485 = arith.constant 16 : i32
      %mul3A_486 = arith.muli %scan3A_483, %mul3A_485 : i32
      %get3A_487 = arith.index_cast %mul3A_285 : i32 to index
      %get3A_488 = arith.index_cast %mul3A_486 : i32 to index
      %get3A_489 = tpu.vector_load %arg16[%get3A_487, %get3A_488] {strides = array<i32>} : memref<16x2048xf32, #tpu.memory_space<vmem>>, vector<16xf32>,
      %mul3A_490 = arith.mulf %mul3A_387, %get3A_489 : vector<16xf32>
      %mul3A_491 = arith.constant 16 : i32
      %mul3A_492 = arith.muli %scan3A_483, %mul3A_491 : i32
      %get3A_493 = arith.index_cast %add3A_289 : i32 to index
      %get3A_494 = arith.index_cast %mul3A_492 : i32 to index
      %get3A_495 = tpu.vector_load %arg16[%get3A_493, %get3A_494] {strides = array<i32>} : memref<16x2048xf32, #tpu.memory_space<vmem>>, vector<16xf32>,
      %mul3A_496 = arith.mulf %mul3A_395, %get3A_495 : vector<16xf32>
      %add3A_497 = arith.addf %mul3A_490, %mul3A_496 : vector<16xf32>
      %mul3A_498 = arith.constant 16 : i32
      %mul3A_499 = arith.muli %scan3A_483, %mul3A_498 : i32
      %swap3A_500 = arith.index_cast %mul3A_499 : i32 to index
      %swap3A_501 = tpu.vector_load %arg17[%swap3A_500] {strides = array<i32>} : memref<2048xf32, #tpu.memory_space<vmem>>, vector<16xf32>,
      tpu.vector_store %arg17[%swap3A_500], %add3A_497 {strides = array<i32>} : memref<2048xf32, #tpu.memory_space<vmem>>, vector<16xf32>,
      %scan3A_502 = arith.constant 0 : i32
      scf.yield %scan3A_502 : i32
    }
    %scan3A_402 = arith.constant 128 : i32
    "tpu.region"() ({
      %run_scoped3A = tpu.sem_alloc : memref<!tpu.dma_semaphore, #tpu.memory_space<semaphore_mem>>
      %dma_start3A_483 = arith.constant 0 : i32
      %dma_start3A_484 = tpu.memref_slice %arg23[%add3A, %dma_start3A_483] : memref<32x2048xf32, #tpu.memory_space<vmem_shared>> -> memref<1x2048xf32, #tpu.memory_space<vmem_shared>>
      %dma_start3A_485 = tpu.memref_squeeze %dma_start3A_484 : memref<1x2048xf32, #tpu.memory_space<vmem_shared>> -> memref<2048xf32, #tpu.memory_space<vmem_shared>>
      %dma_start3A_486 = arith.constant 0 : i32
      %dma_start3A_487 = tpu.memref_slice %arg23[%add3A, %dma_start3A_486] : memref<32x2048xf32, #tpu.memory_space<vmem_shared>> -> memref<1x2048xf32, #tpu.memory_space<vmem_shared>>
      %dma_start3A_488 = tpu.memref_squeeze %dma_start3A_487 : memref<1x2048xf32, #tpu.memory_space<vmem_shared>> -> memref<2048xf32, #tpu.memory_space<vmem_shared>>
      tpu.enqueue_dma source(%arg17 : memref<2048xf32, #tpu.memory_space<vmem>>) target(%dma_start3A_488 : memref<2048xf32, #tpu.memory_space<vmem_shared>>) target_semaphore(%run_scoped3A : memref<!tpu.dma_semaphore, #tpu.memory_space<semaphore_mem>>)
      %dma_wait3A_489 = arith.constant 0 : i32
      %dma_wait3A_490 = tpu.memref_slice %arg23[%add3A, %dma_wait3A_489] : memref<32x2048xf32, #tpu.memory_space<vmem_shared>> -> memref<1x2048xf32, #tpu.memory_space<vmem_shared>>
      %dma_wait3A_491 = tpu.memref_squeeze %dma_wait3A_490 : memref<1x2048xf32, #tpu.memory_space<vmem_shared>> -> memref<2048xf32, #tpu.memory_space<vmem_shared>>
      %dma_wait3A_492 = arith.constant 0 : i32
      %dma_wait3A_493 = tpu.memref_slice %arg23[%add3A, %dma_wait3A_492] : memref<32x2048xf32, #tpu.memory_space<vmem_shared>> -> memref<1x2048xf32, #tpu.memory_space<vmem_shared>>
      %dma_wait3A_494 = tpu.memref_squeeze %dma_wait3A_493 : memref<1x2048xf32, #tpu.memory_space<vmem_shared>> -> memref<2048xf32, #tpu.memory_space<vmem_shared>>
      tpu.wait_dma2 semaphore(%run_scoped3A : memref<!tpu.dma_semaphore, #tpu.memory_space<semaphore_mem>>) src(%arg17 : memref<2048xf32, #tpu.memory_space<vmem>>) dst(%dma_wait3A_494 : memref<2048xf32, #tpu.memory_space<vmem_shared>>)
      tpu.yield
    }) : () -> ()
    %rem3A_403 = arith.constant 16 : i32
    %rem3A_404 = vector.broadcast %rem3A_403 : i32 to vector<16xi32>
    %rem3A_405 = arith.remsi %broadcast_in_dim3A_378, %rem3A_404 : vector<16xi32>
    %gather3A_406 = tpu.vector_load_idx %arg14[%rem3A_405] : memref<16xi32, #tpu.memory_space<vmem>>[vector<16xi32>], vector<16xi32>,
    %rem3A_407 = arith.constant 16 : i32
    %rem3A_408 = vector.broadcast %rem3A_407 : i32 to vector<16xi32>
    %rem3A_409 = arith.remsi %broadcast_in_dim3A_379, %rem3A_408 : vector<16xi32>
    %gather3A_410 = tpu.vector_load_idx %arg14[%rem3A_409] : memref<16xi32, #tpu.memory_space<vmem>>[vector<16xi32>], vector<16xi32>,
    %add3A_411 = arith.constant 0 : i32
    %add3A_412 = vector.broadcast %add3A_411 : i32 to vector<16xi32>
    %add3A_413 = arith.addi %add3A_412, %iota3A : vector<16xi32>
    %eq3A_414 = arith.cmpi eq, %add3A_413, %gather3A_406 : vector<16xi32>
    %jit3A_415 = arith.constant 0.000000e+00 : f32
    %broadcast_in_dim3A_416 = vector.broadcast %jit3A_415 : f32 to vector<16xf32>
    %select_n3A_417 = arith.select %eq3A_414, %mul3A_387, %broadcast_in_dim3A_416 : vector<16xi1>, vector<16xf32>
    %add3A_418 = arith.constant 0 : i32
    %add3A_419 = vector.broadcast %add3A_418 : i32 to vector<16xi32>
    %add3A_420 = arith.addi %add3A_419, %iota3A : vector<16xi32>
    %eq3A_421 = arith.cmpi eq, %add3A_420, %gather3A_410 : vector<16xi32>
    %jit3A_422 = arith.constant 0.000000e+00 : f32
    %broadcast_in_dim3A_423 = vector.broadcast %jit3A_422 : f32 to vector<16xf32>
    %select_n3A_424 = arith.select %eq3A_421, %mul3A_395, %broadcast_in_dim3A_423 : vector<16xi1>, vector<16xf32>
    %add3A_425 = arith.addf %select_n3A_417, %select_n3A_424 : vector<16xf32>
    %swap3A_426 = arith.constant 0 : index
    %swap3A_427 = tpu.vector_load %arg18[%swap3A_426] {strides = array<i32>} : memref<64xf32, #tpu.memory_space<vmem>>, vector<16xf32>,
    tpu.vector_store %arg18[%swap3A_426], %add3A_425 {strides = array<i32>} : memref<64xf32, #tpu.memory_space<vmem>>, vector<16xf32>,
    %add3A_428 = arith.constant 16 : i32
    %add3A_429 = vector.broadcast %add3A_428 : i32 to vector<16xi32>
    %add3A_430 = arith.addi %add3A_429, %iota3A : vector<16xi32>
    %eq3A_431 = arith.cmpi eq, %add3A_430, %gather3A_406 : vector<16xi32>
    %jit3A_432 = arith.constant 0.000000e+00 : f32
    %broadcast_in_dim3A_433 = vector.broadcast %jit3A_432 : f32 to vector<16xf32>
    %select_n3A_434 = arith.select %eq3A_431, %mul3A_387, %broadcast_in_dim3A_433 : vector<16xi1>, vector<16xf32>
    %add3A_435 = arith.constant 16 : i32
    %add3A_436 = vector.broadcast %add3A_435 : i32 to vector<16xi32>
    %add3A_437 = arith.addi %add3A_436, %iota3A : vector<16xi32>
    %eq3A_438 = arith.cmpi eq, %add3A_437, %gather3A_410 : vector<16xi32>
    %jit3A_439 = arith.constant 0.000000e+00 : f32
    %broadcast_in_dim3A_440 = vector.broadcast %jit3A_439 : f32 to vector<16xf32>
    %select_n3A_441 = arith.select %eq3A_438, %mul3A_395, %broadcast_in_dim3A_440 : vector<16xi1>, vector<16xf32>
    %add3A_442 = arith.addf %select_n3A_434, %select_n3A_441 : vector<16xf32>
    %swap3A_443 = arith.constant 16 : index
    %swap3A_444 = tpu.vector_load %arg18[%swap3A_443] {strides = array<i32>} : memref<64xf32, #tpu.memory_space<vmem>>, vector<16xf32>,
    tpu.vector_store %arg18[%swap3A_443], %add3A_442 {strides = array<i32>} : memref<64xf32, #tpu.memory_space<vmem>>, vector<16xf32>,
    %add3A_445 = arith.constant 32 : i32
    %add3A_446 = vector.broadcast %add3A_445 : i32 to vector<16xi32>
    %add3A_447 = arith.addi %add3A_446, %iota3A : vector<16xi32>
    %eq3A_448 = arith.cmpi eq, %add3A_447, %gather3A_406 : vector<16xi32>
    %jit3A_449 = arith.constant 0.000000e+00 : f32
    %broadcast_in_dim3A_450 = vector.broadcast %jit3A_449 : f32 to vector<16xf32>
    %select_n3A_451 = arith.select %eq3A_448, %mul3A_387, %broadcast_in_dim3A_450 : vector<16xi1>, vector<16xf32>
    %add3A_452 = arith.constant 32 : i32
    %add3A_453 = vector.broadcast %add3A_452 : i32 to vector<16xi32>
    %add3A_454 = arith.addi %add3A_453, %iota3A : vector<16xi32>
    %eq3A_455 = arith.cmpi eq, %add3A_454, %gather3A_410 : vector<16xi32>
    %jit3A_456 = arith.constant 0.000000e+00 : f32
    %broadcast_in_dim3A_457 = vector.broadcast %jit3A_456 : f32 to vector<16xf32>
    %select_n3A_458 = arith.select %eq3A_455, %mul3A_395, %broadcast_in_dim3A_457 : vector<16xi1>, vector<16xf32>
    %add3A_459 = arith.addf %select_n3A_451, %select_n3A_458 : vector<16xf32>
    %swap3A_460 = arith.constant 32 : index
    %swap3A_461 = tpu.vector_load %arg18[%swap3A_460] {strides = array<i32>} : memref<64xf32, #tpu.memory_space<vmem>>, vector<16xf32>,
    tpu.vector_store %arg18[%swap3A_460], %add3A_459 {strides = array<i32>} : memref<64xf32, #tpu.memory_space<vmem>>, vector<16xf32>,
    %add3A_462 = arith.constant 48 : i32
    %add3A_463 = vector.broadcast %add3A_462 : i32 to vector<16xi32>
    %add3A_464 = arith.addi %add3A_463, %iota3A : vector<16xi32>
    %eq3A_465 = arith.cmpi eq, %add3A_464, %gather3A_406 : vector<16xi32>
    %jit3A_466 = arith.constant 0.000000e+00 : f32
    %broadcast_in_dim3A_467 = vector.broadcast %jit3A_466 : f32 to vector<16xf32>
    %select_n3A_468 = arith.select %eq3A_465, %mul3A_387, %broadcast_in_dim3A_467 : vector<16xi1>, vector<16xf32>
    %add3A_469 = arith.constant 48 : i32
    %add3A_470 = vector.broadcast %add3A_469 : i32 to vector<16xi32>
    %add3A_471 = arith.addi %add3A_470, %iota3A : vector<16xi32>
    %eq3A_472 = arith.cmpi eq, %add3A_471, %gather3A_410 : vector<16xi32>
    %jit3A_473 = arith.constant 0.000000e+00 : f32
    %broadcast_in_dim3A_474 = vector.broadcast %jit3A_473 : f32 to vector<16xf32>
    %select_n3A_475 = arith.select %eq3A_472, %mul3A_395, %broadcast_in_dim3A_474 : vector<16xi1>, vector<16xf32>
    %add3A_476 = arith.addf %select_n3A_468, %select_n3A_475 : vector<16xf32>
    %swap3A_477 = arith.constant 48 : index
    %swap3A_478 = tpu.vector_load %arg18[%swap3A_477] {strides = array<i32>} : memref<64xf32, #tpu.memory_space<vmem>>, vector<16xf32>,
    tpu.vector_store %arg18[%swap3A_477], %add3A_476 {strides = array<i32>} : memref<64xf32, #tpu.memory_space<vmem>>, vector<16xf32>,
    "tpu.region"() ({
      %run_scoped3A = tpu.sem_alloc : memref<!tpu.dma_semaphore, #tpu.memory_space<semaphore_mem>>
      %dma_start3A_483 = arith.constant 0 : i32
      %dma_start3A_484 = tpu.memref_slice %arg24[%add3A, %dma_start3A_483] : memref<32x64xf32, #tpu.memory_space<vmem_shared>> -> memref<1x64xf32, #tpu.memory_space<vmem_shared>>
      %dma_start3A_485 = tpu.memref_squeeze %dma_start3A_484 : memref<1x64xf32, #tpu.memory_space<vmem_shared>> -> memref<64xf32, #tpu.memory_space<vmem_shared>>
      %dma_start3A_486 = arith.constant 0 : i32
      %dma_start3A_487 = tpu.memref_slice %arg24[%add3A, %dma_start3A_486] : memref<32x64xf32, #tpu.memory_space<vmem_shared>> -> memref<1x64xf32, #tpu.memory_space<vmem_shared>>
      %dma_start3A_488 = tpu.memref_squeeze %dma_start3A_487 : memref<1x64xf32, #tpu.memory_space<vmem_shared>> -> memref<64xf32, #tpu.memory_space<vmem_shared>>
      tpu.enqueue_dma source(%arg18 : memref<64xf32, #tpu.memory_space<vmem>>) target(%dma_start3A_488 : memref<64xf32, #tpu.memory_space<vmem_shared>>) target_semaphore(%run_scoped3A : memref<!tpu.dma_semaphore, #tpu.memory_space<semaphore_mem>>)
      %dma_wait3A_489 = arith.constant 0 : i32
      %dma_wait3A_490 = tpu.memref_slice %arg24[%add3A, %dma_wait3A_489] : memref<32x64xf32, #tpu.memory_space<vmem_shared>> -> memref<1x64xf32, #tpu.memory_space<vmem_shared>>
      %dma_wait3A_491 = tpu.memref_squeeze %dma_wait3A_490 : memref<1x64xf32, #tpu.memory_space<vmem_shared>> -> memref<64xf32, #tpu.memory_space<vmem_shared>>
      %dma_wait3A_492 = arith.constant 0 : i32
      %dma_wait3A_493 = tpu.memref_slice %arg24[%add3A, %dma_wait3A_492] : memref<32x64xf32, #tpu.memory_space<vmem_shared>> -> memref<1x64xf32, #tpu.memory_space<vmem_shared>>
      %dma_wait3A_494 = tpu.memref_squeeze %dma_wait3A_493 : memref<1x64xf32, #tpu.memory_space<vmem_shared>> -> memref<64xf32, #tpu.memory_space<vmem_shared>>
      tpu.wait_dma2 semaphore(%run_scoped3A : memref<!tpu.dma_semaphore, #tpu.memory_space<semaphore_mem>>) src(%arg18 : memref<64xf32, #tpu.memory_space<vmem>>) dst(%dma_wait3A_494 : memref<64xf32, #tpu.memory_space<vmem_shared>>)
      tpu.yield
    }) : () -> ()
    %barrier3A_479 = arith.constant 0 : index
    tpu.barrier barrier_id(%barrier3A_479)
    %eq3A_480 = arith.constant 0 : i32
    %eq3A_481 = arith.cmpi eq, %rem3A_18, %eq3A_480 : i32
    %convert_element_type3A = arith.extui %eq3A_481 : i1 to i32
    %cond3A = arith.constant 0 : i32
    %cond3A_482 = arith.cmpi ne, %convert_element_type3A, %cond3A : i32
    scf.if %cond3A_482 {
      %mul3A_483 = arith.constant 8 : i32
      %mul3A_484 = arith.muli %select_n3A, %mul3A_483 : i32
      %add3A_485 = arith.constant 1 : i32
      %add3A_486 = arith.addi %mul3A_484, %add3A_485 : i32
      "tpu.region"() ({
        %run_scoped3A = tpu.sem_alloc : memref<!tpu.dma_semaphore, #tpu.memory_space<semaphore_mem>>
        %dma_start3A_885 = arith.constant 0 : i32
        %dma_start3A_886 = tpu.memref_slice %arg23[%add3A_486, %dma_start3A_885] : memref<32x2048xf32, #tpu.memory_space<vmem_shared>> -> memref<1x2048xf32, #tpu.memory_space<vmem_shared>>
        %dma_start3A_887 = tpu.memref_squeeze %dma_start3A_886 : memref<1x2048xf32, #tpu.memory_space<vmem_shared>> -> memref<2048xf32, #tpu.memory_space<vmem_shared>>
        %dma_start3A_888 = arith.constant 0 : i32
        %dma_start3A_889 = tpu.memref_slice %arg23[%add3A_486, %dma_start3A_888] : memref<32x2048xf32, #tpu.memory_space<vmem_shared>> -> memref<1x2048xf32, #tpu.memory_space<vmem_shared>>
        %dma_start3A_890 = tpu.memref_squeeze %dma_start3A_889 : memref<1x2048xf32, #tpu.memory_space<vmem_shared>> -> memref<2048xf32, #tpu.memory_space<vmem_shared>>
        tpu.enqueue_dma source(%dma_start3A_890 : memref<2048xf32, #tpu.memory_space<vmem_shared>>) target(%arg11 : memref<2048xf32, #tpu.memory_space<vmem>>) target_semaphore(%run_scoped3A : memref<!tpu.dma_semaphore, #tpu.memory_space<semaphore_mem>>)
        %dma_wait3A_891 = arith.constant 0 : i32
        %dma_wait3A_892 = tpu.memref_slice %arg23[%add3A_486, %dma_wait3A_891] : memref<32x2048xf32, #tpu.memory_space<vmem_shared>> -> memref<1x2048xf32, #tpu.memory_space<vmem_shared>>
        %dma_wait3A_893 = tpu.memref_squeeze %dma_wait3A_892 : memref<1x2048xf32, #tpu.memory_space<vmem_shared>> -> memref<2048xf32, #tpu.memory_space<vmem_shared>>
        %dma_wait3A_894 = arith.constant 0 : i32
        %dma_wait3A_895 = tpu.memref_slice %arg23[%add3A_486, %dma_wait3A_894] : memref<32x2048xf32, #tpu.memory_space<vmem_shared>> -> memref<1x2048xf32, #tpu.memory_space<vmem_shared>>
        %dma_wait3A_896 = tpu.memref_squeeze %dma_wait3A_895 : memref<1x2048xf32, #tpu.memory_space<vmem_shared>> -> memref<2048xf32, #tpu.memory_space<vmem_shared>>
        tpu.wait_dma2 semaphore(%run_scoped3A : memref<!tpu.dma_semaphore, #tpu.memory_space<semaphore_mem>>) src(%dma_wait3A_896 : memref<2048xf32, #tpu.memory_space<vmem_shared>>) dst(%arg11 : memref<2048xf32, #tpu.memory_space<vmem>>)
        tpu.yield
      }) : () -> ()
      %scan3A_487 = arith.constant 0 : i32
      %scan3A_488 = arith.constant 0 : i32
      %scan3A_489 = arith.constant 128 : i32
      %scan3A_490 = arith.addi %scan3A_488, %scan3A_489 : i32
      %scan3A_491 = arith.constant 1 : i32
      %scan3A_492 = scf.for %scan3A_885 = %scan3A_488 to %scan3A_490 step %scan3A_491 iter_args(%scan3A_886 = %scan3A_487) -> (i32)  : i32 {
        %mul3A_887 = arith.constant 16 : i32
        %mul3A_888 = arith.muli %scan3A_885, %mul3A_887 : i32
        %get3A_889 = arith.index_cast %mul3A_888 : i32 to index
        %get3A_890 = tpu.vector_load %arg17[%get3A_889] {strides = array<i32>} : memref<2048xf32, #tpu.memory_space<vmem>>, vector<16xf32>,
        %mul3A_891 = arith.constant 16 : i32
        %mul3A_892 = arith.muli %scan3A_885, %mul3A_891 : i32
        %get3A_893 = arith.index_cast %mul3A_892 : i32 to index
        %get3A_894 = tpu.vector_load %arg11[%get3A_893] {strides = array<i32>} : memref<2048xf32, #tpu.memory_space<vmem>>, vector<16xf32>,
        %add3A_895 = arith.addf %get3A_890, %get3A_894 : vector<16xf32>
        %swap3A_896 = arith.index_cast %mul3A_888 : i32 to index
        %swap3A_897 = tpu.vector_load %arg17[%swap3A_896] {strides = array<i32>} : memref<2048xf32, #tpu.memory_space<vmem>>, vector<16xf32>,
        tpu.vector_store %arg17[%swap3A_896], %add3A_895 {strides = array<i32>} : memref<2048xf32, #tpu.memory_space<vmem>>, vector<16xf32>,
        %scan3A_898 = arith.constant 0 : i32
        scf.yield %scan3A_898 : i32
      }
      %scan3A_493 = arith.constant 128 : i32
      %mul3A_494 = arith.constant 8 : i32
      %mul3A_495 = arith.muli %select_n3A, %mul3A_494 : i32
      %add3A_496 = arith.constant 1 : i32
      %add3A_497 = arith.addi %mul3A_495, %add3A_496 : i32
      "tpu.region"() ({
        %run_scoped3A = tpu.sem_alloc : memref<!tpu.dma_semaphore, #tpu.memory_space<semaphore_mem>>
        %dma_start3A_885 = arith.constant 0 : i32
        %dma_start3A_886 = tpu.memref_slice %arg24[%add3A_497, %dma_start3A_885] : memref<32x64xf32, #tpu.memory_space<vmem_shared>> -> memref<1x64xf32, #tpu.memory_space<vmem_shared>>
        %dma_start3A_887 = tpu.memref_squeeze %dma_start3A_886 : memref<1x64xf32, #tpu.memory_space<vmem_shared>> -> memref<64xf32, #tpu.memory_space<vmem_shared>>
        %dma_start3A_888 = arith.constant 0 : i32
        %dma_start3A_889 = tpu.memref_slice %arg24[%add3A_497, %dma_start3A_888] : memref<32x64xf32, #tpu.memory_space<vmem_shared>> -> memref<1x64xf32, #tpu.memory_space<vmem_shared>>
        %dma_start3A_890 = tpu.memref_squeeze %dma_start3A_889 : memref<1x64xf32, #tpu.memory_space<vmem_shared>> -> memref<64xf32, #tpu.memory_space<vmem_shared>>
        tpu.enqueue_dma source(%dma_start3A_890 : memref<64xf32, #tpu.memory_space<vmem_shared>>) target(%arg19 : memref<64xf32, #tpu.memory_space<vmem>>) target_semaphore(%run_scoped3A : memref<!tpu.dma_semaphore, #tpu.memory_space<semaphore_mem>>)
        %dma_wait3A_891 = arith.constant 0 : i32
        %dma_wait3A_892 = tpu.memref_slice %arg24[%add3A_497, %dma_wait3A_891] : memref<32x64xf32, #tpu.memory_space<vmem_shared>> -> memref<1x64xf32, #tpu.memory_space<vmem_shared>>
        %dma_wait3A_893 = tpu.memref_squeeze %dma_wait3A_892 : memref<1x64xf32, #tpu.memory_space<vmem_shared>> -> memref<64xf32, #tpu.memory_space<vmem_shared>>
        %dma_wait3A_894 = arith.constant 0 : i32
        %dma_wait3A_895 = tpu.memref_slice %arg24[%add3A_497, %dma_wait3A_894] : memref<32x64xf32, #tpu.memory_space<vmem_shared>> -> memref<1x64xf32, #tpu.memory_space<vmem_shared>>
        %dma_wait3A_896 = tpu.memref_squeeze %dma_wait3A_895 : memref<1x64xf32, #tpu.memory_space<vmem_shared>> -> memref<64xf32, #tpu.memory_space<vmem_shared>>
        tpu.wait_dma2 semaphore(%run_scoped3A : memref<!tpu.dma_semaphore, #tpu.memory_space<semaphore_mem>>) src(%dma_wait3A_896 : memref<64xf32, #tpu.memory_space<vmem_shared>>) dst(%arg19 : memref<64xf32, #tpu.memory_space<vmem>>)
        tpu.yield
      }) : () -> ()
      %get3A_498 = arith.constant 0 : index
      %get3A_499 = tpu.vector_load %arg18[%get3A_498] {strides = array<i32>} : memref<64xf32, #tpu.memory_space<vmem>>, vector<16xf32>,
      %get3A_500 = arith.constant 0 : index
      %get3A_501 = tpu.vector_load %arg19[%get3A_500] {strides = array<i32>} : memref<64xf32, #tpu.memory_space<vmem>>, vector<16xf32>,
      %add3A_502 = arith.addf %get3A_499, %get3A_501 : vector<16xf32>
      %swap3A_503 = arith.constant 0 : index
      %swap3A_504 = tpu.vector_load %arg18[%swap3A_503] {strides = array<i32>} : memref<64xf32, #tpu.memory_space<vmem>>, vector<16xf32>,
      tpu.vector_store %arg18[%swap3A_503], %add3A_502 {strides = array<i32>} : memref<64xf32, #tpu.memory_space<vmem>>, vector<16xf32>,
      %get3A_505 = arith.constant 16 : index
      %get3A_506 = tpu.vector_load %arg18[%get3A_505] {strides = array<i32>} : memref<64xf32, #tpu.memory_space<vmem>>, vector<16xf32>,
      %get3A_507 = arith.constant 16 : index
      %get3A_508 = tpu.vector_load %arg19[%get3A_507] {strides = array<i32>} : memref<64xf32, #tpu.memory_space<vmem>>, vector<16xf32>,
      %add3A_509 = arith.addf %get3A_506, %get3A_508 : vector<16xf32>
      %swap3A_510 = arith.constant 16 : index
      %swap3A_511 = tpu.vector_load %arg18[%swap3A_510] {strides = array<i32>} : memref<64xf32, #tpu.memory_space<vmem>>, vector<16xf32>,
      tpu.vector_store %arg18[%swap3A_510], %add3A_509 {strides = array<i32>} : memref<64xf32, #tpu.memory_space<vmem>>, vector<16xf32>,
      %get3A_512 = arith.constant 32 : index
      %get3A_513 = tpu.vector_load %arg18[%get3A_512] {strides = array<i32>} : memref<64xf32, #tpu.memory_space<vmem>>, vector<16xf32>,
      %get3A_514 = arith.constant 32 : index
      %get3A_515 = tpu.vector_load %arg19[%get3A_514] {strides = array<i32>} : memref<64xf32, #tpu.memory_space<vmem>>, vector<16xf32>,
      %add3A_516 = arith.addf %get3A_513, %get3A_515 : vector<16xf32>
      %swap3A_517 = arith.constant 32 : index
      %swap3A_518 = tpu.vector_load %arg18[%swap3A_517] {strides = array<i32>} : memref<64xf32, #tpu.memory_space<vmem>>, vector<16xf32>,
      tpu.vector_store %arg18[%swap3A_517], %add3A_516 {strides = array<i32>} : memref<64xf32, #tpu.memory_space<vmem>>, vector<16xf32>,
      %get3A_519 = arith.constant 48 : index
      %get3A_520 = tpu.vector_load %arg18[%get3A_519] {strides = array<i32>} : memref<64xf32, #tpu.memory_space<vmem>>, vector<16xf32>,
      %get3A_521 = arith.constant 48 : index
      %get3A_522 = tpu.vector_load %arg19[%get3A_521] {strides = array<i32>} : memref<64xf32, #tpu.memory_space<vmem>>, vector<16xf32>,
      %add3A_523 = arith.addf %get3A_520, %get3A_522 : vector<16xf32>
      %swap3A_524 = arith.constant 48 : index
      %swap3A_525 = tpu.vector_load %arg18[%swap3A_524] {strides = array<i32>} : memref<64xf32, #tpu.memory_space<vmem>>, vector<16xf32>,
      tpu.vector_store %arg18[%swap3A_524], %add3A_523 {strides = array<i32>} : memref<64xf32, #tpu.memory_space<vmem>>, vector<16xf32>,
      %mul3A_526 = arith.constant 8 : i32
      %mul3A_527 = arith.muli %select_n3A, %mul3A_526 : i32
      %add3A_528 = arith.constant 2 : i32
      %add3A_529 = arith.addi %mul3A_527, %add3A_528 : i32
      "tpu.region"() ({
        %run_scoped3A = tpu.sem_alloc : memref<!tpu.dma_semaphore, #tpu.memory_space<semaphore_mem>>
        %dma_start3A_885 = arith.constant 0 : i32
        %dma_start3A_886 = tpu.memref_slice %arg23[%add3A_529, %dma_start3A_885] : memref<32x2048xf32, #tpu.memory_space<vmem_shared>> -> memref<1x2048xf32, #tpu.memory_space<vmem_shared>>
        %dma_start3A_887 = tpu.memref_squeeze %dma_start3A_886 : memref<1x2048xf32, #tpu.memory_space<vmem_shared>> -> memref<2048xf32, #tpu.memory_space<vmem_shared>>
        %dma_start3A_888 = arith.constant 0 : i32
        %dma_start3A_889 = tpu.memref_slice %arg23[%add3A_529, %dma_start3A_888] : memref<32x2048xf32, #tpu.memory_space<vmem_shared>> -> memref<1x2048xf32, #tpu.memory_space<vmem_shared>>
        %dma_start3A_890 = tpu.memref_squeeze %dma_start3A_889 : memref<1x2048xf32, #tpu.memory_space<vmem_shared>> -> memref<2048xf32, #tpu.memory_space<vmem_shared>>
        tpu.enqueue_dma source(%dma_start3A_890 : memref<2048xf32, #tpu.memory_space<vmem_shared>>) target(%arg11 : memref<2048xf32, #tpu.memory_space<vmem>>) target_semaphore(%run_scoped3A : memref<!tpu.dma_semaphore, #tpu.memory_space<semaphore_mem>>)
        %dma_wait3A_891 = arith.constant 0 : i32
        %dma_wait3A_892 = tpu.memref_slice %arg23[%add3A_529, %dma_wait3A_891] : memref<32x2048xf32, #tpu.memory_space<vmem_shared>> -> memref<1x2048xf32, #tpu.memory_space<vmem_shared>>
        %dma_wait3A_893 = tpu.memref_squeeze %dma_wait3A_892 : memref<1x2048xf32, #tpu.memory_space<vmem_shared>> -> memref<2048xf32, #tpu.memory_space<vmem_shared>>
        %dma_wait3A_894 = arith.constant 0 : i32
        %dma_wait3A_895 = tpu.memref_slice %arg23[%add3A_529, %dma_wait3A_894] : memref<32x2048xf32, #tpu.memory_space<vmem_shared>> -> memref<1x2048xf32, #tpu.memory_space<vmem_shared>>
        %dma_wait3A_896 = tpu.memref_squeeze %dma_wait3A_895 : memref<1x2048xf32, #tpu.memory_space<vmem_shared>> -> memref<2048xf32, #tpu.memory_space<vmem_shared>>
        tpu.wait_dma2 semaphore(%run_scoped3A : memref<!tpu.dma_semaphore, #tpu.memory_space<semaphore_mem>>) src(%dma_wait3A_896 : memref<2048xf32, #tpu.memory_space<vmem_shared>>) dst(%arg11 : memref<2048xf32, #tpu.memory_space<vmem>>)
        tpu.yield
      }) : () -> ()
      %scan3A_530 = arith.constant 0 : i32
      %scan3A_531 = arith.constant 0 : i32
      %scan3A_532 = arith.constant 128 : i32
      %scan3A_533 = arith.addi %scan3A_531, %scan3A_532 : i32
      %scan3A_534 = arith.constant 1 : i32
      %scan3A_535 = scf.for %scan3A_885 = %scan3A_531 to %scan3A_533 step %scan3A_534 iter_args(%scan3A_886 = %scan3A_530) -> (i32)  : i32 {
        %mul3A_887 = arith.constant 16 : i32
        %mul3A_888 = arith.muli %scan3A_885, %mul3A_887 : i32
        %get3A_889 = arith.index_cast %mul3A_888 : i32 to index
        %get3A_890 = tpu.vector_load %arg17[%get3A_889] {strides = array<i32>} : memref<2048xf32, #tpu.memory_space<vmem>>, vector<16xf32>,
        %mul3A_891 = arith.constant 16 : i32
        %mul3A_892 = arith.muli %scan3A_885, %mul3A_891 : i32
        %get3A_893 = arith.index_cast %mul3A_892 : i32 to index
        %get3A_894 = tpu.vector_load %arg11[%get3A_893] {strides = array<i32>} : memref<2048xf32, #tpu.memory_space<vmem>>, vector<16xf32>,
        %add3A_895 = arith.addf %get3A_890, %get3A_894 : vector<16xf32>
        %swap3A_896 = arith.index_cast %mul3A_888 : i32 to index
        %swap3A_897 = tpu.vector_load %arg17[%swap3A_896] {strides = array<i32>} : memref<2048xf32, #tpu.memory_space<vmem>>, vector<16xf32>,
        tpu.vector_store %arg17[%swap3A_896], %add3A_895 {strides = array<i32>} : memref<2048xf32, #tpu.memory_space<vmem>>, vector<16xf32>,
        %scan3A_898 = arith.constant 0 : i32
        scf.yield %scan3A_898 : i32
      }
      %scan3A_536 = arith.constant 128 : i32
      %mul3A_537 = arith.constant 8 : i32
      %mul3A_538 = arith.muli %select_n3A, %mul3A_537 : i32
      %add3A_539 = arith.constant 2 : i32
      %add3A_540 = arith.addi %mul3A_538, %add3A_539 : i32
      "tpu.region"() ({
        %run_scoped3A = tpu.sem_alloc : memref<!tpu.dma_semaphore, #tpu.memory_space<semaphore_mem>>
        %dma_start3A_885 = arith.constant 0 : i32
        %dma_start3A_886 = tpu.memref_slice %arg24[%add3A_540, %dma_start3A_885] : memref<32x64xf32, #tpu.memory_space<vmem_shared>> -> memref<1x64xf32, #tpu.memory_space<vmem_shared>>
        %dma_start3A_887 = tpu.memref_squeeze %dma_start3A_886 : memref<1x64xf32, #tpu.memory_space<vmem_shared>> -> memref<64xf32, #tpu.memory_space<vmem_shared>>
        %dma_start3A_888 = arith.constant 0 : i32
        %dma_start3A_889 = tpu.memref_slice %arg24[%add3A_540, %dma_start3A_888] : memref<32x64xf32, #tpu.memory_space<vmem_shared>> -> memref<1x64xf32, #tpu.memory_space<vmem_shared>>
        %dma_start3A_890 = tpu.memref_squeeze %dma_start3A_889 : memref<1x64xf32, #tpu.memory_space<vmem_shared>> -> memref<64xf32, #tpu.memory_space<vmem_shared>>
        tpu.enqueue_dma source(%dma_start3A_890 : memref<64xf32, #tpu.memory_space<vmem_shared>>) target(%arg19 : memref<64xf32, #tpu.memory_space<vmem>>) target_semaphore(%run_scoped3A : memref<!tpu.dma_semaphore, #tpu.memory_space<semaphore_mem>>)
        %dma_wait3A_891 = arith.constant 0 : i32
        %dma_wait3A_892 = tpu.memref_slice %arg24[%add3A_540, %dma_wait3A_891] : memref<32x64xf32, #tpu.memory_space<vmem_shared>> -> memref<1x64xf32, #tpu.memory_space<vmem_shared>>
        %dma_wait3A_893 = tpu.memref_squeeze %dma_wait3A_892 : memref<1x64xf32, #tpu.memory_space<vmem_shared>> -> memref<64xf32, #tpu.memory_space<vmem_shared>>
        %dma_wait3A_894 = arith.constant 0 : i32
        %dma_wait3A_895 = tpu.memref_slice %arg24[%add3A_540, %dma_wait3A_894] : memref<32x64xf32, #tpu.memory_space<vmem_shared>> -> memref<1x64xf32, #tpu.memory_space<vmem_shared>>
        %dma_wait3A_896 = tpu.memref_squeeze %dma_wait3A_895 : memref<1x64xf32, #tpu.memory_space<vmem_shared>> -> memref<64xf32, #tpu.memory_space<vmem_shared>>
        tpu.wait_dma2 semaphore(%run_scoped3A : memref<!tpu.dma_semaphore, #tpu.memory_space<semaphore_mem>>) src(%dma_wait3A_896 : memref<64xf32, #tpu.memory_space<vmem_shared>>) dst(%arg19 : memref<64xf32, #tpu.memory_space<vmem>>)
        tpu.yield
      }) : () -> ()
      %get3A_541 = arith.constant 0 : index
      %get3A_542 = tpu.vector_load %arg18[%get3A_541] {strides = array<i32>} : memref<64xf32, #tpu.memory_space<vmem>>, vector<16xf32>,
      %get3A_543 = arith.constant 0 : index
      %get3A_544 = tpu.vector_load %arg19[%get3A_543] {strides = array<i32>} : memref<64xf32, #tpu.memory_space<vmem>>, vector<16xf32>,
      %add3A_545 = arith.addf %get3A_542, %get3A_544 : vector<16xf32>
      %swap3A_546 = arith.constant 0 : index
      %swap3A_547 = tpu.vector_load %arg18[%swap3A_546] {strides = array<i32>} : memref<64xf32, #tpu.memory_space<vmem>>, vector<16xf32>,
      tpu.vector_store %arg18[%swap3A_546], %add3A_545 {strides = array<i32>} : memref<64xf32, #tpu.memory_space<vmem>>, vector<16xf32>,
      %get3A_548 = arith.constant 16 : index
      %get3A_549 = tpu.vector_load %arg18[%get3A_548] {strides = array<i32>} : memref<64xf32, #tpu.memory_space<vmem>>, vector<16xf32>,
      %get3A_550 = arith.constant 16 : index
      %get3A_551 = tpu.vector_load %arg19[%get3A_550] {strides = array<i32>} : memref<64xf32, #tpu.memory_space<vmem>>, vector<16xf32>,
      %add3A_552 = arith.addf %get3A_549, %get3A_551 : vector<16xf32>
      %swap3A_553 = arith.constant 16 : index
      %swap3A_554 = tpu.vector_load %arg18[%swap3A_553] {strides = array<i32>} : memref<64xf32, #tpu.memory_space<vmem>>, vector<16xf32>,
      tpu.vector_store %arg18[%swap3A_553], %add3A_552 {strides = array<i32>} : memref<64xf32, #tpu.memory_space<vmem>>, vector<16xf32>,
      %get3A_555 = arith.constant 32 : index
      %get3A_556 = tpu.vector_load %arg18[%get3A_555] {strides = array<i32>} : memref<64xf32, #tpu.memory_space<vmem>>, vector<16xf32>,
      %get3A_557 = arith.constant 32 : index
      %get3A_558 = tpu.vector_load %arg19[%get3A_557] {strides = array<i32>} : memref<64xf32, #tpu.memory_space<vmem>>, vector<16xf32>,
      %add3A_559 = arith.addf %get3A_556, %get3A_558 : vector<16xf32>
      %swap3A_560 = arith.constant 32 : index
      %swap3A_561 = tpu.vector_load %arg18[%swap3A_560] {strides = array<i32>} : memref<64xf32, #tpu.memory_space<vmem>>, vector<16xf32>,
      tpu.vector_store %arg18[%swap3A_560], %add3A_559 {strides = array<i32>} : memref<64xf32, #tpu.memory_space<vmem>>, vector<16xf32>,
      %get3A_562 = arith.constant 48 : index
      %get3A_563 = tpu.vector_load %arg18[%get3A_562] {strides = array<i32>} : memref<64xf32, #tpu.memory_space<vmem>>, vector<16xf32>,
      %get3A_564 = arith.constant 48 : index
      %get3A_565 = tpu.vector_load %arg19[%get3A_564] {strides = array<i32>} : memref<64xf32, #tpu.memory_space<vmem>>, vector<16xf32>,
      %add3A_566 = arith.addf %get3A_563, %get3A_565 : vector<16xf32>
      %swap3A_567 = arith.constant 48 : index
      %swap3A_568 = tpu.vector_load %arg18[%swap3A_567] {strides = array<i32>} : memref<64xf32, #tpu.memory_space<vmem>>, vector<16xf32>,
      tpu.vector_store %arg18[%swap3A_567], %add3A_566 {strides = array<i32>} : memref<64xf32, #tpu.memory_space<vmem>>, vector<16xf32>,
      %mul3A_569 = arith.constant 8 : i32
      %mul3A_570 = arith.muli %select_n3A, %mul3A_569 : i32
      %add3A_571 = arith.constant 3 : i32
      %add3A_572 = arith.addi %mul3A_570, %add3A_571 : i32
      "tpu.region"() ({
        %run_scoped3A = tpu.sem_alloc : memref<!tpu.dma_semaphore, #tpu.memory_space<semaphore_mem>>
        %dma_start3A_885 = arith.constant 0 : i32
        %dma_start3A_886 = tpu.memref_slice %arg23[%add3A_572, %dma_start3A_885] : memref<32x2048xf32, #tpu.memory_space<vmem_shared>> -> memref<1x2048xf32, #tpu.memory_space<vmem_shared>>
        %dma_start3A_887 = tpu.memref_squeeze %dma_start3A_886 : memref<1x2048xf32, #tpu.memory_space<vmem_shared>> -> memref<2048xf32, #tpu.memory_space<vmem_shared>>
        %dma_start3A_888 = arith.constant 0 : i32
        %dma_start3A_889 = tpu.memref_slice %arg23[%add3A_572, %dma_start3A_888] : memref<32x2048xf32, #tpu.memory_space<vmem_shared>> -> memref<1x2048xf32, #tpu.memory_space<vmem_shared>>
        %dma_start3A_890 = tpu.memref_squeeze %dma_start3A_889 : memref<1x2048xf32, #tpu.memory_space<vmem_shared>> -> memref<2048xf32, #tpu.memory_space<vmem_shared>>
        tpu.enqueue_dma source(%dma_start3A_890 : memref<2048xf32, #tpu.memory_space<vmem_shared>>) target(%arg11 : memref<2048xf32, #tpu.memory_space<vmem>>) target_semaphore(%run_scoped3A : memref<!tpu.dma_semaphore, #tpu.memory_space<semaphore_mem>>)
        %dma_wait3A_891 = arith.constant 0 : i32
        %dma_wait3A_892 = tpu.memref_slice %arg23[%add3A_572, %dma_wait3A_891] : memref<32x2048xf32, #tpu.memory_space<vmem_shared>> -> memref<1x2048xf32, #tpu.memory_space<vmem_shared>>
        %dma_wait3A_893 = tpu.memref_squeeze %dma_wait3A_892 : memref<1x2048xf32, #tpu.memory_space<vmem_shared>> -> memref<2048xf32, #tpu.memory_space<vmem_shared>>
        %dma_wait3A_894 = arith.constant 0 : i32
        %dma_wait3A_895 = tpu.memref_slice %arg23[%add3A_572, %dma_wait3A_894] : memref<32x2048xf32, #tpu.memory_space<vmem_shared>> -> memref<1x2048xf32, #tpu.memory_space<vmem_shared>>
        %dma_wait3A_896 = tpu.memref_squeeze %dma_wait3A_895 : memref<1x2048xf32, #tpu.memory_space<vmem_shared>> -> memref<2048xf32, #tpu.memory_space<vmem_shared>>
        tpu.wait_dma2 semaphore(%run_scoped3A : memref<!tpu.dma_semaphore, #tpu.memory_space<semaphore_mem>>) src(%dma_wait3A_896 : memref<2048xf32, #tpu.memory_space<vmem_shared>>) dst(%arg11 : memref<2048xf32, #tpu.memory_space<vmem>>)
        tpu.yield
      }) : () -> ()
      %scan3A_573 = arith.constant 0 : i32
      %scan3A_574 = arith.constant 0 : i32
      %scan3A_575 = arith.constant 128 : i32
      %scan3A_576 = arith.addi %scan3A_574, %scan3A_575 : i32
      %scan3A_577 = arith.constant 1 : i32
      %scan3A_578 = scf.for %scan3A_885 = %scan3A_574 to %scan3A_576 step %scan3A_577 iter_args(%scan3A_886 = %scan3A_573) -> (i32)  : i32 {
        %mul3A_887 = arith.constant 16 : i32
        %mul3A_888 = arith.muli %scan3A_885, %mul3A_887 : i32
        %get3A_889 = arith.index_cast %mul3A_888 : i32 to index
        %get3A_890 = tpu.vector_load %arg17[%get3A_889] {strides = array<i32>} : memref<2048xf32, #tpu.memory_space<vmem>>, vector<16xf32>,
        %mul3A_891 = arith.constant 16 : i32
        %mul3A_892 = arith.muli %scan3A_885, %mul3A_891 : i32
        %get3A_893 = arith.index_cast %mul3A_892 : i32 to index
        %get3A_894 = tpu.vector_load %arg11[%get3A_893] {strides = array<i32>} : memref<2048xf32, #tpu.memory_space<vmem>>, vector<16xf32>,
        %add3A_895 = arith.addf %get3A_890, %get3A_894 : vector<16xf32>
        %swap3A_896 = arith.index_cast %mul3A_888 : i32 to index
        %swap3A_897 = tpu.vector_load %arg17[%swap3A_896] {strides = array<i32>} : memref<2048xf32, #tpu.memory_space<vmem>>, vector<16xf32>,
        tpu.vector_store %arg17[%swap3A_896], %add3A_895 {strides = array<i32>} : memref<2048xf32, #tpu.memory_space<vmem>>, vector<16xf32>,
        %scan3A_898 = arith.constant 0 : i32
        scf.yield %scan3A_898 : i32
      }
      %scan3A_579 = arith.constant 128 : i32
      %mul3A_580 = arith.constant 8 : i32
      %mul3A_581 = arith.muli %select_n3A, %mul3A_580 : i32
      %add3A_582 = arith.constant 3 : i32
      %add3A_583 = arith.addi %mul3A_581, %add3A_582 : i32
      "tpu.region"() ({
        %run_scoped3A = tpu.sem_alloc : memref<!tpu.dma_semaphore, #tpu.memory_space<semaphore_mem>>
        %dma_start3A_885 = arith.constant 0 : i32
        %dma_start3A_886 = tpu.memref_slice %arg24[%add3A_583, %dma_start3A_885] : memref<32x64xf32, #tpu.memory_space<vmem_shared>> -> memref<1x64xf32, #tpu.memory_space<vmem_shared>>
        %dma_start3A_887 = tpu.memref_squeeze %dma_start3A_886 : memref<1x64xf32, #tpu.memory_space<vmem_shared>> -> memref<64xf32, #tpu.memory_space<vmem_shared>>
        %dma_start3A_888 = arith.constant 0 : i32
        %dma_start3A_889 = tpu.memref_slice %arg24[%add3A_583, %dma_start3A_888] : memref<32x64xf32, #tpu.memory_space<vmem_shared>> -> memref<1x64xf32, #tpu.memory_space<vmem_shared>>
        %dma_start3A_890 = tpu.memref_squeeze %dma_start3A_889 : memref<1x64xf32, #tpu.memory_space<vmem_shared>> -> memref<64xf32, #tpu.memory_space<vmem_shared>>
        tpu.enqueue_dma source(%dma_start3A_890 : memref<64xf32, #tpu.memory_space<vmem_shared>>) target(%arg19 : memref<64xf32, #tpu.memory_space<vmem>>) target_semaphore(%run_scoped3A : memref<!tpu.dma_semaphore, #tpu.memory_space<semaphore_mem>>)
        %dma_wait3A_891 = arith.constant 0 : i32
        %dma_wait3A_892 = tpu.memref_slice %arg24[%add3A_583, %dma_wait3A_891] : memref<32x64xf32, #tpu.memory_space<vmem_shared>> -> memref<1x64xf32, #tpu.memory_space<vmem_shared>>
        %dma_wait3A_893 = tpu.memref_squeeze %dma_wait3A_892 : memref<1x64xf32, #tpu.memory_space<vmem_shared>> -> memref<64xf32, #tpu.memory_space<vmem_shared>>
        %dma_wait3A_894 = arith.constant 0 : i32
        %dma_wait3A_895 = tpu.memref_slice %arg24[%add3A_583, %dma_wait3A_894] : memref<32x64xf32, #tpu.memory_space<vmem_shared>> -> memref<1x64xf32, #tpu.memory_space<vmem_shared>>
        %dma_wait3A_896 = tpu.memref_squeeze %dma_wait3A_895 : memref<1x64xf32, #tpu.memory_space<vmem_shared>> -> memref<64xf32, #tpu.memory_space<vmem_shared>>
        tpu.wait_dma2 semaphore(%run_scoped3A : memref<!tpu.dma_semaphore, #tpu.memory_space<semaphore_mem>>) src(%dma_wait3A_896 : memref<64xf32, #tpu.memory_space<vmem_shared>>) dst(%arg19 : memref<64xf32, #tpu.memory_space<vmem>>)
        tpu.yield
      }) : () -> ()
      %get3A_584 = arith.constant 0 : index
      %get3A_585 = tpu.vector_load %arg18[%get3A_584] {strides = array<i32>} : memref<64xf32, #tpu.memory_space<vmem>>, vector<16xf32>,
      %get3A_586 = arith.constant 0 : index
      %get3A_587 = tpu.vector_load %arg19[%get3A_586] {strides = array<i32>} : memref<64xf32, #tpu.memory_space<vmem>>, vector<16xf32>,
      %add3A_588 = arith.addf %get3A_585, %get3A_587 : vector<16xf32>
      %swap3A_589 = arith.constant 0 : index
      %swap3A_590 = tpu.vector_load %arg18[%swap3A_589] {strides = array<i32>} : memref<64xf32, #tpu.memory_space<vmem>>, vector<16xf32>,
      tpu.vector_store %arg18[%swap3A_589], %add3A_588 {strides = array<i32>} : memref<64xf32, #tpu.memory_space<vmem>>, vector<16xf32>,
      %get3A_591 = arith.constant 16 : index
      %get3A_592 = tpu.vector_load %arg18[%get3A_591] {strides = array<i32>} : memref<64xf32, #tpu.memory_space<vmem>>, vector<16xf32>,
      %get3A_593 = arith.constant 16 : index
      %get3A_594 = tpu.vector_load %arg19[%get3A_593] {strides = array<i32>} : memref<64xf32, #tpu.memory_space<vmem>>, vector<16xf32>,
      %add3A_595 = arith.addf %get3A_592, %get3A_594 : vector<16xf32>
      %swap3A_596 = arith.constant 16 : index
      %swap3A_597 = tpu.vector_load %arg18[%swap3A_596] {strides = array<i32>} : memref<64xf32, #tpu.memory_space<vmem>>, vector<16xf32>,
      tpu.vector_store %arg18[%swap3A_596], %add3A_595 {strides = array<i32>} : memref<64xf32, #tpu.memory_space<vmem>>, vector<16xf32>,
      %get3A_598 = arith.constant 32 : index
      %get3A_599 = tpu.vector_load %arg18[%get3A_598] {strides = array<i32>} : memref<64xf32, #tpu.memory_space<vmem>>, vector<16xf32>,
      %get3A_600 = arith.constant 32 : index
      %get3A_601 = tpu.vector_load %arg19[%get3A_600] {strides = array<i32>} : memref<64xf32, #tpu.memory_space<vmem>>, vector<16xf32>,
      %add3A_602 = arith.addf %get3A_599, %get3A_601 : vector<16xf32>
      %swap3A_603 = arith.constant 32 : index
      %swap3A_604 = tpu.vector_load %arg18[%swap3A_603] {strides = array<i32>} : memref<64xf32, #tpu.memory_space<vmem>>, vector<16xf32>,
      tpu.vector_store %arg18[%swap3A_603], %add3A_602 {strides = array<i32>} : memref<64xf32, #tpu.memory_space<vmem>>, vector<16xf32>,
      %get3A_605 = arith.constant 48 : index
      %get3A_606 = tpu.vector_load %arg18[%get3A_605] {strides = array<i32>} : memref<64xf32, #tpu.memory_space<vmem>>, vector<16xf32>,
      %get3A_607 = arith.constant 48 : index
      %get3A_608 = tpu.vector_load %arg19[%get3A_607] {strides = array<i32>} : memref<64xf32, #tpu.memory_space<vmem>>, vector<16xf32>,
      %add3A_609 = arith.addf %get3A_606, %get3A_608 : vector<16xf32>
      %swap3A_610 = arith.constant 48 : index
      %swap3A_611 = tpu.vector_load %arg18[%swap3A_610] {strides = array<i32>} : memref<64xf32, #tpu.memory_space<vmem>>, vector<16xf32>,
      tpu.vector_store %arg18[%swap3A_610], %add3A_609 {strides = array<i32>} : memref<64xf32, #tpu.memory_space<vmem>>, vector<16xf32>,
      %mul3A_612 = arith.constant 8 : i32
      %mul3A_613 = arith.muli %select_n3A, %mul3A_612 : i32
      %add3A_614 = arith.constant 4 : i32
      %add3A_615 = arith.addi %mul3A_613, %add3A_614 : i32
      "tpu.region"() ({
        %run_scoped3A = tpu.sem_alloc : memref<!tpu.dma_semaphore, #tpu.memory_space<semaphore_mem>>
        %dma_start3A_885 = arith.constant 0 : i32
        %dma_start3A_886 = tpu.memref_slice %arg23[%add3A_615, %dma_start3A_885] : memref<32x2048xf32, #tpu.memory_space<vmem_shared>> -> memref<1x2048xf32, #tpu.memory_space<vmem_shared>>
        %dma_start3A_887 = tpu.memref_squeeze %dma_start3A_886 : memref<1x2048xf32, #tpu.memory_space<vmem_shared>> -> memref<2048xf32, #tpu.memory_space<vmem_shared>>
        %dma_start3A_888 = arith.constant 0 : i32
        %dma_start3A_889 = tpu.memref_slice %arg23[%add3A_615, %dma_start3A_888] : memref<32x2048xf32, #tpu.memory_space<vmem_shared>> -> memref<1x2048xf32, #tpu.memory_space<vmem_shared>>
        %dma_start3A_890 = tpu.memref_squeeze %dma_start3A_889 : memref<1x2048xf32, #tpu.memory_space<vmem_shared>> -> memref<2048xf32, #tpu.memory_space<vmem_shared>>
        tpu.enqueue_dma source(%dma_start3A_890 : memref<2048xf32, #tpu.memory_space<vmem_shared>>) target(%arg11 : memref<2048xf32, #tpu.memory_space<vmem>>) target_semaphore(%run_scoped3A : memref<!tpu.dma_semaphore, #tpu.memory_space<semaphore_mem>>)
        %dma_wait3A_891 = arith.constant 0 : i32
        %dma_wait3A_892 = tpu.memref_slice %arg23[%add3A_615, %dma_wait3A_891] : memref<32x2048xf32, #tpu.memory_space<vmem_shared>> -> memref<1x2048xf32, #tpu.memory_space<vmem_shared>>
        %dma_wait3A_893 = tpu.memref_squeeze %dma_wait3A_892 : memref<1x2048xf32, #tpu.memory_space<vmem_shared>> -> memref<2048xf32, #tpu.memory_space<vmem_shared>>
        %dma_wait3A_894 = arith.constant 0 : i32
        %dma_wait3A_895 = tpu.memref_slice %arg23[%add3A_615, %dma_wait3A_894] : memref<32x2048xf32, #tpu.memory_space<vmem_shared>> -> memref<1x2048xf32, #tpu.memory_space<vmem_shared>>
        %dma_wait3A_896 = tpu.memref_squeeze %dma_wait3A_895 : memref<1x2048xf32, #tpu.memory_space<vmem_shared>> -> memref<2048xf32, #tpu.memory_space<vmem_shared>>
        tpu.wait_dma2 semaphore(%run_scoped3A : memref<!tpu.dma_semaphore, #tpu.memory_space<semaphore_mem>>) src(%dma_wait3A_896 : memref<2048xf32, #tpu.memory_space<vmem_shared>>) dst(%arg11 : memref<2048xf32, #tpu.memory_space<vmem>>)
        tpu.yield
      }) : () -> ()
      %scan3A_616 = arith.constant 0 : i32
      %scan3A_617 = arith.constant 0 : i32
      %scan3A_618 = arith.constant 128 : i32
      %scan3A_619 = arith.addi %scan3A_617, %scan3A_618 : i32
      %scan3A_620 = arith.constant 1 : i32
      %scan3A_621 = scf.for %scan3A_885 = %scan3A_617 to %scan3A_619 step %scan3A_620 iter_args(%scan3A_886 = %scan3A_616) -> (i32)  : i32 {
        %mul3A_887 = arith.constant 16 : i32
        %mul3A_888 = arith.muli %scan3A_885, %mul3A_887 : i32
        %get3A_889 = arith.index_cast %mul3A_888 : i32 to index
        %get3A_890 = tpu.vector_load %arg17[%get3A_889] {strides = array<i32>} : memref<2048xf32, #tpu.memory_space<vmem>>, vector<16xf32>,
        %mul3A_891 = arith.constant 16 : i32
        %mul3A_892 = arith.muli %scan3A_885, %mul3A_891 : i32
        %get3A_893 = arith.index_cast %mul3A_892 : i32 to index
        %get3A_894 = tpu.vector_load %arg11[%get3A_893] {strides = array<i32>} : memref<2048xf32, #tpu.memory_space<vmem>>, vector<16xf32>,
        %add3A_895 = arith.addf %get3A_890, %get3A_894 : vector<16xf32>
        %swap3A_896 = arith.index_cast %mul3A_888 : i32 to index
        %swap3A_897 = tpu.vector_load %arg17[%swap3A_896] {strides = array<i32>} : memref<2048xf32, #tpu.memory_space<vmem>>, vector<16xf32>,
        tpu.vector_store %arg17[%swap3A_896], %add3A_895 {strides = array<i32>} : memref<2048xf32, #tpu.memory_space<vmem>>, vector<16xf32>,
        %scan3A_898 = arith.constant 0 : i32
        scf.yield %scan3A_898 : i32
      }
      %scan3A_622 = arith.constant 128 : i32
      %mul3A_623 = arith.constant 8 : i32
      %mul3A_624 = arith.muli %select_n3A, %mul3A_623 : i32
      %add3A_625 = arith.constant 4 : i32
      %add3A_626 = arith.addi %mul3A_624, %add3A_625 : i32
      "tpu.region"() ({
        %run_scoped3A = tpu.sem_alloc : memref<!tpu.dma_semaphore, #tpu.memory_space<semaphore_mem>>
        %dma_start3A_885 = arith.constant 0 : i32
        %dma_start3A_886 = tpu.memref_slice %arg24[%add3A_626, %dma_start3A_885] : memref<32x64xf32, #tpu.memory_space<vmem_shared>> -> memref<1x64xf32, #tpu.memory_space<vmem_shared>>
        %dma_start3A_887 = tpu.memref_squeeze %dma_start3A_886 : memref<1x64xf32, #tpu.memory_space<vmem_shared>> -> memref<64xf32, #tpu.memory_space<vmem_shared>>
        %dma_start3A_888 = arith.constant 0 : i32
        %dma_start3A_889 = tpu.memref_slice %arg24[%add3A_626, %dma_start3A_888] : memref<32x64xf32, #tpu.memory_space<vmem_shared>> -> memref<1x64xf32, #tpu.memory_space<vmem_shared>>
        %dma_start3A_890 = tpu.memref_squeeze %dma_start3A_889 : memref<1x64xf32, #tpu.memory_space<vmem_shared>> -> memref<64xf32, #tpu.memory_space<vmem_shared>>
        tpu.enqueue_dma source(%dma_start3A_890 : memref<64xf32, #tpu.memory_space<vmem_shared>>) target(%arg19 : memref<64xf32, #tpu.memory_space<vmem>>) target_semaphore(%run_scoped3A : memref<!tpu.dma_semaphore, #tpu.memory_space<semaphore_mem>>)
        %dma_wait3A_891 = arith.constant 0 : i32
        %dma_wait3A_892 = tpu.memref_slice %arg24[%add3A_626, %dma_wait3A_891] : memref<32x64xf32, #tpu.memory_space<vmem_shared>> -> memref<1x64xf32, #tpu.memory_space<vmem_shared>>
        %dma_wait3A_893 = tpu.memref_squeeze %dma_wait3A_892 : memref<1x64xf32, #tpu.memory_space<vmem_shared>> -> memref<64xf32, #tpu.memory_space<vmem_shared>>
        %dma_wait3A_894 = arith.constant 0 : i32
        %dma_wait3A_895 = tpu.memref_slice %arg24[%add3A_626, %dma_wait3A_894] : memref<32x64xf32, #tpu.memory_space<vmem_shared>> -> memref<1x64xf32, #tpu.memory_space<vmem_shared>>
        %dma_wait3A_896 = tpu.memref_squeeze %dma_wait3A_895 : memref<1x64xf32, #tpu.memory_space<vmem_shared>> -> memref<64xf32, #tpu.memory_space<vmem_shared>>
        tpu.wait_dma2 semaphore(%run_scoped3A : memref<!tpu.dma_semaphore, #tpu.memory_space<semaphore_mem>>) src(%dma_wait3A_896 : memref<64xf32, #tpu.memory_space<vmem_shared>>) dst(%arg19 : memref<64xf32, #tpu.memory_space<vmem>>)
        tpu.yield
      }) : () -> ()
      %get3A_627 = arith.constant 0 : index
      %get3A_628 = tpu.vector_load %arg18[%get3A_627] {strides = array<i32>} : memref<64xf32, #tpu.memory_space<vmem>>, vector<16xf32>,
      %get3A_629 = arith.constant 0 : index
      %get3A_630 = tpu.vector_load %arg19[%get3A_629] {strides = array<i32>} : memref<64xf32, #tpu.memory_space<vmem>>, vector<16xf32>,
      %add3A_631 = arith.addf %get3A_628, %get3A_630 : vector<16xf32>
      %swap3A_632 = arith.constant 0 : index
      %swap3A_633 = tpu.vector_load %arg18[%swap3A_632] {strides = array<i32>} : memref<64xf32, #tpu.memory_space<vmem>>, vector<16xf32>,
      tpu.vector_store %arg18[%swap3A_632], %add3A_631 {strides = array<i32>} : memref<64xf32, #tpu.memory_space<vmem>>, vector<16xf32>,
      %get3A_634 = arith.constant 16 : index
      %get3A_635 = tpu.vector_load %arg18[%get3A_634] {strides = array<i32>} : memref<64xf32, #tpu.memory_space<vmem>>, vector<16xf32>,
      %get3A_636 = arith.constant 16 : index
      %get3A_637 = tpu.vector_load %arg19[%get3A_636] {strides = array<i32>} : memref<64xf32, #tpu.memory_space<vmem>>, vector<16xf32>,
      %add3A_638 = arith.addf %get3A_635, %get3A_637 : vector<16xf32>
      %swap3A_639 = arith.constant 16 : index
      %swap3A_640 = tpu.vector_load %arg18[%swap3A_639] {strides = array<i32>} : memref<64xf32, #tpu.memory_space<vmem>>, vector<16xf32>,
      tpu.vector_store %arg18[%swap3A_639], %add3A_638 {strides = array<i32>} : memref<64xf32, #tpu.memory_space<vmem>>, vector<16xf32>,
      %get3A_641 = arith.constant 32 : index
      %get3A_642 = tpu.vector_load %arg18[%get3A_641] {strides = array<i32>} : memref<64xf32, #tpu.memory_space<vmem>>, vector<16xf32>,
      %get3A_643 = arith.constant 32 : index
      %get3A_644 = tpu.vector_load %arg19[%get3A_643] {strides = array<i32>} : memref<64xf32, #tpu.memory_space<vmem>>, vector<16xf32>,
      %add3A_645 = arith.addf %get3A_642, %get3A_644 : vector<16xf32>
      %swap3A_646 = arith.constant 32 : index
      %swap3A_647 = tpu.vector_load %arg18[%swap3A_646] {strides = array<i32>} : memref<64xf32, #tpu.memory_space<vmem>>, vector<16xf32>,
      tpu.vector_store %arg18[%swap3A_646], %add3A_645 {strides = array<i32>} : memref<64xf32, #tpu.memory_space<vmem>>, vector<16xf32>,
      %get3A_648 = arith.constant 48 : index
      %get3A_649 = tpu.vector_load %arg18[%get3A_648] {strides = array<i32>} : memref<64xf32, #tpu.memory_space<vmem>>, vector<16xf32>,
      %get3A_650 = arith.constant 48 : index
      %get3A_651 = tpu.vector_load %arg19[%get3A_650] {strides = array<i32>} : memref<64xf32, #tpu.memory_space<vmem>>, vector<16xf32>,
      %add3A_652 = arith.addf %get3A_649, %get3A_651 : vector<16xf32>
      %swap3A_653 = arith.constant 48 : index
      %swap3A_654 = tpu.vector_load %arg18[%swap3A_653] {strides = array<i32>} : memref<64xf32, #tpu.memory_space<vmem>>, vector<16xf32>,
      tpu.vector_store %arg18[%swap3A_653], %add3A_652 {strides = array<i32>} : memref<64xf32, #tpu.memory_space<vmem>>, vector<16xf32>,
      %mul3A_655 = arith.constant 8 : i32
      %mul3A_656 = arith.muli %select_n3A, %mul3A_655 : i32
      %add3A_657 = arith.constant 5 : i32
      %add3A_658 = arith.addi %mul3A_656, %add3A_657 : i32
      "tpu.region"() ({
        %run_scoped3A = tpu.sem_alloc : memref<!tpu.dma_semaphore, #tpu.memory_space<semaphore_mem>>
        %dma_start3A_885 = arith.constant 0 : i32
        %dma_start3A_886 = tpu.memref_slice %arg23[%add3A_658, %dma_start3A_885] : memref<32x2048xf32, #tpu.memory_space<vmem_shared>> -> memref<1x2048xf32, #tpu.memory_space<vmem_shared>>
        %dma_start3A_887 = tpu.memref_squeeze %dma_start3A_886 : memref<1x2048xf32, #tpu.memory_space<vmem_shared>> -> memref<2048xf32, #tpu.memory_space<vmem_shared>>
        %dma_start3A_888 = arith.constant 0 : i32
        %dma_start3A_889 = tpu.memref_slice %arg23[%add3A_658, %dma_start3A_888] : memref<32x2048xf32, #tpu.memory_space<vmem_shared>> -> memref<1x2048xf32, #tpu.memory_space<vmem_shared>>
        %dma_start3A_890 = tpu.memref_squeeze %dma_start3A_889 : memref<1x2048xf32, #tpu.memory_space<vmem_shared>> -> memref<2048xf32, #tpu.memory_space<vmem_shared>>
        tpu.enqueue_dma source(%dma_start3A_890 : memref<2048xf32, #tpu.memory_space<vmem_shared>>) target(%arg11 : memref<2048xf32, #tpu.memory_space<vmem>>) target_semaphore(%run_scoped3A : memref<!tpu.dma_semaphore, #tpu.memory_space<semaphore_mem>>)
        %dma_wait3A_891 = arith.constant 0 : i32
        %dma_wait3A_892 = tpu.memref_slice %arg23[%add3A_658, %dma_wait3A_891] : memref<32x2048xf32, #tpu.memory_space<vmem_shared>> -> memref<1x2048xf32, #tpu.memory_space<vmem_shared>>
        %dma_wait3A_893 = tpu.memref_squeeze %dma_wait3A_892 : memref<1x2048xf32, #tpu.memory_space<vmem_shared>> -> memref<2048xf32, #tpu.memory_space<vmem_shared>>
        %dma_wait3A_894 = arith.constant 0 : i32
        %dma_wait3A_895 = tpu.memref_slice %arg23[%add3A_658, %dma_wait3A_894] : memref<32x2048xf32, #tpu.memory_space<vmem_shared>> -> memref<1x2048xf32, #tpu.memory_space<vmem_shared>>
        %dma_wait3A_896 = tpu.memref_squeeze %dma_wait3A_895 : memref<1x2048xf32, #tpu.memory_space<vmem_shared>> -> memref<2048xf32, #tpu.memory_space<vmem_shared>>
        tpu.wait_dma2 semaphore(%run_scoped3A : memref<!tpu.dma_semaphore, #tpu.memory_space<semaphore_mem>>) src(%dma_wait3A_896 : memref<2048xf32, #tpu.memory_space<vmem_shared>>) dst(%arg11 : memref<2048xf32, #tpu.memory_space<vmem>>)
        tpu.yield
      }) : () -> ()
      %scan3A_659 = arith.constant 0 : i32
      %scan3A_660 = arith.constant 0 : i32
      %scan3A_661 = arith.constant 128 : i32
      %scan3A_662 = arith.addi %scan3A_660, %scan3A_661 : i32
      %scan3A_663 = arith.constant 1 : i32
      %scan3A_664 = scf.for %scan3A_885 = %scan3A_660 to %scan3A_662 step %scan3A_663 iter_args(%scan3A_886 = %scan3A_659) -> (i32)  : i32 {
        %mul3A_887 = arith.constant 16 : i32
        %mul3A_888 = arith.muli %scan3A_885, %mul3A_887 : i32
        %get3A_889 = arith.index_cast %mul3A_888 : i32 to index
        %get3A_890 = tpu.vector_load %arg17[%get3A_889] {strides = array<i32>} : memref<2048xf32, #tpu.memory_space<vmem>>, vector<16xf32>,
        %mul3A_891 = arith.constant 16 : i32
        %mul3A_892 = arith.muli %scan3A_885, %mul3A_891 : i32
        %get3A_893 = arith.index_cast %mul3A_892 : i32 to index
        %get3A_894 = tpu.vector_load %arg11[%get3A_893] {strides = array<i32>} : memref<2048xf32, #tpu.memory_space<vmem>>, vector<16xf32>,
        %add3A_895 = arith.addf %get3A_890, %get3A_894 : vector<16xf32>
        %swap3A_896 = arith.index_cast %mul3A_888 : i32 to index
        %swap3A_897 = tpu.vector_load %arg17[%swap3A_896] {strides = array<i32>} : memref<2048xf32, #tpu.memory_space<vmem>>, vector<16xf32>,
        tpu.vector_store %arg17[%swap3A_896], %add3A_895 {strides = array<i32>} : memref<2048xf32, #tpu.memory_space<vmem>>, vector<16xf32>,
        %scan3A_898 = arith.constant 0 : i32
        scf.yield %scan3A_898 : i32
      }
      %scan3A_665 = arith.constant 128 : i32
      %mul3A_666 = arith.constant 8 : i32
      %mul3A_667 = arith.muli %select_n3A, %mul3A_666 : i32
      %add3A_668 = arith.constant 5 : i32
      %add3A_669 = arith.addi %mul3A_667, %add3A_668 : i32
      "tpu.region"() ({
        %run_scoped3A = tpu.sem_alloc : memref<!tpu.dma_semaphore, #tpu.memory_space<semaphore_mem>>
        %dma_start3A_885 = arith.constant 0 : i32
        %dma_start3A_886 = tpu.memref_slice %arg24[%add3A_669, %dma_start3A_885] : memref<32x64xf32, #tpu.memory_space<vmem_shared>> -> memref<1x64xf32, #tpu.memory_space<vmem_shared>>
        %dma_start3A_887 = tpu.memref_squeeze %dma_start3A_886 : memref<1x64xf32, #tpu.memory_space<vmem_shared>> -> memref<64xf32, #tpu.memory_space<vmem_shared>>
        %dma_start3A_888 = arith.constant 0 : i32
        %dma_start3A_889 = tpu.memref_slice %arg24[%add3A_669, %dma_start3A_888] : memref<32x64xf32, #tpu.memory_space<vmem_shared>> -> memref<1x64xf32, #tpu.memory_space<vmem_shared>>
        %dma_start3A_890 = tpu.memref_squeeze %dma_start3A_889 : memref<1x64xf32, #tpu.memory_space<vmem_shared>> -> memref<64xf32, #tpu.memory_space<vmem_shared>>
        tpu.enqueue_dma source(%dma_start3A_890 : memref<64xf32, #tpu.memory_space<vmem_shared>>) target(%arg19 : memref<64xf32, #tpu.memory_space<vmem>>) target_semaphore(%run_scoped3A : memref<!tpu.dma_semaphore, #tpu.memory_space<semaphore_mem>>)
        %dma_wait3A_891 = arith.constant 0 : i32
        %dma_wait3A_892 = tpu.memref_slice %arg24[%add3A_669, %dma_wait3A_891] : memref<32x64xf32, #tpu.memory_space<vmem_shared>> -> memref<1x64xf32, #tpu.memory_space<vmem_shared>>
        %dma_wait3A_893 = tpu.memref_squeeze %dma_wait3A_892 : memref<1x64xf32, #tpu.memory_space<vmem_shared>> -> memref<64xf32, #tpu.memory_space<vmem_shared>>
        %dma_wait3A_894 = arith.constant 0 : i32
        %dma_wait3A_895 = tpu.memref_slice %arg24[%add3A_669, %dma_wait3A_894] : memref<32x64xf32, #tpu.memory_space<vmem_shared>> -> memref<1x64xf32, #tpu.memory_space<vmem_shared>>
        %dma_wait3A_896 = tpu.memref_squeeze %dma_wait3A_895 : memref<1x64xf32, #tpu.memory_space<vmem_shared>> -> memref<64xf32, #tpu.memory_space<vmem_shared>>
        tpu.wait_dma2 semaphore(%run_scoped3A : memref<!tpu.dma_semaphore, #tpu.memory_space<semaphore_mem>>) src(%dma_wait3A_896 : memref<64xf32, #tpu.memory_space<vmem_shared>>) dst(%arg19 : memref<64xf32, #tpu.memory_space<vmem>>)
        tpu.yield
      }) : () -> ()
      %get3A_670 = arith.constant 0 : index
      %get3A_671 = tpu.vector_load %arg18[%get3A_670] {strides = array<i32>} : memref<64xf32, #tpu.memory_space<vmem>>, vector<16xf32>,
      %get3A_672 = arith.constant 0 : index
      %get3A_673 = tpu.vector_load %arg19[%get3A_672] {strides = array<i32>} : memref<64xf32, #tpu.memory_space<vmem>>, vector<16xf32>,
      %add3A_674 = arith.addf %get3A_671, %get3A_673 : vector<16xf32>
      %swap3A_675 = arith.constant 0 : index
      %swap3A_676 = tpu.vector_load %arg18[%swap3A_675] {strides = array<i32>} : memref<64xf32, #tpu.memory_space<vmem>>, vector<16xf32>,
      tpu.vector_store %arg18[%swap3A_675], %add3A_674 {strides = array<i32>} : memref<64xf32, #tpu.memory_space<vmem>>, vector<16xf32>,
      %get3A_677 = arith.constant 16 : index
      %get3A_678 = tpu.vector_load %arg18[%get3A_677] {strides = array<i32>} : memref<64xf32, #tpu.memory_space<vmem>>, vector<16xf32>,
      %get3A_679 = arith.constant 16 : index
      %get3A_680 = tpu.vector_load %arg19[%get3A_679] {strides = array<i32>} : memref<64xf32, #tpu.memory_space<vmem>>, vector<16xf32>,
      %add3A_681 = arith.addf %get3A_678, %get3A_680 : vector<16xf32>
      %swap3A_682 = arith.constant 16 : index
      %swap3A_683 = tpu.vector_load %arg18[%swap3A_682] {strides = array<i32>} : memref<64xf32, #tpu.memory_space<vmem>>, vector<16xf32>,
      tpu.vector_store %arg18[%swap3A_682], %add3A_681 {strides = array<i32>} : memref<64xf32, #tpu.memory_space<vmem>>, vector<16xf32>,
      %get3A_684 = arith.constant 32 : index
      %get3A_685 = tpu.vector_load %arg18[%get3A_684] {strides = array<i32>} : memref<64xf32, #tpu.memory_space<vmem>>, vector<16xf32>,
      %get3A_686 = arith.constant 32 : index
      %get3A_687 = tpu.vector_load %arg19[%get3A_686] {strides = array<i32>} : memref<64xf32, #tpu.memory_space<vmem>>, vector<16xf32>,
      %add3A_688 = arith.addf %get3A_685, %get3A_687 : vector<16xf32>
      %swap3A_689 = arith.constant 32 : index
      %swap3A_690 = tpu.vector_load %arg18[%swap3A_689] {strides = array<i32>} : memref<64xf32, #tpu.memory_space<vmem>>, vector<16xf32>,
      tpu.vector_store %arg18[%swap3A_689], %add3A_688 {strides = array<i32>} : memref<64xf32, #tpu.memory_space<vmem>>, vector<16xf32>,
      %get3A_691 = arith.constant 48 : index
      %get3A_692 = tpu.vector_load %arg18[%get3A_691] {strides = array<i32>} : memref<64xf32, #tpu.memory_space<vmem>>, vector<16xf32>,
      %get3A_693 = arith.constant 48 : index
      %get3A_694 = tpu.vector_load %arg19[%get3A_693] {strides = array<i32>} : memref<64xf32, #tpu.memory_space<vmem>>, vector<16xf32>,
      %add3A_695 = arith.addf %get3A_692, %get3A_694 : vector<16xf32>
      %swap3A_696 = arith.constant 48 : index
      %swap3A_697 = tpu.vector_load %arg18[%swap3A_696] {strides = array<i32>} : memref<64xf32, #tpu.memory_space<vmem>>, vector<16xf32>,
      tpu.vector_store %arg18[%swap3A_696], %add3A_695 {strides = array<i32>} : memref<64xf32, #tpu.memory_space<vmem>>, vector<16xf32>,
      %mul3A_698 = arith.constant 8 : i32
      %mul3A_699 = arith.muli %select_n3A, %mul3A_698 : i32
      %add3A_700 = arith.constant 6 : i32
      %add3A_701 = arith.addi %mul3A_699, %add3A_700 : i32
      "tpu.region"() ({
        %run_scoped3A = tpu.sem_alloc : memref<!tpu.dma_semaphore, #tpu.memory_space<semaphore_mem>>
        %dma_start3A_885 = arith.constant 0 : i32
        %dma_start3A_886 = tpu.memref_slice %arg23[%add3A_701, %dma_start3A_885] : memref<32x2048xf32, #tpu.memory_space<vmem_shared>> -> memref<1x2048xf32, #tpu.memory_space<vmem_shared>>
        %dma_start3A_887 = tpu.memref_squeeze %dma_start3A_886 : memref<1x2048xf32, #tpu.memory_space<vmem_shared>> -> memref<2048xf32, #tpu.memory_space<vmem_shared>>
        %dma_start3A_888 = arith.constant 0 : i32
        %dma_start3A_889 = tpu.memref_slice %arg23[%add3A_701, %dma_start3A_888] : memref<32x2048xf32, #tpu.memory_space<vmem_shared>> -> memref<1x2048xf32, #tpu.memory_space<vmem_shared>>
        %dma_start3A_890 = tpu.memref_squeeze %dma_start3A_889 : memref<1x2048xf32, #tpu.memory_space<vmem_shared>> -> memref<2048xf32, #tpu.memory_space<vmem_shared>>
        tpu.enqueue_dma source(%dma_start3A_890 : memref<2048xf32, #tpu.memory_space<vmem_shared>>) target(%arg11 : memref<2048xf32, #tpu.memory_space<vmem>>) target_semaphore(%run_scoped3A : memref<!tpu.dma_semaphore, #tpu.memory_space<semaphore_mem>>)
        %dma_wait3A_891 = arith.constant 0 : i32
        %dma_wait3A_892 = tpu.memref_slice %arg23[%add3A_701, %dma_wait3A_891] : memref<32x2048xf32, #tpu.memory_space<vmem_shared>> -> memref<1x2048xf32, #tpu.memory_space<vmem_shared>>
        %dma_wait3A_893 = tpu.memref_squeeze %dma_wait3A_892 : memref<1x2048xf32, #tpu.memory_space<vmem_shared>> -> memref<2048xf32, #tpu.memory_space<vmem_shared>>
        %dma_wait3A_894 = arith.constant 0 : i32
        %dma_wait3A_895 = tpu.memref_slice %arg23[%add3A_701, %dma_wait3A_894] : memref<32x2048xf32, #tpu.memory_space<vmem_shared>> -> memref<1x2048xf32, #tpu.memory_space<vmem_shared>>
        %dma_wait3A_896 = tpu.memref_squeeze %dma_wait3A_895 : memref<1x2048xf32, #tpu.memory_space<vmem_shared>> -> memref<2048xf32, #tpu.memory_space<vmem_shared>>
        tpu.wait_dma2 semaphore(%run_scoped3A : memref<!tpu.dma_semaphore, #tpu.memory_space<semaphore_mem>>) src(%dma_wait3A_896 : memref<2048xf32, #tpu.memory_space<vmem_shared>>) dst(%arg11 : memref<2048xf32, #tpu.memory_space<vmem>>)
        tpu.yield
      }) : () -> ()
      %scan3A_702 = arith.constant 0 : i32
      %scan3A_703 = arith.constant 0 : i32
      %scan3A_704 = arith.constant 128 : i32
      %scan3A_705 = arith.addi %scan3A_703, %scan3A_704 : i32
      %scan3A_706 = arith.constant 1 : i32
      %scan3A_707 = scf.for %scan3A_885 = %scan3A_703 to %scan3A_705 step %scan3A_706 iter_args(%scan3A_886 = %scan3A_702) -> (i32)  : i32 {
        %mul3A_887 = arith.constant 16 : i32
        %mul3A_888 = arith.muli %scan3A_885, %mul3A_887 : i32
        %get3A_889 = arith.index_cast %mul3A_888 : i32 to index
        %get3A_890 = tpu.vector_load %arg17[%get3A_889] {strides = array<i32>} : memref<2048xf32, #tpu.memory_space<vmem>>, vector<16xf32>,
        %mul3A_891 = arith.constant 16 : i32
        %mul3A_892 = arith.muli %scan3A_885, %mul3A_891 : i32
        %get3A_893 = arith.index_cast %mul3A_892 : i32 to index
        %get3A_894 = tpu.vector_load %arg11[%get3A_893] {strides = array<i32>} : memref<2048xf32, #tpu.memory_space<vmem>>, vector<16xf32>,
        %add3A_895 = arith.addf %get3A_890, %get3A_894 : vector<16xf32>
        %swap3A_896 = arith.index_cast %mul3A_888 : i32 to index
        %swap3A_897 = tpu.vector_load %arg17[%swap3A_896] {strides = array<i32>} : memref<2048xf32, #tpu.memory_space<vmem>>, vector<16xf32>,
        tpu.vector_store %arg17[%swap3A_896], %add3A_895 {strides = array<i32>} : memref<2048xf32, #tpu.memory_space<vmem>>, vector<16xf32>,
        %scan3A_898 = arith.constant 0 : i32
        scf.yield %scan3A_898 : i32
      }
      %scan3A_708 = arith.constant 128 : i32
      %mul3A_709 = arith.constant 8 : i32
      %mul3A_710 = arith.muli %select_n3A, %mul3A_709 : i32
      %add3A_711 = arith.constant 6 : i32
      %add3A_712 = arith.addi %mul3A_710, %add3A_711 : i32
      "tpu.region"() ({
        %run_scoped3A = tpu.sem_alloc : memref<!tpu.dma_semaphore, #tpu.memory_space<semaphore_mem>>
        %dma_start3A_885 = arith.constant 0 : i32
        %dma_start3A_886 = tpu.memref_slice %arg24[%add3A_712, %dma_start3A_885] : memref<32x64xf32, #tpu.memory_space<vmem_shared>> -> memref<1x64xf32, #tpu.memory_space<vmem_shared>>
        %dma_start3A_887 = tpu.memref_squeeze %dma_start3A_886 : memref<1x64xf32, #tpu.memory_space<vmem_shared>> -> memref<64xf32, #tpu.memory_space<vmem_shared>>
        %dma_start3A_888 = arith.constant 0 : i32
        %dma_start3A_889 = tpu.memref_slice %arg24[%add3A_712, %dma_start3A_888] : memref<32x64xf32, #tpu.memory_space<vmem_shared>> -> memref<1x64xf32, #tpu.memory_space<vmem_shared>>
        %dma_start3A_890 = tpu.memref_squeeze %dma_start3A_889 : memref<1x64xf32, #tpu.memory_space<vmem_shared>> -> memref<64xf32, #tpu.memory_space<vmem_shared>>
        tpu.enqueue_dma source(%dma_start3A_890 : memref<64xf32, #tpu.memory_space<vmem_shared>>) target(%arg19 : memref<64xf32, #tpu.memory_space<vmem>>) target_semaphore(%run_scoped3A : memref<!tpu.dma_semaphore, #tpu.memory_space<semaphore_mem>>)
        %dma_wait3A_891 = arith.constant 0 : i32
        %dma_wait3A_892 = tpu.memref_slice %arg24[%add3A_712, %dma_wait3A_891] : memref<32x64xf32, #tpu.memory_space<vmem_shared>> -> memref<1x64xf32, #tpu.memory_space<vmem_shared>>
        %dma_wait3A_893 = tpu.memref_squeeze %dma_wait3A_892 : memref<1x64xf32, #tpu.memory_space<vmem_shared>> -> memref<64xf32, #tpu.memory_space<vmem_shared>>
        %dma_wait3A_894 = arith.constant 0 : i32
        %dma_wait3A_895 = tpu.memref_slice %arg24[%add3A_712, %dma_wait3A_894] : memref<32x64xf32, #tpu.memory_space<vmem_shared>> -> memref<1x64xf32, #tpu.memory_space<vmem_shared>>
        %dma_wait3A_896 = tpu.memref_squeeze %dma_wait3A_895 : memref<1x64xf32, #tpu.memory_space<vmem_shared>> -> memref<64xf32, #tpu.memory_space<vmem_shared>>
        tpu.wait_dma2 semaphore(%run_scoped3A : memref<!tpu.dma_semaphore, #tpu.memory_space<semaphore_mem>>) src(%dma_wait3A_896 : memref<64xf32, #tpu.memory_space<vmem_shared>>) dst(%arg19 : memref<64xf32, #tpu.memory_space<vmem>>)
        tpu.yield
      }) : () -> ()
      %get3A_713 = arith.constant 0 : index
      %get3A_714 = tpu.vector_load %arg18[%get3A_713] {strides = array<i32>} : memref<64xf32, #tpu.memory_space<vmem>>, vector<16xf32>,
      %get3A_715 = arith.constant 0 : index
      %get3A_716 = tpu.vector_load %arg19[%get3A_715] {strides = array<i32>} : memref<64xf32, #tpu.memory_space<vmem>>, vector<16xf32>,
      %add3A_717 = arith.addf %get3A_714, %get3A_716 : vector<16xf32>
      %swap3A_718 = arith.constant 0 : index
      %swap3A_719 = tpu.vector_load %arg18[%swap3A_718] {strides = array<i32>} : memref<64xf32, #tpu.memory_space<vmem>>, vector<16xf32>,
      tpu.vector_store %arg18[%swap3A_718], %add3A_717 {strides = array<i32>} : memref<64xf32, #tpu.memory_space<vmem>>, vector<16xf32>,
      %get3A_720 = arith.constant 16 : index
      %get3A_721 = tpu.vector_load %arg18[%get3A_720] {strides = array<i32>} : memref<64xf32, #tpu.memory_space<vmem>>, vector<16xf32>,
      %get3A_722 = arith.constant 16 : index
      %get3A_723 = tpu.vector_load %arg19[%get3A_722] {strides = array<i32>} : memref<64xf32, #tpu.memory_space<vmem>>, vector<16xf32>,
      %add3A_724 = arith.addf %get3A_721, %get3A_723 : vector<16xf32>
      %swap3A_725 = arith.constant 16 : index
      %swap3A_726 = tpu.vector_load %arg18[%swap3A_725] {strides = array<i32>} : memref<64xf32, #tpu.memory_space<vmem>>, vector<16xf32>,
      tpu.vector_store %arg18[%swap3A_725], %add3A_724 {strides = array<i32>} : memref<64xf32, #tpu.memory_space<vmem>>, vector<16xf32>,
      %get3A_727 = arith.constant 32 : index
      %get3A_728 = tpu.vector_load %arg18[%get3A_727] {strides = array<i32>} : memref<64xf32, #tpu.memory_space<vmem>>, vector<16xf32>,
      %get3A_729 = arith.constant 32 : index
      %get3A_730 = tpu.vector_load %arg19[%get3A_729] {strides = array<i32>} : memref<64xf32, #tpu.memory_space<vmem>>, vector<16xf32>,
      %add3A_731 = arith.addf %get3A_728, %get3A_730 : vector<16xf32>
      %swap3A_732 = arith.constant 32 : index
      %swap3A_733 = tpu.vector_load %arg18[%swap3A_732] {strides = array<i32>} : memref<64xf32, #tpu.memory_space<vmem>>, vector<16xf32>,
      tpu.vector_store %arg18[%swap3A_732], %add3A_731 {strides = array<i32>} : memref<64xf32, #tpu.memory_space<vmem>>, vector<16xf32>,
      %get3A_734 = arith.constant 48 : index
      %get3A_735 = tpu.vector_load %arg18[%get3A_734] {strides = array<i32>} : memref<64xf32, #tpu.memory_space<vmem>>, vector<16xf32>,
      %get3A_736 = arith.constant 48 : index
      %get3A_737 = tpu.vector_load %arg19[%get3A_736] {strides = array<i32>} : memref<64xf32, #tpu.memory_space<vmem>>, vector<16xf32>,
      %add3A_738 = arith.addf %get3A_735, %get3A_737 : vector<16xf32>
      %swap3A_739 = arith.constant 48 : index
      %swap3A_740 = tpu.vector_load %arg18[%swap3A_739] {strides = array<i32>} : memref<64xf32, #tpu.memory_space<vmem>>, vector<16xf32>,
      tpu.vector_store %arg18[%swap3A_739], %add3A_738 {strides = array<i32>} : memref<64xf32, #tpu.memory_space<vmem>>, vector<16xf32>,
      %mul3A_741 = arith.constant 8 : i32
      %mul3A_742 = arith.muli %select_n3A, %mul3A_741 : i32
      %add3A_743 = arith.constant 7 : i32
      %add3A_744 = arith.addi %mul3A_742, %add3A_743 : i32
      "tpu.region"() ({
        %run_scoped3A = tpu.sem_alloc : memref<!tpu.dma_semaphore, #tpu.memory_space<semaphore_mem>>
        %dma_start3A_885 = arith.constant 0 : i32
        %dma_start3A_886 = tpu.memref_slice %arg23[%add3A_744, %dma_start3A_885] : memref<32x2048xf32, #tpu.memory_space<vmem_shared>> -> memref<1x2048xf32, #tpu.memory_space<vmem_shared>>
        %dma_start3A_887 = tpu.memref_squeeze %dma_start3A_886 : memref<1x2048xf32, #tpu.memory_space<vmem_shared>> -> memref<2048xf32, #tpu.memory_space<vmem_shared>>
        %dma_start3A_888 = arith.constant 0 : i32
        %dma_start3A_889 = tpu.memref_slice %arg23[%add3A_744, %dma_start3A_888] : memref<32x2048xf32, #tpu.memory_space<vmem_shared>> -> memref<1x2048xf32, #tpu.memory_space<vmem_shared>>
        %dma_start3A_890 = tpu.memref_squeeze %dma_start3A_889 : memref<1x2048xf32, #tpu.memory_space<vmem_shared>> -> memref<2048xf32, #tpu.memory_space<vmem_shared>>
        tpu.enqueue_dma source(%dma_start3A_890 : memref<2048xf32, #tpu.memory_space<vmem_shared>>) target(%arg11 : memref<2048xf32, #tpu.memory_space<vmem>>) target_semaphore(%run_scoped3A : memref<!tpu.dma_semaphore, #tpu.memory_space<semaphore_mem>>)
        %dma_wait3A_891 = arith.constant 0 : i32
        %dma_wait3A_892 = tpu.memref_slice %arg23[%add3A_744, %dma_wait3A_891] : memref<32x2048xf32, #tpu.memory_space<vmem_shared>> -> memref<1x2048xf32, #tpu.memory_space<vmem_shared>>
        %dma_wait3A_893 = tpu.memref_squeeze %dma_wait3A_892 : memref<1x2048xf32, #tpu.memory_space<vmem_shared>> -> memref<2048xf32, #tpu.memory_space<vmem_shared>>
        %dma_wait3A_894 = arith.constant 0 : i32
        %dma_wait3A_895 = tpu.memref_slice %arg23[%add3A_744, %dma_wait3A_894] : memref<32x2048xf32, #tpu.memory_space<vmem_shared>> -> memref<1x2048xf32, #tpu.memory_space<vmem_shared>>
        %dma_wait3A_896 = tpu.memref_squeeze %dma_wait3A_895 : memref<1x2048xf32, #tpu.memory_space<vmem_shared>> -> memref<2048xf32, #tpu.memory_space<vmem_shared>>
        tpu.wait_dma2 semaphore(%run_scoped3A : memref<!tpu.dma_semaphore, #tpu.memory_space<semaphore_mem>>) src(%dma_wait3A_896 : memref<2048xf32, #tpu.memory_space<vmem_shared>>) dst(%arg11 : memref<2048xf32, #tpu.memory_space<vmem>>)
        tpu.yield
      }) : () -> ()
      %scan3A_745 = arith.constant 0 : i32
      %scan3A_746 = arith.constant 0 : i32
      %scan3A_747 = arith.constant 128 : i32
      %scan3A_748 = arith.addi %scan3A_746, %scan3A_747 : i32
      %scan3A_749 = arith.constant 1 : i32
      %scan3A_750 = scf.for %scan3A_885 = %scan3A_746 to %scan3A_748 step %scan3A_749 iter_args(%scan3A_886 = %scan3A_745) -> (i32)  : i32 {
        %mul3A_887 = arith.constant 16 : i32
        %mul3A_888 = arith.muli %scan3A_885, %mul3A_887 : i32
        %get3A_889 = arith.index_cast %mul3A_888 : i32 to index
        %get3A_890 = tpu.vector_load %arg17[%get3A_889] {strides = array<i32>} : memref<2048xf32, #tpu.memory_space<vmem>>, vector<16xf32>,
        %mul3A_891 = arith.constant 16 : i32
        %mul3A_892 = arith.muli %scan3A_885, %mul3A_891 : i32
        %get3A_893 = arith.index_cast %mul3A_892 : i32 to index
        %get3A_894 = tpu.vector_load %arg11[%get3A_893] {strides = array<i32>} : memref<2048xf32, #tpu.memory_space<vmem>>, vector<16xf32>,
        %add3A_895 = arith.addf %get3A_890, %get3A_894 : vector<16xf32>
        %swap3A_896 = arith.index_cast %mul3A_888 : i32 to index
        %swap3A_897 = tpu.vector_load %arg17[%swap3A_896] {strides = array<i32>} : memref<2048xf32, #tpu.memory_space<vmem>>, vector<16xf32>,
        tpu.vector_store %arg17[%swap3A_896], %add3A_895 {strides = array<i32>} : memref<2048xf32, #tpu.memory_space<vmem>>, vector<16xf32>,
        %scan3A_898 = arith.constant 0 : i32
        scf.yield %scan3A_898 : i32
      }
      %scan3A_751 = arith.constant 128 : i32
      %mul3A_752 = arith.constant 8 : i32
      %mul3A_753 = arith.muli %select_n3A, %mul3A_752 : i32
      %add3A_754 = arith.constant 7 : i32
      %add3A_755 = arith.addi %mul3A_753, %add3A_754 : i32
      "tpu.region"() ({
        %run_scoped3A = tpu.sem_alloc : memref<!tpu.dma_semaphore, #tpu.memory_space<semaphore_mem>>
        %dma_start3A_885 = arith.constant 0 : i32
        %dma_start3A_886 = tpu.memref_slice %arg24[%add3A_755, %dma_start3A_885] : memref<32x64xf32, #tpu.memory_space<vmem_shared>> -> memref<1x64xf32, #tpu.memory_space<vmem_shared>>
        %dma_start3A_887 = tpu.memref_squeeze %dma_start3A_886 : memref<1x64xf32, #tpu.memory_space<vmem_shared>> -> memref<64xf32, #tpu.memory_space<vmem_shared>>
        %dma_start3A_888 = arith.constant 0 : i32
        %dma_start3A_889 = tpu.memref_slice %arg24[%add3A_755, %dma_start3A_888] : memref<32x64xf32, #tpu.memory_space<vmem_shared>> -> memref<1x64xf32, #tpu.memory_space<vmem_shared>>
        %dma_start3A_890 = tpu.memref_squeeze %dma_start3A_889 : memref<1x64xf32, #tpu.memory_space<vmem_shared>> -> memref<64xf32, #tpu.memory_space<vmem_shared>>
        tpu.enqueue_dma source(%dma_start3A_890 : memref<64xf32, #tpu.memory_space<vmem_shared>>) target(%arg19 : memref<64xf32, #tpu.memory_space<vmem>>) target_semaphore(%run_scoped3A : memref<!tpu.dma_semaphore, #tpu.memory_space<semaphore_mem>>)
        %dma_wait3A_891 = arith.constant 0 : i32
        %dma_wait3A_892 = tpu.memref_slice %arg24[%add3A_755, %dma_wait3A_891] : memref<32x64xf32, #tpu.memory_space<vmem_shared>> -> memref<1x64xf32, #tpu.memory_space<vmem_shared>>
        %dma_wait3A_893 = tpu.memref_squeeze %dma_wait3A_892 : memref<1x64xf32, #tpu.memory_space<vmem_shared>> -> memref<64xf32, #tpu.memory_space<vmem_shared>>
        %dma_wait3A_894 = arith.constant 0 : i32
        %dma_wait3A_895 = tpu.memref_slice %arg24[%add3A_755, %dma_wait3A_894] : memref<32x64xf32, #tpu.memory_space<vmem_shared>> -> memref<1x64xf32, #tpu.memory_space<vmem_shared>>
        %dma_wait3A_896 = tpu.memref_squeeze %dma_wait3A_895 : memref<1x64xf32, #tpu.memory_space<vmem_shared>> -> memref<64xf32, #tpu.memory_space<vmem_shared>>
        tpu.wait_dma2 semaphore(%run_scoped3A : memref<!tpu.dma_semaphore, #tpu.memory_space<semaphore_mem>>) src(%dma_wait3A_896 : memref<64xf32, #tpu.memory_space<vmem_shared>>) dst(%arg19 : memref<64xf32, #tpu.memory_space<vmem>>)
        tpu.yield
      }) : () -> ()
      %get3A_756 = arith.constant 0 : index
      %get3A_757 = tpu.vector_load %arg18[%get3A_756] {strides = array<i32>} : memref<64xf32, #tpu.memory_space<vmem>>, vector<16xf32>,
      %get3A_758 = arith.constant 0 : index
      %get3A_759 = tpu.vector_load %arg19[%get3A_758] {strides = array<i32>} : memref<64xf32, #tpu.memory_space<vmem>>, vector<16xf32>,
      %add3A_760 = arith.addf %get3A_757, %get3A_759 : vector<16xf32>
      %swap3A_761 = arith.constant 0 : index
      %swap3A_762 = tpu.vector_load %arg18[%swap3A_761] {strides = array<i32>} : memref<64xf32, #tpu.memory_space<vmem>>, vector<16xf32>,
      tpu.vector_store %arg18[%swap3A_761], %add3A_760 {strides = array<i32>} : memref<64xf32, #tpu.memory_space<vmem>>, vector<16xf32>,
      %get3A_763 = arith.constant 16 : index
      %get3A_764 = tpu.vector_load %arg18[%get3A_763] {strides = array<i32>} : memref<64xf32, #tpu.memory_space<vmem>>, vector<16xf32>,
      %get3A_765 = arith.constant 16 : index
      %get3A_766 = tpu.vector_load %arg19[%get3A_765] {strides = array<i32>} : memref<64xf32, #tpu.memory_space<vmem>>, vector<16xf32>,
      %add3A_767 = arith.addf %get3A_764, %get3A_766 : vector<16xf32>
      %swap3A_768 = arith.constant 16 : index
      %swap3A_769 = tpu.vector_load %arg18[%swap3A_768] {strides = array<i32>} : memref<64xf32, #tpu.memory_space<vmem>>, vector<16xf32>,
      tpu.vector_store %arg18[%swap3A_768], %add3A_767 {strides = array<i32>} : memref<64xf32, #tpu.memory_space<vmem>>, vector<16xf32>,
      %get3A_770 = arith.constant 32 : index
      %get3A_771 = tpu.vector_load %arg18[%get3A_770] {strides = array<i32>} : memref<64xf32, #tpu.memory_space<vmem>>, vector<16xf32>,
      %get3A_772 = arith.constant 32 : index
      %get3A_773 = tpu.vector_load %arg19[%get3A_772] {strides = array<i32>} : memref<64xf32, #tpu.memory_space<vmem>>, vector<16xf32>,
      %add3A_774 = arith.addf %get3A_771, %get3A_773 : vector<16xf32>
      %swap3A_775 = arith.constant 32 : index
      %swap3A_776 = tpu.vector_load %arg18[%swap3A_775] {strides = array<i32>} : memref<64xf32, #tpu.memory_space<vmem>>, vector<16xf32>,
      tpu.vector_store %arg18[%swap3A_775], %add3A_774 {strides = array<i32>} : memref<64xf32, #tpu.memory_space<vmem>>, vector<16xf32>,
      %get3A_777 = arith.constant 48 : index
      %get3A_778 = tpu.vector_load %arg18[%get3A_777] {strides = array<i32>} : memref<64xf32, #tpu.memory_space<vmem>>, vector<16xf32>,
      %get3A_779 = arith.constant 48 : index
      %get3A_780 = tpu.vector_load %arg19[%get3A_779] {strides = array<i32>} : memref<64xf32, #tpu.memory_space<vmem>>, vector<16xf32>,
      %add3A_781 = arith.addf %get3A_778, %get3A_780 : vector<16xf32>
      %swap3A_782 = arith.constant 48 : index
      %swap3A_783 = tpu.vector_load %arg18[%swap3A_782] {strides = array<i32>} : memref<64xf32, #tpu.memory_space<vmem>>, vector<16xf32>,
      tpu.vector_store %arg18[%swap3A_782], %add3A_781 {strides = array<i32>} : memref<64xf32, #tpu.memory_space<vmem>>, vector<16xf32>,
      "tpu.region"() ({
        %run_scoped3A = tpu.sem_alloc : memref<!tpu.dma_semaphore, #tpu.memory_space<semaphore_mem>>
        %dma_start3A_885 = arith.constant 0 : i32
        %dma_start3A_886 = tpu.memref_slice %arg7[%select_n3A, %dma_start3A_885] : memref<4x2048xf32, #tpu.memory_space<hbm>> -> memref<1x2048xf32, #tpu.memory_space<hbm>>
        %dma_start3A_887 = tpu.memref_squeeze %dma_start3A_886 : memref<1x2048xf32, #tpu.memory_space<hbm>> -> memref<2048xf32, #tpu.memory_space<hbm>>
        %dma_start3A_888 = arith.constant 0 : i32
        %dma_start3A_889 = tpu.memref_slice %arg7[%select_n3A, %dma_start3A_888] : memref<4x2048xf32, #tpu.memory_space<hbm>> -> memref<1x2048xf32, #tpu.memory_space<hbm>>
        %dma_start3A_890 = tpu.memref_squeeze %dma_start3A_889 : memref<1x2048xf32, #tpu.memory_space<hbm>> -> memref<2048xf32, #tpu.memory_space<hbm>>
        tpu.enqueue_dma source(%arg17 : memref<2048xf32, #tpu.memory_space<vmem>>) target(%dma_start3A_890 : memref<2048xf32, #tpu.memory_space<hbm>>) target_semaphore(%run_scoped3A : memref<!tpu.dma_semaphore, #tpu.memory_space<semaphore_mem>>)
        %dma_wait3A_891 = arith.constant 0 : i32
        %dma_wait3A_892 = tpu.memref_slice %arg7[%select_n3A, %dma_wait3A_891] : memref<4x2048xf32, #tpu.memory_space<hbm>> -> memref<1x2048xf32, #tpu.memory_space<hbm>>
        %dma_wait3A_893 = tpu.memref_squeeze %dma_wait3A_892 : memref<1x2048xf32, #tpu.memory_space<hbm>> -> memref<2048xf32, #tpu.memory_space<hbm>>
        %dma_wait3A_894 = arith.constant 0 : i32
        %dma_wait3A_895 = tpu.memref_slice %arg7[%select_n3A, %dma_wait3A_894] : memref<4x2048xf32, #tpu.memory_space<hbm>> -> memref<1x2048xf32, #tpu.memory_space<hbm>>
        %dma_wait3A_896 = tpu.memref_squeeze %dma_wait3A_895 : memref<1x2048xf32, #tpu.memory_space<hbm>> -> memref<2048xf32, #tpu.memory_space<hbm>>
        tpu.wait_dma2 semaphore(%run_scoped3A : memref<!tpu.dma_semaphore, #tpu.memory_space<semaphore_mem>>) src(%arg17 : memref<2048xf32, #tpu.memory_space<vmem>>) dst(%dma_wait3A_896 : memref<2048xf32, #tpu.memory_space<hbm>>)
        tpu.yield
      }) : () -> ()
      "tpu.region"() ({
        %run_scoped3A = tpu.sem_alloc : memref<!tpu.dma_semaphore, #tpu.memory_space<semaphore_mem>>
        %dma_start3A_885 = arith.constant 0 : i32
        %dma_start3A_886 = tpu.memref_slice %arg8[%select_n3A, %dma_start3A_885] : memref<4x64xf32, #tpu.memory_space<hbm>> -> memref<1x64xf32, #tpu.memory_space<hbm>>
        %dma_start3A_887 = tpu.memref_squeeze %dma_start3A_886 : memref<1x64xf32, #tpu.memory_space<hbm>> -> memref<64xf32, #tpu.memory_space<hbm>>
        %dma_start3A_888 = arith.constant 0 : i32
        %dma_start3A_889 = tpu.memref_slice %arg8[%select_n3A, %dma_start3A_888] : memref<4x64xf32, #tpu.memory_space<hbm>> -> memref<1x64xf32, #tpu.memory_space<hbm>>
        %dma_start3A_890 = tpu.memref_squeeze %dma_start3A_889 : memref<1x64xf32, #tpu.memory_space<hbm>> -> memref<64xf32, #tpu.memory_space<hbm>>
        tpu.enqueue_dma source(%arg18 : memref<64xf32, #tpu.memory_space<vmem>>) target(%dma_start3A_890 : memref<64xf32, #tpu.memory_space<hbm>>) target_semaphore(%run_scoped3A : memref<!tpu.dma_semaphore, #tpu.memory_space<semaphore_mem>>)
        %dma_wait3A_891 = arith.constant 0 : i32
        %dma_wait3A_892 = tpu.memref_slice %arg8[%select_n3A, %dma_wait3A_891] : memref<4x64xf32, #tpu.memory_space<hbm>> -> memref<1x64xf32, #tpu.memory_space<hbm>>
        %dma_wait3A_893 = tpu.memref_squeeze %dma_wait3A_892 : memref<1x64xf32, #tpu.memory_space<hbm>> -> memref<64xf32, #tpu.memory_space<hbm>>
        %dma_wait3A_894 = arith.constant 0 : i32
        %dma_wait3A_895 = tpu.memref_slice %arg8[%select_n3A, %dma_wait3A_894] : memref<4x64xf32, #tpu.memory_space<hbm>> -> memref<1x64xf32, #tpu.memory_space<hbm>>
        %dma_wait3A_896 = tpu.memref_squeeze %dma_wait3A_895 : memref<1x64xf32, #tpu.memory_space<hbm>> -> memref<64xf32, #tpu.memory_space<hbm>>
        tpu.wait_dma2 semaphore(%run_scoped3A : memref<!tpu.dma_semaphore, #tpu.memory_space<semaphore_mem>>) src(%arg18 : memref<64xf32, #tpu.memory_space<vmem>>) dst(%dma_wait3A_896 : memref<64xf32, #tpu.memory_space<hbm>>)
        tpu.yield
      }) : () -> ()
      %scan3A_784 = arith.constant 0 : i32
      %scan3A_785 = arith.constant 128 : i32
      %scan3A_786 = arith.addi %scan3A_784, %scan3A_785 : i32
      %scan3A_787 = arith.constant 1 : i32
      %scan3A_788:2 = scf.for %scan3A_885 = %scan3A_784 to %scan3A_786 step %scan3A_787 iter_args(%scan3A_886 = %broadcast_in_dim3A_291, %scan3A_887 = %broadcast_in_dim3A_291) -> (vector<16xf32>, vector<16xf32>)  : i32 {
        %mul3A_888 = arith.constant 16 : i32
        %mul3A_889 = arith.muli %scan3A_885, %mul3A_888 : i32
        %get3A_890 = arith.index_cast %mul3A_889 : i32 to index
        %get3A_891 = tpu.vector_load %arg17[%get3A_890] {strides = array<i32>} : memref<2048xf32, #tpu.memory_space<vmem>>, vector<16xf32>,
        %add3A_892 = arith.addf %scan3A_886, %get3A_891 : vector<16xf32>
        %mul3A_893 = arith.mulf %get3A_891, %get3A_891 : vector<16xf32>
        %add3A_894 = arith.addf %scan3A_887, %mul3A_893 : vector<16xf32>
        scf.yield %add3A_892, %add3A_894 : vector<16xf32>, vector<16xf32>
      }
      %scan3A_789 = arith.constant 128 : i32
      %swap3A_790 = arith.constant 0 : index
      %swap3A_791 = tpu.vector_load %arg20[%swap3A_790] {strides = array<i32>} : memref<16xf32, #tpu.memory_space<vmem>>, vector<16xf32>,
      tpu.vector_store %arg20[%swap3A_790], %scan3A_788#0 {strides = array<i32>} : memref<16xf32, #tpu.memory_space<vmem>>, vector<16xf32>,
      %add3A_792 = arith.constant 8 : i32
      %add3A_793 = vector.broadcast %add3A_792 : i32 to vector<16xi32>
      %add3A_794 = arith.addi %iota3A, %add3A_793 : vector<16xi32>
      %rem3A_795 = arith.constant 16 : i32
      %rem3A_796 = vector.broadcast %rem3A_795 : i32 to vector<16xi32>
      %rem3A_797 = arith.remsi %add3A_794, %rem3A_796 : vector<16xi32>
      %gather3A_798 = tpu.vector_load_idx %arg20[%rem3A_797] : memref<16xf32, #tpu.memory_space<vmem>>[vector<16xi32>], vector<16xf32>,
      %add3A_799 = arith.addf %scan3A_788#0, %gather3A_798 : vector<16xf32>
      %swap3A_800 = arith.constant 0 : index
      %swap3A_801 = tpu.vector_load %arg20[%swap3A_800] {strides = array<i32>} : memref<16xf32, #tpu.memory_space<vmem>>, vector<16xf32>,
      tpu.vector_store %arg20[%swap3A_800], %add3A_799 {strides = array<i32>} : memref<16xf32, #tpu.memory_space<vmem>>, vector<16xf32>,
      %add3A_802 = arith.constant 4 : i32
      %add3A_803 = vector.broadcast %add3A_802 : i32 to vector<16xi32>
      %add3A_804 = arith.addi %iota3A, %add3A_803 : vector<16xi32>
      %rem3A_805 = arith.constant 16 : i32
      %rem3A_806 = vector.broadcast %rem3A_805 : i32 to vector<16xi32>
      %rem3A_807 = arith.remsi %add3A_804, %rem3A_806 : vector<16xi32>
      %gather3A_808 = tpu.vector_load_idx %arg20[%rem3A_807] : memref<16xf32, #tpu.memory_space<vmem>>[vector<16xi32>], vector<16xf32>,
      %add3A_809 = arith.addf %add3A_799, %gather3A_808 : vector<16xf32>
      %swap3A_810 = arith.constant 0 : index
      %swap3A_811 = tpu.vector_load %arg20[%swap3A_810] {strides = array<i32>} : memref<16xf32, #tpu.memory_space<vmem>>, vector<16xf32>,
      tpu.vector_store %arg20[%swap3A_810], %add3A_809 {strides = array<i32>} : memref<16xf32, #tpu.memory_space<vmem>>, vector<16xf32>,
      %add3A_812 = arith.constant 2 : i32
      %add3A_813 = vector.broadcast %add3A_812 : i32 to vector<16xi32>
      %add3A_814 = arith.addi %iota3A, %add3A_813 : vector<16xi32>
      %rem3A_815 = arith.constant 16 : i32
      %rem3A_816 = vector.broadcast %rem3A_815 : i32 to vector<16xi32>
      %rem3A_817 = arith.remsi %add3A_814, %rem3A_816 : vector<16xi32>
      %gather3A_818 = tpu.vector_load_idx %arg20[%rem3A_817] : memref<16xf32, #tpu.memory_space<vmem>>[vector<16xi32>], vector<16xf32>,
      %add3A_819 = arith.addf %add3A_809, %gather3A_818 : vector<16xf32>
      %swap3A_820 = arith.constant 0 : index
      %swap3A_821 = tpu.vector_load %arg20[%swap3A_820] {strides = array<i32>} : memref<16xf32, #tpu.memory_space<vmem>>, vector<16xf32>,
      tpu.vector_store %arg20[%swap3A_820], %add3A_819 {strides = array<i32>} : memref<16xf32, #tpu.memory_space<vmem>>, vector<16xf32>,
      %add3A_822 = arith.constant 1 : i32
      %add3A_823 = vector.broadcast %add3A_822 : i32 to vector<16xi32>
      %add3A_824 = arith.addi %iota3A, %add3A_823 : vector<16xi32>
      %rem3A_825 = arith.constant 16 : i32
      %rem3A_826 = vector.broadcast %rem3A_825 : i32 to vector<16xi32>
      %rem3A_827 = arith.remsi %add3A_824, %rem3A_826 : vector<16xi32>
      %gather3A_828 = tpu.vector_load_idx %arg20[%rem3A_827] : memref<16xf32, #tpu.memory_space<vmem>>[vector<16xi32>], vector<16xf32>,
      %add3A_829 = arith.addf %add3A_819, %gather3A_828 : vector<16xf32>
      %swap3A_830 = arith.constant 0 : index
      %swap3A_831 = tpu.vector_load %arg20[%swap3A_830] {strides = array<i32>} : memref<16xf32, #tpu.memory_space<vmem>>, vector<16xf32>,
      tpu.vector_store %arg20[%swap3A_830], %scan3A_788#1 {strides = array<i32>} : memref<16xf32, #tpu.memory_space<vmem>>, vector<16xf32>,
      %add3A_832 = arith.constant 8 : i32
      %add3A_833 = vector.broadcast %add3A_832 : i32 to vector<16xi32>
      %add3A_834 = arith.addi %iota3A, %add3A_833 : vector<16xi32>
      %rem3A_835 = arith.constant 16 : i32
      %rem3A_836 = vector.broadcast %rem3A_835 : i32 to vector<16xi32>
      %rem3A_837 = arith.remsi %add3A_834, %rem3A_836 : vector<16xi32>
      %gather3A_838 = tpu.vector_load_idx %arg20[%rem3A_837] : memref<16xf32, #tpu.memory_space<vmem>>[vector<16xi32>], vector<16xf32>,
      %add3A_839 = arith.addf %scan3A_788#1, %gather3A_838 : vector<16xf32>
      %swap3A_840 = arith.constant 0 : index
      %swap3A_841 = tpu.vector_load %arg20[%swap3A_840] {strides = array<i32>} : memref<16xf32, #tpu.memory_space<vmem>>, vector<16xf32>,
      tpu.vector_store %arg20[%swap3A_840], %add3A_839 {strides = array<i32>} : memref<16xf32, #tpu.memory_space<vmem>>, vector<16xf32>,
      %add3A_842 = arith.constant 4 : i32
      %add3A_843 = vector.broadcast %add3A_842 : i32 to vector<16xi32>
      %add3A_844 = arith.addi %iota3A, %add3A_843 : vector<16xi32>
      %rem3A_845 = arith.constant 16 : i32
      %rem3A_846 = vector.broadcast %rem3A_845 : i32 to vector<16xi32>
      %rem3A_847 = arith.remsi %add3A_844, %rem3A_846 : vector<16xi32>
      %gather3A_848 = tpu.vector_load_idx %arg20[%rem3A_847] : memref<16xf32, #tpu.memory_space<vmem>>[vector<16xi32>], vector<16xf32>,
      %add3A_849 = arith.addf %add3A_839, %gather3A_848 : vector<16xf32>
      %swap3A_850 = arith.constant 0 : index
      %swap3A_851 = tpu.vector_load %arg20[%swap3A_850] {strides = array<i32>} : memref<16xf32, #tpu.memory_space<vmem>>, vector<16xf32>,
      tpu.vector_store %arg20[%swap3A_850], %add3A_849 {strides = array<i32>} : memref<16xf32, #tpu.memory_space<vmem>>, vector<16xf32>,
      %add3A_852 = arith.constant 2 : i32
      %add3A_853 = vector.broadcast %add3A_852 : i32 to vector<16xi32>
      %add3A_854 = arith.addi %iota3A, %add3A_853 : vector<16xi32>
      %rem3A_855 = arith.constant 16 : i32
      %rem3A_856 = vector.broadcast %rem3A_855 : i32 to vector<16xi32>
      %rem3A_857 = arith.remsi %add3A_854, %rem3A_856 : vector<16xi32>
      %gather3A_858 = tpu.vector_load_idx %arg20[%rem3A_857] : memref<16xf32, #tpu.memory_space<vmem>>[vector<16xi32>], vector<16xf32>,
      %add3A_859 = arith.addf %add3A_849, %gather3A_858 : vector<16xf32>
      %swap3A_860 = arith.constant 0 : index
      %swap3A_861 = tpu.vector_load %arg20[%swap3A_860] {strides = array<i32>} : memref<16xf32, #tpu.memory_space<vmem>>, vector<16xf32>,
      tpu.vector_store %arg20[%swap3A_860], %add3A_859 {strides = array<i32>} : memref<16xf32, #tpu.memory_space<vmem>>, vector<16xf32>,
      %add3A_862 = arith.constant 1 : i32
      %add3A_863 = vector.broadcast %add3A_862 : i32 to vector<16xi32>
      %add3A_864 = arith.addi %iota3A, %add3A_863 : vector<16xi32>
      %rem3A_865 = arith.constant 16 : i32
      %rem3A_866 = vector.broadcast %rem3A_865 : i32 to vector<16xi32>
      %rem3A_867 = arith.remsi %add3A_864, %rem3A_866 : vector<16xi32>
      %gather3A_868 = tpu.vector_load_idx %arg20[%rem3A_867] : memref<16xf32, #tpu.memory_space<vmem>>[vector<16xi32>], vector<16xf32>,
      %add3A_869 = arith.addf %add3A_859, %gather3A_868 : vector<16xf32>
      %eq3A_870 = arith.constant 0 : i32
      %eq3A_871 = vector.broadcast %eq3A_870 : i32 to vector<16xi32>
      %eq3A_872 = arith.cmpi eq, %iota3A, %eq3A_871 : vector<16xi32>
      %jit3A_873 = arith.constant 0.000000e+00 : f32
      %broadcast_in_dim3A_874 = vector.broadcast %jit3A_873 : f32 to vector<16xf32>
      %select_n3A_875 = arith.select %eq3A_872, %add3A_829, %broadcast_in_dim3A_874 : vector<16xi1>, vector<16xf32>
      %eq3A_876 = arith.constant 1 : i32
      %eq3A_877 = vector.broadcast %eq3A_876 : i32 to vector<16xi32>
      %eq3A_878 = arith.cmpi eq, %iota3A, %eq3A_877 : vector<16xi32>
      %jit3A_879 = arith.constant 0.000000e+00 : f32
      %broadcast_in_dim3A_880 = vector.broadcast %jit3A_879 : f32 to vector<16xf32>
      %select_n3A_881 = arith.select %eq3A_878, %add3A_869, %broadcast_in_dim3A_880 : vector<16xi1>, vector<16xf32>
      %add3A_882 = arith.addf %select_n3A_875, %select_n3A_881 : vector<16xf32>
      %swap3A_883 = arith.constant 0 : index
      %swap3A_884 = tpu.vector_load %arg12[%swap3A_883] {strides = array<i32>} : memref<16xf32, #tpu.memory_space<vmem>>, vector<16xf32>,
      tpu.vector_store %arg12[%swap3A_883], %add3A_882 {strides = array<i32>} : memref<16xf32, #tpu.memory_space<vmem>>, vector<16xf32>,
      "tpu.region"() ({
        %run_scoped3A = tpu.sem_alloc : memref<!tpu.dma_semaphore, #tpu.memory_space<semaphore_mem>>
        %dma_start3A_885 = arith.constant 0 : i32
        %dma_start3A_886 = tpu.memref_slice %arg9[%select_n3A, %dma_start3A_885] : memref<4x16xf32, #tpu.memory_space<hbm>> -> memref<1x16xf32, #tpu.memory_space<hbm>>
        %dma_start3A_887 = tpu.memref_squeeze %dma_start3A_886 : memref<1x16xf32, #tpu.memory_space<hbm>> -> memref<16xf32, #tpu.memory_space<hbm>>
        %dma_start3A_888 = arith.constant 0 : i32
        %dma_start3A_889 = tpu.memref_slice %arg9[%select_n3A, %dma_start3A_888] : memref<4x16xf32, #tpu.memory_space<hbm>> -> memref<1x16xf32, #tpu.memory_space<hbm>>
        %dma_start3A_890 = tpu.memref_squeeze %dma_start3A_889 : memref<1x16xf32, #tpu.memory_space<hbm>> -> memref<16xf32, #tpu.memory_space<hbm>>
        tpu.enqueue_dma source(%arg12 : memref<16xf32, #tpu.memory_space<vmem>>) target(%dma_start3A_890 : memref<16xf32, #tpu.memory_space<hbm>>) target_semaphore(%run_scoped3A : memref<!tpu.dma_semaphore, #tpu.memory_space<semaphore_mem>>)
        %dma_wait3A_891 = arith.constant 0 : i32
        %dma_wait3A_892 = tpu.memref_slice %arg9[%select_n3A, %dma_wait3A_891] : memref<4x16xf32, #tpu.memory_space<hbm>> -> memref<1x16xf32, #tpu.memory_space<hbm>>
        %dma_wait3A_893 = tpu.memref_squeeze %dma_wait3A_892 : memref<1x16xf32, #tpu.memory_space<hbm>> -> memref<16xf32, #tpu.memory_space<hbm>>
        %dma_wait3A_894 = arith.constant 0 : i32
        %dma_wait3A_895 = tpu.memref_slice %arg9[%select_n3A, %dma_wait3A_894] : memref<4x16xf32, #tpu.memory_space<hbm>> -> memref<1x16xf32, #tpu.memory_space<hbm>>
        %dma_wait3A_896 = tpu.memref_squeeze %dma_wait3A_895 : memref<1x16xf32, #tpu.memory_space<hbm>> -> memref<16xf32, #tpu.memory_space<hbm>>
        tpu.wait_dma2 semaphore(%run_scoped3A : memref<!tpu.dma_semaphore, #tpu.memory_space<semaphore_mem>>) src(%arg12 : memref<16xf32, #tpu.memory_space<vmem>>) dst(%dma_wait3A_896 : memref<16xf32, #tpu.memory_space<hbm>>)
        tpu.yield
      }) : () -> ()
    } else {
    }
    return
  }
}

module attributes {stable_mosaic.version = 14 : i64} {
  func.func @_pass1_kernel(%arg0: i32, %arg1: i32, %arg2: memref<1x512x2048xf32, #tpu.memory_space<vmem>>, %arg3: memref<2048x65xf32, #tpu.memory_space<vmem>>, %arg4: memref<1x1x2048xf32, #tpu.memory_space<vmem>>, %arg5: memref<1x512x65xf32, #tpu.memory_space<vmem>>, %arg6: memref<1x512x1xf32, #tpu.memory_space<vmem>>) attributes {dimension_semantics = [#tpu.dimension_semantics<arbitrary>, #tpu.dimension_semantics<arbitrary>], iteration_bounds = array<i64: 4, 4>, scalar_prefetch = 0 : i64, scratch_operands = 0 : i64, tpu.core_type = #tpu.core_type<tc>, window_params = [{transform_indices = @transform_0, window_bounds = array<i64: 1, 512, 2048>}, {pipeline_mode = #tpu.pipeline_mode<synchronous>, transform_indices = @transform_1, window_bounds = array<i64: 2048, 65>}, {transform_indices = @transform_2, window_bounds = array<i64: 1, 1, 2048>}, {transform_indices = @transform_3, window_bounds = array<i64: 1, 512, 65>}, {transform_indices = @transform_4, window_bounds = array<i64: 1, 512, 1>}]} {
    %get3A = arith.constant 0 : index
    %get3A_0 = arith.constant 0 : index
    %get3A_1 = arith.constant 0 : index
    %get3A_2 = vector.load %arg2[%get3A, %get3A_0, %get3A_1] : memref<1x512x2048xf32, #tpu.memory_space<vmem>>, vector<1x512x2048xf32>
    %get3A_3 = vector.shape_cast %get3A_2 : vector<1x512x2048xf32> to vector<512x2048xf32>
    %eq3A = arith.constant 0 : i32
    %eq3A_4 = arith.cmpi eq, %arg1, %eq3A : i32
    %convert_element_type3A = arith.extui %eq3A_4 : i1 to i32
    %cond3A = arith.constant 0 : i32
    %cond3A_5 = arith.cmpi ne, %convert_element_type3A, %cond3A : i32
    scf.if %cond3A_5 {
      %broadcast_in_dim3A_38 = arith.constant 0.000000e+00 : f32
      %broadcast_in_dim3A_39 = vector.broadcast %broadcast_in_dim3A_38 : f32 to vector<1x1x2048xf32>
      %swap3A_40 = arith.constant 0 : index
      %swap3A_41 = arith.constant 0 : index
      %swap3A_42 = arith.constant 0 : index
      %swap3A_43 = vector.load %arg4[%swap3A_40, %swap3A_41, %swap3A_42] : memref<1x1x2048xf32, #tpu.memory_space<vmem>>, vector<1x1x2048xf32>
      tpu.vector_store %arg4[%swap3A_40, %swap3A_41, %swap3A_42], %broadcast_in_dim3A_39 {strides = array<i32>} : memref<1x1x2048xf32, #tpu.memory_space<vmem>>, vector<1x1x2048xf32>,
    } else {
    }
    %get3A_6 = arith.constant 0 : index
    %get3A_7 = arith.constant 0 : index
    %get3A_8 = arith.constant 0 : index
    %get3A_9 = vector.load %arg4[%get3A_6, %get3A_7, %get3A_8] : memref<1x1x2048xf32, #tpu.memory_space<vmem>>, vector<1x1x2048xf32>
    %reduce_sum3A = arith.constant dense<0.000000e+00> : vector<2048xf32>
    %reduce_sum3A_10 = vector.multi_reduction <add>, %get3A_3, %reduce_sum3A [0] : vector<512x2048xf32> to vector<2048xf32>
    %broadcast_in_dim3A = vector.shape_cast %reduce_sum3A_10 : vector<2048xf32> to vector<1x1x2048xf32>
    %add3A = arith.addf %get3A_9, %broadcast_in_dim3A : vector<1x1x2048xf32>
    %swap3A = arith.constant 0 : index
    %swap3A_11 = arith.constant 0 : index
    %swap3A_12 = arith.constant 0 : index
    %swap3A_13 = vector.load %arg4[%swap3A, %swap3A_11, %swap3A_12] : memref<1x1x2048xf32, #tpu.memory_space<vmem>>, vector<1x1x2048xf32>
    tpu.vector_store %arg4[%swap3A, %swap3A_11, %swap3A_12], %add3A {strides = array<i32>} : memref<1x1x2048xf32, #tpu.memory_space<vmem>>, vector<1x1x2048xf32>,
    %eq3A_14 = arith.constant 3 : i32
    %eq3A_15 = arith.cmpi eq, %arg1, %eq3A_14 : i32
    %convert_element_type3A_16 = arith.extui %eq3A_15 : i1 to i32
    %cond3A_17 = arith.constant 0 : i32
    %cond3A_18 = arith.cmpi ne, %convert_element_type3A_16, %cond3A_17 : i32
    scf.if %cond3A_18 {
      %get3A_38 = arith.constant 0 : index
      %get3A_39 = arith.constant 0 : index
      %get3A_40 = arith.constant 0 : index
      %get3A_41 = vector.load %arg4[%get3A_38, %get3A_39, %get3A_40] : memref<1x1x2048xf32, #tpu.memory_space<vmem>>, vector<1x1x2048xf32>
      %mul3A_42 = arith.constant 4.8828125E-4 : f32
      %mul3A_43 = vector.broadcast %mul3A_42 : f32 to vector<1x1x2048xf32>
      %mul3A_44 = arith.mulf %get3A_41, %mul3A_43 : vector<1x1x2048xf32>
      %swap3A_45 = arith.constant 0 : index
      %swap3A_46 = arith.constant 0 : index
      %swap3A_47 = arith.constant 0 : index
      %swap3A_48 = vector.load %arg4[%swap3A_45, %swap3A_46, %swap3A_47] : memref<1x1x2048xf32, #tpu.memory_space<vmem>>, vector<1x1x2048xf32>
      tpu.vector_store %arg4[%swap3A_45, %swap3A_46, %swap3A_47], %mul3A_44 {strides = array<i32>} : memref<1x1x2048xf32, #tpu.memory_space<vmem>>, vector<1x1x2048xf32>,
    } else {
    }
    %get3A_19 = arith.constant 0 : index
    %get3A_20 = arith.constant 0 : index
    %get3A_21 = vector.load %arg3[%get3A_19, %get3A_20] : memref<2048x65xf32, #tpu.memory_space<vmem>>, vector<2048x65xf32>
    %dot_general3A = arith.constant dense<0.000000e+00> : vector<512x65xf32>
    %dot_general3A_22 = tpu.matmul %get3A_3, %get3A_21, %dot_general3A {dimension_numbers = #tpu.dot_dimension_numbers<[1], [0], [0], [1], [0, 0, 1, 1], [], []>, transpose_lhs_hint = false} : vector<512x2048xf32>, vector<2048x65xf32>, vector<512x65xf32> -> vector<512x65xf32>
    %swap3A_23 = arith.constant 0 : index
    %swap3A_24 = arith.constant 0 : index
    %swap3A_25 = arith.constant 0 : index
    %swap3A_26 = vector.load %arg5[%swap3A_23, %swap3A_24, %swap3A_25] : memref<1x512x65xf32, #tpu.memory_space<vmem>>, vector<1x512x65xf32>
    %swap3A_27 = vector.shape_cast %swap3A_26 : vector<1x512x65xf32> to vector<512x65xf32>
    %swap3A_28 = vector.shape_cast %dot_general3A_22 : vector<512x65xf32> to vector<1x512x65xf32>
    tpu.vector_store %arg5[%swap3A_23, %swap3A_24, %swap3A_25], %swap3A_28 {strides = array<i32>} : memref<1x512x65xf32, #tpu.memory_space<vmem>>, vector<1x512x65xf32>,
    %mul3A = arith.mulf %get3A_3, %get3A_3 : vector<512x2048xf32>
    %reduce_sum3A_29 = arith.constant dense<0.000000e+00> : vector<512xf32>
    %reduce_sum3A_30 = vector.multi_reduction <add>, %mul3A, %reduce_sum3A_29 [1] : vector<512x2048xf32> to vector<512xf32>
    %broadcast_in_dim3A_31 = vector.shape_cast %reduce_sum3A_30 : vector<512xf32> to vector<512x1xf32>
    %swap3A_32 = arith.constant 0 : index
    %swap3A_33 = arith.constant 0 : index
    %swap3A_34 = arith.constant 0 : index
    %swap3A_35 = vector.load %arg6[%swap3A_32, %swap3A_33, %swap3A_34] : memref<1x512x1xf32, #tpu.memory_space<vmem>>, vector<1x512x1xf32>
    %swap3A_36 = vector.shape_cast %swap3A_35 : vector<1x512x1xf32> to vector<512x1xf32>
    %swap3A_37 = vector.shape_cast %broadcast_in_dim3A_31 : vector<512x1xf32> to vector<1x512x1xf32>
    tpu.vector_store %arg6[%swap3A_32, %swap3A_33, %swap3A_34], %swap3A_37 {strides = array<i32>} : memref<1x512x1xf32, #tpu.memory_space<vmem>>, vector<1x512x1xf32>,
    return
  }
  func.func @transform_0(%arg0: i32, %arg1: i32) -> (i32, i32, i32) {
    %c0_i32 = arith.constant 0 : i32
    %c0_i32_0 = arith.constant 0 : i32
    return %arg0, %arg1, %c0_i32 : i32, i32, i32
  }
  func.func @transform_1(%arg0: i32, %arg1: i32) -> (i32, i32) {
    %c0_i32 = arith.constant 0 : i32
    %c0_i32_0 = arith.constant 0 : i32
    %c0_i32_1 = arith.constant 0 : i32
    return %c0_i32, %c0_i32_0 : i32, i32
  }
  func.func @transform_2(%arg0: i32, %arg1: i32) -> (i32, i32, i32) {
    %c0_i32 = arith.constant 0 : i32
    %c0_i32_0 = arith.constant 0 : i32
    %c0_i32_1 = arith.constant 0 : i32
    return %arg0, %c0_i32, %c0_i32_0 : i32, i32, i32
  }
  func.func @transform_3(%arg0: i32, %arg1: i32) -> (i32, i32, i32) {
    %c0_i32 = arith.constant 0 : i32
    %c0_i32_0 = arith.constant 0 : i32
    return %arg0, %arg1, %c0_i32 : i32, i32, i32
  }
  func.func @transform_4(%arg0: i32, %arg1: i32) -> (i32, i32, i32) {
    %c0_i32 = arith.constant 0 : i32
    %c0_i32_0 = arith.constant 0 : i32
    return %arg0, %arg1, %c0_i32 : i32, i32, i32
  }
}

module attributes {stable_mosaic.version = 14 : i64} {
  func.func @_pass2_kernel(%arg0: i32, %arg1: i32, %arg2: memref<1x512x2048xf32, #tpu.memory_space<vmem>>, %arg3: memref<1x512x65xf32, #tpu.memory_space<vmem>>, %arg4: memref<1x512x1xf32, #tpu.memory_space<vmem>>, %arg5: memref<1x1x2048xf32, #tpu.memory_space<vmem>>, %arg6: memref<1x1x64xf32, #tpu.memory_space<vmem>>, %arg7: memref<1x1x16xf32, #tpu.memory_space<vmem>>, %arg8: memref<1x2048xf32, #tpu.memory_space<vmem>>, %arg9: memref<1x2048xf32, #tpu.memory_space<vmem>>, %arg10: memref<1x512x2048xf32, #tpu.memory_space<vmem>>) attributes {dimension_semantics = [#tpu.dimension_semantics<arbitrary>, #tpu.dimension_semantics<arbitrary>], iteration_bounds = array<i64: 4, 4>, scalar_prefetch = 0 : i64, scratch_operands = 0 : i64, tpu.core_type = #tpu.core_type<tc>, window_params = [{transform_indices = @transform_0, window_bounds = array<i64: 1, 512, 2048>}, {transform_indices = @transform_1, window_bounds = array<i64: 1, 512, 65>}, {transform_indices = @transform_2, window_bounds = array<i64: 1, 512, 1>}, {transform_indices = @transform_3, window_bounds = array<i64: 1, 1, 2048>}, {transform_indices = @transform_4, window_bounds = array<i64: 1, 1, 64>}, {transform_indices = @transform_5, window_bounds = array<i64: 1, 1, 16>}, {pipeline_mode = #tpu.pipeline_mode<synchronous>, transform_indices = @transform_6, window_bounds = array<i64: 1, 2048>}, {pipeline_mode = #tpu.pipeline_mode<synchronous>, transform_indices = @transform_7, window_bounds = array<i64: 1, 2048>}, {transform_indices = @transform_8, window_bounds = array<i64: 1, 512, 2048>}]} {
    %get3A = arith.constant 0 : index
    %get3A_0 = arith.constant 0 : index
    %get3A_1 = arith.constant 0 : index
    %get3A_2 = vector.load %arg2[%get3A, %get3A_0, %get3A_1] : memref<1x512x2048xf32, #tpu.memory_space<vmem>>, vector<1x512x2048xf32>
    %get3A_3 = vector.shape_cast %get3A_2 : vector<1x512x2048xf32> to vector<512x2048xf32>
    %get3A_4 = arith.constant 0 : index
    %get3A_5 = arith.constant 0 : index
    %get3A_6 = arith.constant 0 : index
    %get3A_7 = vector.load %arg3[%get3A_4, %get3A_5, %get3A_6] : memref<1x512x65xf32, #tpu.memory_space<vmem>>, vector<1x512x65xf32>
    %get3A_8 = vector.shape_cast %get3A_7 : vector<1x512x65xf32> to vector<512x65xf32>
    %slice3A = vector.extract_strided_slice %get3A_8 {offsets = [0, 64], sizes = [512, 1], strides = [1, 1]} : vector<512x65xf32> to vector<512x1xf32>
    %slice3A_9 = vector.extract_strided_slice %get3A_8 {offsets = [0, 0], sizes = [512, 64], strides = [1, 1]} : vector<512x65xf32> to vector<512x64xf32>
    %get3A_10 = arith.constant 0 : index
    %get3A_11 = arith.constant 0 : index
    %get3A_12 = arith.constant 0 : index
    %get3A_13 = vector.load %arg6[%get3A_10, %get3A_11, %get3A_12] : memref<1x1x64xf32, #tpu.memory_space<vmem>>, vector<1x1x64xf32>
    %get3A_14 = vector.shape_cast %get3A_13 : vector<1x1x64xf32> to vector<1x64xf32>
    %mul3A = vector.broadcast %get3A_14 : vector<1x64xf32> to vector<512x64xf32>
    %mul3A_15 = arith.mulf %slice3A_9, %mul3A : vector<512x64xf32>
    %reduce_sum3A = arith.constant dense<0.000000e+00> : vector<512xf32>
    %reduce_sum3A_16 = vector.multi_reduction <add>, %mul3A_15, %reduce_sum3A [1] : vector<512x64xf32> to vector<512xf32>
    %broadcast_in_dim3A = vector.shape_cast %reduce_sum3A_16 : vector<512xf32> to vector<512x1xf32>
    %get3A_17 = arith.constant 0 : index
    %get3A_18 = arith.constant 0 : index
    %get3A_19 = arith.constant 0 : index
    %get3A_20 = vector.load %arg7[%get3A_17, %get3A_18, %get3A_19] : memref<1x1x16xf32, #tpu.memory_space<vmem>>, vector<1x1x1xf32>
    %get3A_21 = vector.extract %get3A_20[0, 0, 0] : f32 from vector<1x1x1xf32>
    %get3A_22 = arith.constant 0 : index
    %get3A_23 = arith.constant 0 : index
    %get3A_24 = arith.constant 1 : index
    %get3A_25 = vector.load %arg7[%get3A_22, %get3A_23, %get3A_24] : memref<1x1x16xf32, #tpu.memory_space<vmem>>, vector<1x1x1xf32>
    %get3A_26 = vector.extract %get3A_25[0, 0, 0] : f32 from vector<1x1x1xf32>
    %add3A = vector.broadcast %get3A_21 : f32 to vector<512x1xf32>
    %add3A_27 = arith.addf %slice3A, %add3A : vector<512x1xf32>
    %mul3A_28 = arith.constant 4.8828125E-4 : f32
    %mul3A_29 = vector.broadcast %mul3A_28 : f32 to vector<512x1xf32>
    %mul3A_30 = arith.mulf %add3A_27, %mul3A_29 : vector<512x1xf32>
    %get3A_31 = arith.constant 0 : index
    %get3A_32 = arith.constant 0 : index
    %get3A_33 = arith.constant 0 : index
    %get3A_34 = vector.load %arg4[%get3A_31, %get3A_32, %get3A_33] : memref<1x512x1xf32, #tpu.memory_space<vmem>>, vector<1x512x1xf32>
    %get3A_35 = vector.shape_cast %get3A_34 : vector<1x512x1xf32> to vector<512x1xf32>
    %mul3A_36 = arith.constant 2.000000e+00 : f32
    %mul3A_37 = vector.broadcast %mul3A_36 : f32 to vector<512x1xf32>
    %mul3A_38 = arith.mulf %mul3A_37, %broadcast_in_dim3A : vector<512x1xf32>
    %add3A_39 = arith.addf %get3A_35, %mul3A_38 : vector<512x1xf32>
    %add3A_40 = vector.broadcast %get3A_26 : f32 to vector<512x1xf32>
    %add3A_41 = arith.addf %add3A_39, %add3A_40 : vector<512x1xf32>
    %mul3A_42 = arith.constant 4.8828125E-4 : f32
    %mul3A_43 = vector.broadcast %mul3A_42 : f32 to vector<512x1xf32>
    %mul3A_44 = arith.mulf %add3A_41, %mul3A_43 : vector<512x1xf32>
    %mul3A_45 = arith.mulf %mul3A_30, %mul3A_30 : vector<512x1xf32>
    %sub3A = arith.subf %mul3A_44, %mul3A_45 : vector<512x1xf32>
    %add3A_46 = arith.constant 9.99999974E-6 : f32
    %add3A_47 = vector.broadcast %add3A_46 : f32 to vector<512x1xf32>
    %add3A_48 = arith.addf %sub3A, %add3A_47 : vector<512x1xf32>
    %rsqrt3A = math.rsqrt %add3A_48 : vector<512x1xf32>
    %get3A_49 = arith.constant 0 : index
    %get3A_50 = arith.constant 0 : index
    %get3A_51 = arith.constant 0 : index
    %get3A_52 = vector.load %arg5[%get3A_49, %get3A_50, %get3A_51] : memref<1x1x2048xf32, #tpu.memory_space<vmem>>, vector<1x1x2048xf32>
    %get3A_53 = vector.shape_cast %get3A_52 : vector<1x1x2048xf32> to vector<1x2048xf32>
    %add3A_54 = vector.broadcast %get3A_53 : vector<1x2048xf32> to vector<512x2048xf32>
    %add3A_55 = arith.addf %get3A_3, %add3A_54 : vector<512x2048xf32>
    %sub3A_56 = vector.broadcast %mul3A_30 : vector<512x1xf32> to vector<512x2048xf32>
    %sub3A_57 = arith.subf %add3A_55, %sub3A_56 : vector<512x2048xf32>
    %mul3A_58 = vector.broadcast %rsqrt3A : vector<512x1xf32> to vector<512x2048xf32>
    %mul3A_59 = arith.mulf %sub3A_57, %mul3A_58 : vector<512x2048xf32>
    %get3A_60 = arith.constant 0 : index
    %get3A_61 = arith.constant 0 : index
    %get3A_62 = vector.load %arg8[%get3A_60, %get3A_61] : memref<1x2048xf32, #tpu.memory_space<vmem>>, vector<1x2048xf32>
    %mul3A_63 = vector.broadcast %get3A_62 : vector<1x2048xf32> to vector<512x2048xf32>
    %mul3A_64 = arith.mulf %mul3A_59, %mul3A_63 : vector<512x2048xf32>
    %get3A_65 = arith.constant 0 : index
    %get3A_66 = arith.constant 0 : index
    %get3A_67 = vector.load %arg9[%get3A_65, %get3A_66] : memref<1x2048xf32, #tpu.memory_space<vmem>>, vector<1x2048xf32>
    %add3A_68 = vector.broadcast %get3A_67 : vector<1x2048xf32> to vector<512x2048xf32>
    %add3A_69 = arith.addf %mul3A_64, %add3A_68 : vector<512x2048xf32>
    %broadcast_in_dim3A_70 = vector.shape_cast %add3A_69 : vector<512x2048xf32> to vector<1x512x2048xf32>
    %swap3A = arith.constant 0 : index
    %swap3A_71 = arith.constant 0 : index
    %swap3A_72 = arith.constant 0 : index
    %swap3A_73 = vector.load %arg10[%swap3A, %swap3A_71, %swap3A_72] : memref<1x512x2048xf32, #tpu.memory_space<vmem>>, vector<1x512x2048xf32>
    tpu.vector_store %arg10[%swap3A, %swap3A_71, %swap3A_72], %broadcast_in_dim3A_70 {strides = array<i32>} : memref<1x512x2048xf32, #tpu.memory_space<vmem>>, vector<1x512x2048xf32>,
    return
  }
  func.func @transform_0(%arg0: i32, %arg1: i32) -> (i32, i32, i32) {
    %c0_i32 = arith.constant 0 : i32
    %c0_i32_0 = arith.constant 0 : i32
    return %arg0, %arg1, %c0_i32 : i32, i32, i32
  }
  func.func @transform_1(%arg0: i32, %arg1: i32) -> (i32, i32, i32) {
    %c0_i32 = arith.constant 0 : i32
    %c0_i32_0 = arith.constant 0 : i32
    return %arg0, %arg1, %c0_i32 : i32, i32, i32
  }
  func.func @transform_2(%arg0: i32, %arg1: i32) -> (i32, i32, i32) {
    %c0_i32 = arith.constant 0 : i32
    %c0_i32_0 = arith.constant 0 : i32
    return %arg0, %arg1, %c0_i32 : i32, i32, i32
  }
  func.func @transform_3(%arg0: i32, %arg1: i32) -> (i32, i32, i32) {
    %c0_i32 = arith.constant 0 : i32
    %c0_i32_0 = arith.constant 0 : i32
    %c0_i32_1 = arith.constant 0 : i32
    return %arg0, %c0_i32, %c0_i32_0 : i32, i32, i32
  }
  func.func @transform_4(%arg0: i32, %arg1: i32) -> (i32, i32, i32) {
    %c0_i32 = arith.constant 0 : i32
    %c0_i32_0 = arith.constant 0 : i32
    %c0_i32_1 = arith.constant 0 : i32
    return %arg0, %c0_i32, %c0_i32_0 : i32, i32, i32
  }
  func.func @transform_5(%arg0: i32, %arg1: i32) -> (i32, i32, i32) {
    %c0_i32 = arith.constant 0 : i32
    %c0_i32_0 = arith.constant 0 : i32
    %c0_i32_1 = arith.constant 0 : i32
    return %arg0, %c0_i32, %c0_i32_0 : i32, i32, i32
  }
  func.func @transform_6(%arg0: i32, %arg1: i32) -> (i32, i32) {
    %c0_i32 = arith.constant 0 : i32
    %c0_i32_0 = arith.constant 0 : i32
    %c0_i32_1 = arith.constant 0 : i32
    return %c0_i32, %c0_i32_0 : i32, i32
  }
  func.func @transform_7(%arg0: i32, %arg1: i32) -> (i32, i32) {
    %c0_i32 = arith.constant 0 : i32
    %c0_i32_0 = arith.constant 0 : i32
    %c0_i32_1 = arith.constant 0 : i32
    return %c0_i32, %c0_i32_0 : i32, i32
  }
  func.func @transform_8(%arg0: i32, %arg1: i32) -> (i32, i32, i32) {
    %c0_i32 = arith.constant 0 : i32
    %c0_i32_0 = arith.constant 0 : i32
    return %arg0, %arg1, %c0_i32 : i32, i32, i32
  }
}

</mosaic_0001>

<sc_bundles>
// kernel: kernel.5.cloned.1.call-start
scs
__scs_entry_jumppad:
0x0: {  	(pc) =	sbr.rel $0x88, $3  }
0x1: {  	(tag) =	ssettag $0x0;
	lr =	simm.s32 $0x1  }
0x2: {  	[smem:$0x3F9A] =	sst lr;
	_ =	strace $0xD0000000  }
0x3: {  	_ = 	snop  }
0x4: {  	_ = 	snop  }
0x5: {  	_ = 	snop  }
0x6: {  	_ = 	snop  }
0x7: {  	_ = 	snop  }
__scs_overlays_trampoline_lowered:
0x8: {  	[smem:$0x3FA9] =	sst s0  }
0x9: {  	[smem:$0x3FAA] =	sst s1  }
0xa: {  	[smem:$0x3FAB] =	sst s2  }
0xb: {  	[smem:$0x3FAC] =	sst s3  }
0xc: {  	[smem:$0x3FAD] =	sst s4  }
0xd: {  	[smem:$0x3FAE] =	sst s5  }
0xe: {  	[smem:$0x3FAF] =	sst s6  }
0xf: {  	[smem:$0x3FB0] =	sst s7  }
0x10: {  	[smem:$0x3FB1] =	sst s8  }
0x11: {  	[smem:$0x3FB2] =	sst s9;
	s0 =	simm.s32 @!p0 $0x0  }
0x12: {  	s1 =	sld [smem:$0x3F98];
	s0 =	simm.s32 @p0 $0x1  }
0x13: {  	[smem:$0x3FB3] =	sst s0;
	s0 =	simm.s32 @!p1 $0x0  }
0x14: {  	s2 =	sld [smem:$0x3F97];
	s0 =	simm.s32 @p1 $0x1  }
0x15: {  	[smem:$0x3FB4] =	sst s0;
	s0 =	simm.s32 @!p2 $0x0  }
0x16: {  	s3 =	sld [smem:$0x3FDB];
	s0 =	simm.s32 @p2 $0x1  }
0x17: {  	s4 =	simm.s32 $0x1BF5;
	[smem:$0x3FB6] =	sst s0  }
0x18: {  	s0 =	sld [smem:$0x3F99];
	_ =	swait.ge [sflag:s4], $0x0  }
0x19: {  	s7 =	sld [smem:$0x3F9A]  }
0x1a: {  	s8 =	sadd.s32 $0xFFFFE003, lr  }
0x1b: {  	s9 =	sadd.s32 $0xFFFFFEF7, lr;
	s5 =	simm.s32 $0xFFFFFFFF;
	p2 =	slt.u32 s8, $0xFFFFF086  }
0x1c: {  	p1 =	slt.u32 s9, $0xF7A;
	s5 =	simm.s32 @!p2 $0x0  }
0x1d: {  	s5 =	simm.s32 @p1 $0x1;
	p0 =	seq.s32 s7, s2  }
0x1e: {  	s7 =	smul.u32 @!p0 $0xF7A, s2;
	p2 =	seq.s32 @!p0 s5, $0x0  }
0x1f: {  	s9 =	smul.u32 $0xF7A, s1;
	s8 =	simm.s32 @!p0 $0x1BF5;
	p2 =	por !p2, p0  }
0x20: {  	[sflag:s8] =	ssyncset.s32 @!p0 $0xFFFFF086;
	s6 =	sadd.s32 @!p0 s3, s7;
	s7 =	simm.s32 @!p0 $0x108  }
0x21: {  	s3 =	sadd.s32 s3, s9;
	s6 =	sadd.s32 @!p0 $0x88, s6;
	s7 =	simm.s32 @p2 $0x1082  }
0x22: {  	[simem:s7], [sflag:s8] =	dma.local @!p0 [hbm:s6], $0xF7A  }
0x23: {  	s9 =	sor.u32 $0xD0000000, s2;
	s6 =	simm.s32 $0x108;
	_ =	swait.ge @!p0 [sflag:s8], $0x0  }
0x24: {  	s3 =	sadd.s32 $0x88, s3;
	s6 =	simm.s32 @!p1 $0x1082;
	[sflag:s4] =	ssyncset.s32 $0xFFFFF086  }
0x25: {  	[simem:s6], [sflag:s4] =	dma.local [hbm:s3], $0xF7A  }
0x26: {  	[smem:$0x3F9A] =	sst s1;
	(tag) =	ssettag s2;
	_ =	strace s9  }
0x27: {  	s1 =	sld [smem:$0x3FAA]  }
0x28: {  	s2 =	sld [smem:$0x3FAB]  }
0x29: {  	s4 =	sld [smem:$0x3FAD]  }
0x2a: {  	p0 =	seq.s32 s5, $0x0;
	s5 =	sld [smem:$0x3FAE]  }
0x2b: {  	s6 =	sld [smem:$0x3FAF]  }
0x2c: {  	s7 =	sld [smem:$0x3FB0]  }
0x2d: {  	s3 =	simm.s32 $0x108;
	s8 =	sld [smem:$0x3FB1]  }
0x2e: {  	s3 =	simm.s32 @!p0 $0x1082;
	s9 =	sld [smem:$0x3FB2]  }
0x2f: {  	lr =	sadd.s32 s0, s3;
	s0 =	sld [smem:$0x3FA9]  }
0x30: {  	s3 =	sld [smem:$0x3FAC]  }
0x31: {  	[smem:$0x3FB5] =	sst s10  }
0x32: {  	s10 =	sld [smem:$0x3FB3];
	_ =	sdelay $0x3  }
0x33: {  	p0 =	seq.s32 s10, $0x1;
	s10 =	sld [smem:$0x3FB5];
	_ =	sdelay $0x3  }
0x34: {  	[smem:$0x3FB5] =	sst s10  }
0x35: {  	s10 =	sld [smem:$0x3FB4];
	_ =	sdelay $0x3  }
0x36: {  	p1 =	seq.s32 s10, $0x1;
	s10 =	sld [smem:$0x3FB5];
	_ =	sdelay $0x3  }
0x37: {  	[smem:$0x3FB5] =	sst s10  }
0x38: {  	s10 =	sld [smem:$0x3FB6]  }
0x39: {  	_ = 	snop;
	(pc) =	sbr.ind lr, $3  }
0x3a: {  	_ = 	snop  }
0x3b: {  	_ = 	snop  }
0x3c: {  	p2 =	seq.s32 s10, $0x1;
	s10 =	sld [smem:$0x3FB5]  }
0x3d: {  	_ =	shalt  }
0x3e: {  	_ =	shalt  }
0x3f: {  	_ =	shalt  }
0x40: {  	_ =	shalt  }
0x41: {  	_ =	shalt  }
0x42: {  	_ =	shalt  }
0x43: {  	_ =	shalt  }
0x44: {  	_ =	shalt  }
0x45: {  	_ =	shalt  }
0x46: {  	_ =	shalt  }
0x47: {  	_ =	shalt  }
0x48: {  	_ =	shalt  }
0x49: {  	_ =	shalt  }
0x4a: {  	_ =	shalt  }
0x4b: {  	_ =	shalt  }
0x4c: {  	_ =	shalt  }
0x4d: {  	_ =	shalt  }
0x4e: {  	_ =	shalt  }
0x4f: {  	_ =	shalt  }
0x50: {  	_ =	shalt  }
0x51: {  	_ =	shalt  }
0x52: {  	_ =	shalt  }
0x53: {  	_ =	shalt  }
0x54: {  	_ =	shalt  }
0x55: {  	_ =	shalt  }
0x56: {  	_ =	shalt  }
0x57: {  	_ =	shalt  }
0x58: {  	_ =	shalt  }
0x59: {  	_ =	shalt  }
0x5a: {  	_ =	shalt  }
0x5b: {  	_ =	shalt  }
0x5c: {  	_ =	shalt  }
0x5d: {  	_ =	shalt  }
0x5e: {  	_ =	shalt  }
0x5f: {  	_ =	shalt  }
0x60: {  	_ =	shalt  }
0x61: {  	_ =	shalt  }
0x62: {  	_ =	shalt  }
0x63: {  	_ =	shalt  }
0x64: {  	_ =	shalt  }
0x65: {  	_ =	shalt  }
0x66: {  	_ =	shalt  }
0x67: {  	_ =	shalt  }
0x68: {  	_ =	shalt  }
0x69: {  	_ =	shalt  }
0x6a: {  	_ =	shalt  }
0x6b: {  	_ =	shalt  }
0x6c: {  	_ =	shalt  }
0x6d: {  	_ =	shalt  }
0x6e: {  	_ =	shalt  }
0x6f: {  	_ =	shalt  }
0x70: {  	_ =	shalt  }
0x71: {  	_ =	shalt  }
0x72: {  	_ =	shalt  }
0x73: {  	_ =	shalt  }
0x74: {  	_ =	shalt  }
0x75: {  	_ =	shalt  }
0x76: {  	_ =	shalt  }
0x77: {  	_ =	shalt  }
0x78: {  	_ =	shalt  }
0x79: {  	_ =	shalt  }
0x7a: {  	_ =	shalt  }
0x7b: {  	_ =	shalt  }
0x7c: {  	_ =	shalt  }
0x7d: {  	_ =	shalt  }
0x7e: {  	_ =	shalt  }
0x7f: {  	_ =	shalt  }
0x80: {  	_ =	shalt  }
0x81: {  	_ =	shalt  }
0x82: {  	_ =	shalt  }
0x83: {  	_ =	shalt  }
0x84: {  	_ =	shalt  }
0x85: {  	_ =	shalt  }
0x86: {  	_ =	shalt  }
0x87: {  	_ =	shalt  }
.Lfunc_end0:
.L_simem_size_0:
called_computation_lowered:
.L_overlay_start_0:
0x88: {  	s2 =	sld [smem:$0x3FD9]  }
0x89: {  	s3 =	sld [smem:$0x3FFE];
	_ =	sdelay $0x1  }
0x8a: {  	s1 =	srdreg.scid  }
0x8b: {  	s0 =	sand.u32 $0x1, s1  }
0x8c: {  	s17 =	sshll.u32 s0, $0xA;
	s2 =	sadd.s32 s3, s2  }
0x8d: {  	s2 =	sadd.s32 s2, s17  }
0x8e: {  	[smem:$0x3FC1] =	sst s2  }
0x8f: {  	_ = 	snop  }
0x90: {  	s2 =	sld [smem:$0x3FC8]  }
0x91: {  	s18 =	sld [smem:$0x3FC6]  }
0x92: {  	s4 =	sld [smem:$0x3FC5]  }
0x93: {  	s5 =	sld [smem:$0x3FD0];
	(tm) =	ssettm $0x1  }
0x94: {  	s6 =	sld [smem:$0x3FFB];
	_ =	sdelay $0x3  }
0x95: {  	_ =	strace s6  }
0x96: {  	s6 =	sld [smem:$0x3FFC];
	_ =	sdelay $0x3  }
0x97: {  	_ =	strace s6  }
0x98: {  	s6 =	sld [smem:$0x3FFD];
	_ =	sdelay $0x3  }
0x99: {  	_ =	strace s6  }
0x9a: {  	_ =	strace $0x8FFFFFFF  }
0x9b: {  	s19 =	sld [smem:$0x3FDB];
	_ =	sdelay $0x1  }
0x9c: {  	s7 =	simm.s32 $_scs_section_size  }
0x9d: {  	s8 =	simm.s32 $_size__tile_overlayer_lowered;
	s9 =	simm.s32 $_tile_overlayer_lowered  }
0x9e: {  	s22 =	simm.s32 $0x1BFF;
	s21 =	sshll.u32 s9, $0x1;
	s6 =	sadd.s32 s7, s19  }
0x9f: {  	s10 =	simm.s32 $0x0;
	s20 =	sshll.u32 s8, $0x1;
	s8 =	sadd.s32 s21, s6  }
0xa0: {  	[timem:s10], [sflag:s22] =	dma.local [hbm:s8], s20  }
0xa1: {  	_ =	swait.ge [sflag:s22], s20  }
0xa2: {  	s7 =	ssub.s32 $0x0, s20;
	[sflag:s22] =	ssyncset.done $0x0  }
0xa3: {  	[sflag:s22] =	ssyncadd.s32 s7;
	_ =	sdelay $0x1  }
0xa4: {  	s23 =	simm.s32 $0x1B8B  }
0xa5: {  	_ =	swait.ge [sflag:s23], $0x1  }
0xa6: {  	[sflag:s23] =	ssyncset.done $0x0  }
0xa7: {  	s25 =	simm.s32 $0x1B8E;
	s24 =	sld [smem:$0x3FFE];
	[sflag:s23] =	ssyncadd.s32 $0xFFFFFFFF  }
0xa8: {  	s26 =	simm.s32 $execute0_lowered;
	[smem:$0x3FD2] =	sst s25  }
0xa9: {  	s8 =	sshll.u32 s26, $0x1;
	_ =	strace $0x80000046;
	[dreg:$0x1] =	wrdreg $0xFFFFFFFF  }
0xaa: {  	s28 =	simm.s32 $_size_execute0_lowered;
	s6 =	sadd.s32 s6, s8;
	[dreg:$0x0] =	wrdreg $0x0  }
0xab: {  	s8 =	sshll.u32 s28, $0x1;
	[dreg:$0x2] =	wrdreg s6  }
0xac: {  	[dreg:$0x3] =	wrdreg s8  }
0xad: {  	[dreg:$0x4] =	wrdreg $0xC0  }
0xae: {  	_ =	task [dreg:s10], $0x5FFFF  }
0xaf: {  	[dreg:$0x1] =	wrdreg $0xFFFFFFFF  }
0xb0: {  	[dreg:$0x0] =	wrdreg $0x60  }
0xb1: {  	[dreg:$0x2] =	wrdreg s5  }
0xb2: {  	[dreg:$0x3] =	wrdreg s2  }
0xb3: {  	[dreg:$0x4] =	wrdreg s24  }
0xb4: {  	[dreg:$0x5] =	wrdreg s18  }
0xb5: {  	[dreg:$0x6] =	wrdreg s4  }
0xb6: {  	[dreg:$0x7] =	wrdreg $0x11F000  }
0xb7: {  	[dreg:$0x8] =	wrdreg $0x12F200  }
0xb8: {  	[dreg:$0x9] =	wrdreg $0x11F200  }
0xb9: {  	[dreg:$0xa] =	wrdreg $0x9  }
0xba: {  	_ =	task.clear_ibuf [dreg:s10], $0xBFFFF;
	_ =	strace $0x90000046  }
0xbb: {  	s29 =	simm.s32 $0x9;
	_ =	strace $0x80000048  }
0xbc: {  	_ =	swait.ge [sflag:s29], $0x1  }
0xbd: {  	[sflag:s29] =	ssyncadd.s32 $0xFFFFFFFF  }
0xbe: {  	_ =	strace $0x90000048  }
0xbf: {  	_ =	sfence  }
0xc0: {  	s30 =	sld [smem:$0x0];
	_ =	sdelay $0x2  }
0xc1: {  	s31 =	sshll.u32 s1, $0xD;
	s1 =	sshrl.u32 s1, $0x2  }
0xc2: {  	s3 =	sand.u32 $0x4000, s31;
	s1 =	sadd.s32 s1, s30  }
0xc3: {  	s0 =	sor.u32 s3, s0;
	s1 =	sshll.u32 s1, $0x11  }
0xc4: {  	s0 =	sor.u32 s1, s0  }
0xc5: {  	s0 =	sadd.s32 $0x8F2B, s0  }
0xc6: {  	[sflag:s0] =	ssyncadd.remote.s32 $0x1  }
0xc7: {  	_ =	sfence.sel $0xFFFF  }
0xc8: {  	[dreg:$0x0] =	wrdreg $0xFFFFFFFF;
	(pc) =	sbr.abs _section_cstart, $3  }
0xc9: {  	[dreg:$0x1] =	wrdreg $0xFFFFFFFF  }
0xca: {  	_ =	task.clear_ibuf [dreg:s10], $0x2FFFF;
	_ =	strace $0x9FFFFFFF  }
0xcb: {  	(tm) =	ssettm $0x7FFFFFFF  }
tec
execute0_lowered:
.L_overlay_start_1:
0x0: {  	(tag) =	ssettag $0x1  }
0x1: {  	s0 =	rddreg [dreg:$0x0]  }
0x2: {  	s1 =	rddreg [dreg:$0x1]  }
0x3: {  	s2 =	rddreg [dreg:$0x2]  }
0x4: {  	s17 =	rddreg [dreg:$0x3]  }
0x5: {  	s31 =	rddreg [dreg:$0x4]  }
0x6: {  	s3 =	rddreg [dreg:$0x5]  }
0x7: {  	s4 =	rddreg [dreg:$0x6]  }
0x8: {  	s5 =	rddreg [dreg:$0x7];
	s6 =	simm.s32 $0x0;
	s12 =	stileid.u32  }
0x9: {  	s23 =	srdreg.scid;
	[smem:$0x7FF] =	sst s6;
	s7 =	sadd.s32 $0x1400, s2  }
0xa: {  	s24 =	sshrl.u32 s12, $0x2;
	s6 =	sand.u32 $0x1, s23;
	s10 =	sshll.u32 s12, $0x1  }
0xb: {  	s13 =	sshll.u32 s12, $0xD;
	s28 =	sadd.s32 $0x400, s31;
	s29 =	sadd.s32 $0x500, s31  }
0xc: {  	s30 =	sadd.s32 $0x600, s31;
	_ =	strace $0x80000047;
	[dreg:$0x9] =	wrdreg s7  }
0xd: {  	s8 =	sshll.u32 s24, $0x4;
	s9 =	ssub.s32 $0x2, s6;
	s6 =	sor.u32 s6, s10  }
0xe: {  	s15 =	sshll.u32 s24, $0xA;
	s7 =	sshll.u32 s24, $0xE;
	s2 =	sadd.s32 s8, s2  }
0xf: {  	s11 =	sshrl.u32 s9, $0x1;
	s14 =	sand.u32 $0x7, s6;
	s0 =	sadd.s32 s0, s8  }
0x10: {  	s26 =	sshll.u32 s6, $0x7;
	s16 =	sshll.u32 s6, $0x8;
	s22 =	sadd.s32 s7, s5  }
0x11: {  	s23 =	sadd.s32 s15, s4;
	s9 =	ssub.s32 s9, s11;
	[dreg:$0xa] =	wrdreg s0  }
0x12: {  	s25 =	sshll.u32 s14, $0x4;
	s10 =	sadd.s32 s26, s3;
	s11 =	sadd.s32 s15, s3  }
0x13: {  	v0 =	vimm.s32 $0x76543210;
	v1 =	vimm.s32 $0xFEDCBA98;
	s6 =	sshllo.u32 s14, $0x1;
	s20 =	sand.u32 $0x380, s26;
	s21 =	sadd.s32 s26, s4  }
0x14: {  	v2 =	vimm.s32 $0x3210FEDC;
	v3 =	vimm.s32 $0xBA987654;
	s24 =	sadd.s32 $0x180, s22;
	s26 =	sadd.s32 $0x80, s22;
	[dreg:$0xc] =	wrdreg s10  }
0x15: {  	vm0 =	vmmov $0xffff;
	vm1 =	vcmask $0x300;
	v6 =	vimm.s32 $0x98765432;
	p0 =	sne.s32 s14, $0x0;
	s7 =	sadd.s32 $0x280, s22;
	[dreg:$0xd] =	wrdreg s11  }
0x16: {  	v7 =	vimm.s32 $0xFEDCBA9;
	v8 =	vimm.s32 $0x87654321;
	v1 =	vunpack.c.l.s4.s8 v1;
	s8 =	sadd.s32 $0x300, s22;
	s15 =	sadd.s32 $0x100, s23;
	[dreg:$0xf] =	wrdreg s21  }
0x17: {  	v2 =	vunpack.c.l.s4.s8 v2;
	v3 =	vunpack.c.l.s4.s8 v3;
	v4 =	vunpack.c.l.s4.s8 v0;
	s4 =	simm.s32 $0x2;
	s3 =	simm.s32 $0x400;
	[dreg:$0x10] =	wrdreg s24  }
0x18: {  	vm4 =	vmmov $0x1;
	vm5 =	vcmask $0x308;
	v5 =	vunpack.c.0.s8.s32 v1;
	s0 =	sadd.s32 s1, s25;
	s1 =	sand.u32 $0x4000, s13;
	[dreg:$0x12] =	wrdreg s26  }
0x19: {  	v2 =	vunpack.c.0.s8.s32 v2;
	v3 =	vunpack.c.0.s8.s32 v3;
	v4 =	vunpack.c.0.s8.s32 v4;
	s10 =	sand.u32 $0x300, s16;
	s18 =	sshll.u32 s6, $0x7;
	[dreg:$0x14] =	wrdreg s7  }
0x1a: {  	v6 =	vunpack.c.l.s4.s8 v6;
	v7 =	vunpack.c.l.s4.s8 v7;
	s16 =	sshll.u32 s12, $0xC;
	s25 =	sadd.s32 $0x200, s22;
	[dreg:$0x15] =	wrdreg s8;
	v5 =	vand.u32 $0xF, v5  }
0x1b: {  	[dreg:$0x18] =	wrdreg s15;
	s21 =	sadd.s32 $0x380, s23;
	s24 =	sadd.s32 $0x1C00, s2;
	v3 =	vcombine.low v3, v2;
	v2 =	vcombine.low v5, v4;
	v5 =	vimm.s32 $0x38F  }
0x1c: {  	v1 =	vmov s6;
	s26 =	sadd.s32 $0x100, s17;
	s8 =	simm.s32 $0x800;
	s6 =	simm.s32 $0x11E00;
	v5 =	vsel vm1, $0x0, v5;
	vm1 =	vcmask $0x704  }
0x1d: {  	v8 =	vunpack.c.l.s4.s8 v8;
	[dreg:$0xb] =	wrdreg s0;
	s0 =	sshll.u32 s14, $0x1;
	s11 =	sor.u32 $0x1500, s1;
	v5 =	vsel vm1, $0x81, v5;
	vm1 =	vcmask $0xB08  }
0x1e: {  	v6 =	vunpack.c.0.s8.s32 v6;
	s12 =	sand.u32 $0x380, s18;
	s13 =	sor.u32 $0x9500, s1;
	[dreg:$0x11] =	wrdreg s25;
	v5 =	vsel vm1, $0x102, v5;
	vm1 =	vcmask $0xF0C  }
0x1f: {  	v7 =	vunpack.c.0.s8.s32 v7;
	s19 =	sand.u32 $0xC000, s16;
	s14 =	sadd.s32 $0x80, s23;
	[dreg:$0x1d] =	wrdreg s21;
	v5 =	vsel vm1, $0x183, v5;
	vm1 =	vcmask $0x1310  }
0x20: {  	v8 =	vunpack.c.0.s8.s32 v8;
	s16 =	sadd.s32 $0x180, s23;
	s18 =	sadd.s32 $0x200, s23;
	[smem:$0x7FB] =	sst s24;
	v5 =	vsel vm1, $0x204, v5;
	vm1 =	vcmask $0x1714  }
0x21: {  	s25 =	smax.u32 s9, $0x1;
	[smem:$0x7FD] =	sst s26;
	v4 =	vimm.s32 $0x10FEDCBA;
	s21 =	sadd.s32 $0x500, s17;
	v5 =	vsel vm1, $0x285, v5;
	vm1 =	vcmask $0x1B18  }
0x22: {  	s24 =	sadd.s32 $0x100, s31;
	s26 =	sadd.s32 $0x300, s31;
	vm2 =	vlt.u32 v1, $0x8;
	[dreg:$0x17] =	wrdreg s14;
	v5 =	vsel vm1, $0x306, v5;
	vm1 =	vcmask $0x1F1C  }
0x23: {  	s9 =	simm.s32 $0x11E80;
	s1 =	sadd.s32 s19, s5;
	[dreg:$0x19] =	wrdreg s16;
	v4 =	vunpack.c.l.s4.s8 v4;
	v5 =	vsel vm1, $0x387, v5;
	vm1 =	vcmask $0x2320  }
0x24: {  	s5 =	sadd.s32 $0x100, s22;
	[dreg:$0x1a] =	wrdreg s18;
	s19 =	sadd.s32 $0x280, s23;
	v0 =	vmov s0;
	v5 =	vsel vm1, $0x388, v5;
	vm1 =	vcmask $0x2724  }
0x25: {  	[smem:$0x7FC] =	sst s25;
	s18 =	sadd.s32 $0x200, s17;
	s25 =	sadd.s32 $0x200, s31;
	v4 =	vunpack.c.0.s8.s32 v4;
	v5 =	vsel vm1, $0x389, v5;
	vm1 =	vcmask $0x2B28  }
0x26: {  	v3 =	vand.u32 $0xF, v3;
	s31 =	sadd.s32 $0x700, s31;
	s0 =	simm.s32 $0x80;
	[dreg:$0x13] =	wrdreg s5;
	v5 =	vsel vm1, $0x38A, v5;
	vm1 =	vcmask $0x2F2C  }
0x27: {  	s14 =	simm.s32 $0x1;
	s1 =	sadd.s32 s20, s1;
	[dreg:$0x1b] =	wrdreg s19;
	v4 =	vcombine.low v6, v4;
	v5 =	vsel vm1, $0x38B, v5;
	vm1 =	vcmask $0x3330  }
.Ltmp0:
0x28: {  	s20 =	sadd.s32 $0x300, s23;
	[dreg:$0xe] =	wrdreg s1;
	v6 =	vcombine.low v8, v7;
	v5 =	vsel vm1, $0x38C, v5;
	vm1 =	vcmask $0x3734;
	(pc) =	sbr.rel .LBB2_1-.Ltmp0, $4  }
0x29: {  	s23 =	sadd.s32 $0x1A00, s2;
	s19 =	sadd.s32 $0x300, s17;
	vm3 =	vlt.u32 v0, $0x8;
	[dreg:$0x1c] =	wrdreg s20;
	v7 =	vsel vm1, $0x38D, v5;
	vm1 =	vcmask $0x3B38  }
0x2a: {  	s1 =	sadd.s32 $0x380, s22;
	s22 =	sadd.s32 $0x1600, s2;
	[dreg:$0x1f] =	wrdreg s23;
	v5 =	vand.u32 $0xF, v6;
	v6 =	vsel vm1, $0x38E, v7;
	v7 =	vlaneseq.u32  }
0x2b: {  	s20 =	sadd.s32 $0x400, s17;
	s23 =	sadd.s32 $0x700, s17;
	[dreg:$0x16] =	wrdreg s1;
	v4 =	vand.u32 $0xF, v4;
	vm1 =	vmmov $0xff;
	v9 =	vshrl.u32 v7, $0x3  }
0x2c: {  	[dreg:$0x1e] =	wrdreg s22;
	s22 =	sadd.s32 $0x600, s17;
	s1 =	simm.s32 $0x0;
	v8 =	vand.u32 $0x7, v7;
	v10 =	vor.u32 $0x8, v7;
	v9 =	vmul.u32 $0x8, v9  }
.LBB2_24:
0x2d: {  	_ = 	snop  }
0x2e: {  	v13 =	vadd.f32 v12, v13;
	_ =	sdelay $0x1  }
0x2f: {  	[tilespmem:$0x11E00] =	vst v13  }
0x30: {  	v14 =	vld.idx.msk [tilespmem:v2+s6+$0x0], $0xffff;
	_ =	sdelay $0x4  }
0x31: {  	v13 =	vadd.f32 v14, v13;
	_ =	sdelay $0x1  }
0x32: {  	[tilespmem:$0x11E00] =	vst v13  }
0x33: {  	v56 =	vld.idx.msk [tilespmem:v3+s6+$0x0], $0xffff;
	_ =	sdelay $0x4  }
0x34: {  	v13 =	vadd.f32 v56, v13;
	_ =	sdelay $0x1  }
0x35: {  	[tilespmem:$0x11E00] =	vst v13  }
0x36: {  	v57 =	vld.idx.msk [tilespmem:v4+s6+$0x0], $0xffff;
	_ =	sdelay $0x3  }
0x37: {  	v58 =	vmul.f32 v12, v12  }
0x38: {  	v13 =	vadd.f32 v57, v13  }
0x39: {  	v11 =	vadd.f32 v58, v11  }
0x3a: {  	[tilespmem:$0x11E00] =	vst v13  }
0x3b: {  	v59 =	vld.idx.msk [tilespmem:v5+s6+$0x0], $0xffff;
	[tilespmem:$0x11E00] =	vst v11  }
0x3c: {  	v60 =	vld.idx.msk [tilespmem:v2+s6+$0x0], $0xffff;
	_ =	sdelay $0x4  }
0x3d: {  	v11 =	vadd.f32 v60, v11;
	_ =	sdelay $0x1  }
0x3e: {  	[tilespmem:$0x11E00] =	vst v11  }
0x3f: {  	v61 =	vld.idx.msk [tilespmem:v3+s6+$0x0], $0xffff;
	_ =	sdelay $0x4  }
0x40: {  	v11 =	vadd.f32 v61, v11;
	_ =	sdelay $0x1  }
0x41: {  	[tilespmem:$0x11E00] =	vst v11  }
0x42: {  	v62 =	vld.idx.msk [tilespmem:v4+s6+$0x0], $0xffff;
	_ =	sdelay $0x4  }
0x43: {  	v11 =	vadd.f32 v62, v11;
	_ =	sdelay $0x1  }
0x44: {  	[tilespmem:$0x11E00] =	vst v11  }
0x45: {  	v63 =	vld.idx.msk [tilespmem:v5+s6+$0x0], $0xffff;
	_ =	sdelay $0x4  }
0x46: {  	v12 =	vadd.f32 v59, v13;
	v11 =	vadd.f32 v63, v11;
	_ =	sdelay $0x1  }
0x47: {  	v12 =	vnsel vm4, $0x0, v12;
	v11 =	vsel vm5, $0x0, v11  }
0x48: {  	s5 =	sld [smem:$0x7FB];
	v11 =	vadd.f32 v11, v12;
	_ =	sdelay $0x1  }
0x49: {  	s2 =	simm.s32 $0x0;
	s7 =	simm.s32 $0x1000;
	[tilespmem:$0x1000] =	vst v11  }
0x4a: {  	[hbm4b:s5+s2] =	stream.linear.scatter [tilespmem:s7], [sflag:$0x2], $0x80, $0x38;
	[tilespmem:$0x12FA0] =	vst v63  }
0x4b: {  	_ =	swait.ge [sflag:s4], $0x80  }
0x4c: {  	[sflag:s4] =	ssyncset.done $0x0  }
0x4d: {  	[sflag:s4] =	ssyncadd.s32 $0xFFFFFF80  }
.LBB2_25:
0x4e: {  	s2 =	sld [smem:$0x7FC];
	_ =	sdelay $0x1  }
0x4f: {  	s1 =	sadd.s32 $0x1, s1  }
0x50: {  	p1 =	sne.s32 s1, s2  }
.Ltmp1:
0x51: {  	_ = 	snop;
	(pc) =	sbr.rel @!p1 .LBB2_26-.Ltmp1, $1  }
0x52: {  	_ =	sdelay $0x3  }
.LBB2_1:
0x53: {  	s2 =	simm.s32 $0x0;
	s5 =	rddreg [dreg:$0xa];
	s7 =	simm.s32 $0x200  }
0x54: {  	[tilespmem:s2], [sflag:$0x2] =	stream.strided.gather [hbm4b:s5+s0], $0x800, s7, s0, $0x38;
	[tilespmem:$0x12FA0] =	vst v63  }
0x55: {  	_ =	swait.ge [sflag:s4], $0x800  }
0x56: {  	[sflag:s4] =	ssyncset.done $0x0  }
0x57: {  	s16 =	rddreg [dreg:$0xb];
	[sflag:s4] =	ssyncadd.s32 $0xFFFFF800  }
0x58: {  	[tilespmem:s8], [sflag:$0x2] =	stream.strided.gather [hbm4b:s16+s0], $0x800, s3, s0, $0x38;
	[tilespmem:$0x12FA0] =	vst v63  }
0x59: {  	_ =	swait.ge [sflag:s4], $0x800  }
0x5a: {  	[sflag:s4] =	ssyncset.done $0x0  }
0x5b: {  	s17 =	simm.s32 $0x0;
	[sflag:s4] =	ssyncadd.s32 $0xFFFFF800  }
0x5c: {  	v12 =	vld [tilespmem:s17+$0x0]  }
0x5d: {  	v11 =	vimm.f32 $0.0e+00;
	s2 =	simm.s32 $0x40;
	v13 =	vld [tilespmem:s17+$0x800]  }
.LBB2_2:
0x5e: {  	_ = 	snop  }
0x5f: {  	p1 =	sne.s32 s2, $0x1FC0  }
.Ltmp2:
0x60: {  	_ = 	snop;
	(pc) =	sbr.rel @p1 .LBB2_2-.Ltmp2, $4  }
0x61: {  	_ = 	snop  }
0x62: {  	s7 =	sshra.s32 s2, $0x2;
	v14 =	vmul.f32 v13, v12  }
0x63: {  	v12 =	vld [tilespmem:s7+$0x0]  }
0x64: {  	s2 =	sadd.s32 $0x40, s2;
	v13 =	vld [tilespmem:s7+$0x800];
	v11 =	vadd.f32 v14, v11  }
0x65: {  	_ =	sdelay $0x3  }
0x66: {  	v12 =	vmul.f32 v13, v12;
	_ =	sdelay $0x1  }
0x67: {  	v11 =	vadd.f32 v12, v11;
	_ =	sdelay $0x1  }
0x68: {  	[tilespmem:$0x11E00] =	vst v11  }
0x69: {  	v12 =	vld.idx.msk [tilespmem:v2+s6+$0x0], $0xffff;
	_ =	sdelay $0x4  }
0x6a: {  	v11 =	vadd.f32 v12, v11;
	_ =	sdelay $0x1  }
0x6b: {  	[tilespmem:$0x11E00] =	vst v11  }
0x6c: {  	v12 =	vld.idx.msk [tilespmem:v3+s6+$0x0], $0xffff;
	_ =	sdelay $0x4  }
0x6d: {  	v11 =	vadd.f32 v12, v11;
	_ =	sdelay $0x1  }
0x6e: {  	[tilespmem:$0x11E00] =	vst v11  }
0x6f: {  	v12 =	vld.idx.msk [tilespmem:v4+s6+$0x0], $0xffff;
	_ =	sdelay $0x4  }
0x70: {  	v11 =	vadd.f32 v12, v11;
	_ =	sdelay $0x1  }
0x71: {  	[tilespmem:$0x11E00] =	vst v11  }
0x72: {  	v12 =	vld.idx.msk [tilespmem:v5+s6+$0x0], $0xffff;
	_ =	sdelay $0x4  }
0x73: {  	v11 =	vadd.f32 v12, v11;
	_ =	sdelay $0x1  }
0x74: {  	s2 =	rddreg [dreg:$0xc];
	s7 =	simm.s32 $0x1000;
	[tilespmem:$0x1000] =	vst v11  }
0x75: {  	[spmem:s2] =	stream.linear.scatter [tilespmem:s7], [sflag:$0x2], $0x80, $0x38;
	[tilespmem:$0x12FA0] =	vst v63  }
0x76: {  	_ =	swait.ge [sflag:s4], $0x80  }
0x77: {  	[sflag:s4] =	ssyncset.done $0x0  }
0x78: {  	[sflag:s4] =	ssyncadd.s32 $0xFFFFFF80  }
0x79: {  	[bflag:$0x0] =	sbarrier.arrive $0xFFFF  }
0x7a: {  	s5 =	simm.s32 $0x1080;
	s8 =	rddreg [dreg:$0xd]  }
0x7b: {  	[tilespmem:s5], [sflag:$0x2] =	stream.linear.gather [spmem:s8], $0x400, $0x38;
	[tilespmem:$0x12FA0] =	vst v63  }
0x7c: {  	_ =	swait.ge [sflag:s4], $0x400  }
0x7d: {  	[sflag:s4] =	ssyncset.done $0x0  }
0x7e: {  	s2 =	simm.s32 $0x0;
	s15 =	rddreg [dreg:$0x9];
	[sflag:s4] =	ssyncadd.s32 $0xFFFFFC00  }
0x7f: {  	v11 =	vld.idx.msk [tilespmem:v6+s5+$0x0], $0xffff;
	[tilespmem:s7], [sflag:$0x2] =	stream.linear.gather [hbm4b:s15+s2], $0x80, $0x38  }
0x80: {  	_ =	swait.ge [sflag:s4], $0x80  }
0x81: {  	[sflag:s4] =	ssyncset.done $0x0  }
0x82: {  	[sflag:s4] =	ssyncadd.s32 $0xFFFFFF80  }
0x83: {  	v12 =	vld [tilespmem:$0x1000];
	_ =	sdelay $0x4  }
0x84: {  	v11 =	vadd.f32 v12, v11;
	_ =	sdelay $0x1  }
0x85: {  	v12 =	vnsel vm1, $0xFF61B1E6, v11  }
0x86: {  	[tilespmem:$0x11E00] =	vst v12  }
0x87: {  	v11 =	vld.idx.msk [tilespmem:v2+s6+$0x0], $0xffff;
	_ =	sdelay $0x4  }
0x88: {  	v11 =	vmax.f32 v12, v11  }
0x89: {  	[tilespmem:$0x11E00] =	vst v11  }
0x8a: {  	v13 =	vld.idx.msk [tilespmem:v3+s6+$0x0], $0xffff;
	_ =	sdelay $0x4  }
0x8b: {  	v11 =	vmax.f32 v11, v13  }
0x8c: {  	[tilespmem:$0x11E00] =	vst v11  }
0x8d: {  	v13 =	vld.idx.msk [tilespmem:v4+s6+$0x0], $0xffff;
	_ =	sdelay $0x4  }
0x8e: {  	v11 =	vmax.f32 v11, v13  }
0x8f: {  	[tilespmem:$0x11E00] =	vst v11  }
0x90: {  	v13 =	vld.idx.msk [tilespmem:v5+s6+$0x0], $0xffff;
	_ =	sdelay $0x4  }
0x91: {  	v11 =	vmax.f32 v11, v13  }
0x92: {  	vm6 =	veq.f32 v12, v11  }
0x93: {  	v13 =	vnsel vm6, $0x63, v7  }
0x94: {  	[tilespmem:$0x11E80] =	vst v13  }
0x95: {  	v14 =	vld.idx.msk [tilespmem:v2+s9+$0x0], $0xffff;
	_ =	sdelay $0x4  }
0x96: {  	vm6 =	vlt.s32 v13, v14  }
0x97: {  	v13 =	vsel vm6, v13, v14  }
0x98: {  	[tilespmem:$0x11E80] =	vst v13  }
0x99: {  	v14 =	vld.idx.msk [tilespmem:v3+s9+$0x0], $0xffff;
	_ =	sdelay $0x4  }
0x9a: {  	vm6 =	vlt.s32 v13, v14  }
0x9b: {  	v13 =	vsel vm6, v13, v14  }
0x9c: {  	[tilespmem:$0x11E80] =	vst v13  }
0x9d: {  	v14 =	vld.idx.msk [tilespmem:v4+s9+$0x0], $0xffff;
	_ =	sdelay $0x4  }
0x9e: {  	vm6 =	vlt.s32 v13, v14  }
0x9f: {  	v13 =	vsel vm6, v13, v14  }
0xa0: {  	[tilespmem:$0x11E80] =	vst v13  }
0xa1: {  	v14 =	vld.idx.msk [tilespmem:v5+s9+$0x0], $0xffff;
	_ =	sdelay $0x4  }
0xa2: {  	vm6 =	vlt.s32 v13, v14  }
0xa3: {  	v13 =	vsel vm6, v13, v14  }
0xa4: {  	vm6 =	veq.s32 v13, v7  }
0xa5: {  	v14 =	vsel vm6, $0xFF61B1E6, v12  }
0xa6: {  	[tilespmem:$0x11E00] =	vst v14  }
0xa7: {  	v12 =	vld.idx.msk [tilespmem:v2+s6+$0x0], $0xffff;
	_ =	sdelay $0x4  }
0xa8: {  	v12 =	vmax.f32 v14, v12  }
0xa9: {  	[tilespmem:$0x11E00] =	vst v12  }
0xaa: {  	v15 =	vld.idx.msk [tilespmem:v3+s6+$0x0], $0xffff;
	_ =	sdelay $0x4  }
0xab: {  	v12 =	vmax.f32 v12, v15  }
0xac: {  	[tilespmem:$0x11E00] =	vst v12  }
0xad: {  	v15 =	vld.idx.msk [tilespmem:v4+s6+$0x0], $0xffff;
	_ =	sdelay $0x4  }
0xae: {  	v12 =	vmax.f32 v12, v15  }
0xaf: {  	[tilespmem:$0x11E00] =	vst v12  }
0xb0: {  	v15 =	vld.idx.msk [tilespmem:v5+s6+$0x0], $0xffff;
	_ =	sdelay $0x4  }
0xb1: {  	v12 =	vmax.f32 v12, v15  }
0xb2: {  	vm6 =	veq.f32 v14, v12  }
0xb3: {  	v14 =	vnsel vm6, $0x63, v7  }
0xb4: {  	[tilespmem:$0x11E80] =	vst v14  }
0xb5: {  	v15 =	vld.idx.msk [tilespmem:v2+s9+$0x0], $0xffff;
	_ =	sdelay $0x4  }
0xb6: {  	vm6 =	vlt.s32 v14, v15  }
0xb7: {  	v14 =	vsel vm6, v14, v15  }
0xb8: {  	[tilespmem:$0x11E80] =	vst v14  }
0xb9: {  	v15 =	vld.idx.msk [tilespmem:v3+s9+$0x0], $0xffff;
	_ =	sdelay $0x4  }
0xba: {  	vm6 =	vlt.s32 v14, v15  }
0xbb: {  	v14 =	vsel vm6, v14, v15  }
0xbc: {  	[tilespmem:$0x11E80] =	vst v14  }
0xbd: {  	v15 =	vld.idx.msk [tilespmem:v4+s9+$0x0], $0xffff;
	_ =	sdelay $0x4  }
0xbe: {  	vm6 =	vlt.s32 v14, v15  }
0xbf: {  	v14 =	vsel vm6, v14, v15  }
0xc0: {  	[tilespmem:$0x11E80] =	vst v14  }
0xc1: {  	v15 =	vld.idx.msk [tilespmem:v5+s9+$0x0], $0xffff;
	_ =	sdelay $0x4  }
0xc2: {  	vm6 =	vlt.s32 v14, v15  }
0xc3: {  	v14 =	vsel vm6, v14, v15  }
0xc4: {  	v13 =	vsel vm1, v13, v14  }
0xc5: {  	v14 =	vshll.u32 v13, $0x7  }
0xc6: {  	v14 =	vor.u32 v8, v14  }
0xc7: {  	v15 =	vperm.xlane v14, v8;
	_ =	sdelay $0x1  }
0xc8: {  	v15 =	vadd.s32 v9, v15;
	_ =	sdelay $0x1  }
0xc9: {  	v13 =	vshll.u32 v13, $0x3  }
0xca: {  	s7 =	sld [smem:$0x7FD];
	v13 =	vor.u32 v8, v13  }
0xcb: {  	s16 =	simm.s32 $0x1500;
	s5 =	rddreg [dreg:$0x3];
	[tilespmem:$0x1480] =	vst v13  }
0xcc: {  	[tilespmem:s16], [sflag:$0x1] =	stream.indirect_vreg.gather [hbm4b:s5+s2], $0x80, v15, vm0, $0xb8;
	[tilespmem:$0x12FA0] =	vst v63  }
0xcd: {  	s8 =	simm.s32 $0x1D00  }
0xce: {  	[tilespmem:s8], [sflag:$0x1] =	stream.indirect_vreg.gather [hbm4b:s7+s2], $0x80, v15, vm0, $0xb8;
	[tilespmem:$0x12FA0] =	vst v63  }
0xcf: {  	s17 =	simm.s32 $0x2500  }
0xd0: {  	[tilespmem:s17], [sflag:$0x1] =	stream.indirect_vreg.gather [hbm4b:s18+s2], $0x80, v15, vm0, $0xb8;
	[tilespmem:$0x12FA0] =	vst v63  }
0xd1: {  	s15 =	simm.s32 $0x2D00  }
0xd2: {  	[tilespmem:s15], [sflag:$0x1] =	stream.indirect_vreg.gather [hbm4b:s19+s2], $0x80, v15, vm0, $0xb8;
	[tilespmem:$0x12FA0] =	vst v63  }
0xd3: {  	s16 =	simm.s32 $0x3500  }
0xd4: {  	[tilespmem:s16], [sflag:$0x1] =	stream.indirect_vreg.gather [hbm4b:s20+s2], $0x80, v15, vm0, $0xb8;
	[tilespmem:$0x12FA0] =	vst v63  }
0xd5: {  	v13 =	vperm.xlane v14, v10;
	s17 =	simm.s32 $0x3D00  }
0xd6: {  	[tilespmem:s17], [sflag:$0x1] =	stream.indirect_vreg.gather [hbm4b:s21+s2], $0x80, v15, vm0, $0xb8;
	[tilespmem:$0x12FA0] =	vst v63  }
0xd7: {  	v13 =	vadd.s32 v9, v13;
	s15 =	simm.s32 $0x4500  }
0xd8: {  	[tilespmem:s15], [sflag:$0x1] =	stream.indirect_vreg.gather [hbm4b:s22+s2], $0x80, v15, vm0, $0xb8;
	[tilespmem:$0x12FA0] =	vst v63  }
0xd9: {  	s16 =	simm.s32 $0x4D00  }
0xda: {  	[tilespmem:s16], [sflag:$0x1] =	stream.indirect_vreg.gather [hbm4b:s23+s2], $0x80, v15, vm0, $0xb8;
	[tilespmem:$0x12FA0] =	vst v63  }
0xdb: {  	s17 =	simm.s32 $0x5500  }
0xdc: {  	[tilespmem:s17], [sflag:$0x1] =	stream.indirect_vreg.gather [hbm4b:s5+s2], $0x80, v13, vm0, $0xb8;
	[tilespmem:$0x12FA0] =	vst v63  }
0xdd: {  	s15 =	simm.s32 $0x5D00  }
0xde: {  	[tilespmem:s15], [sflag:$0x1] =	stream.indirect_vreg.gather [hbm4b:s7+s2], $0x80, v13, vm0, $0xb8;
	[tilespmem:$0x12FA0] =	vst v63  }
0xdf: {  	s16 =	simm.s32 $0x6500  }
0xe0: {  	[tilespmem:s16], [sflag:$0x1] =	stream.indirect_vreg.gather [hbm4b:s18+s2], $0x80, v13, vm0, $0xb8;
	[tilespmem:$0x12FA0] =	vst v63  }
0xe1: {  	s17 =	simm.s32 $0x6D00  }
0xe2: {  	[tilespmem:s17], [sflag:$0x1] =	stream.indirect_vreg.gather [hbm4b:s19+s2], $0x80, v13, vm0, $0xb8;
	[tilespmem:$0x12FA0] =	vst v63  }
0xe3: {  	s7 =	simm.s32 $0x7500  }
0xe4: {  	[tilespmem:s7], [sflag:$0x1] =	stream.indirect_vreg.gather [hbm4b:s20+s2], $0x80, v13, vm0, $0xb8;
	[tilespmem:$0x12FA0] =	vst v63  }
0xe5: {  	s8 =	simm.s32 $0x7D00  }
0xe6: {  	[tilespmem:s8], [sflag:$0x1] =	stream.indirect_vreg.gather [hbm4b:s21+s2], $0x80, v13, vm0, $0xb8;
	[tilespmem:$0x12FA0] =	vst v63  }
0xe7: {  	s15 =	simm.s32 $0x8500  }
0xe8: {  	[tilespmem:s15], [sflag:$0x1] =	stream.indirect_vreg.gather [hbm4b:s22+s2], $0x80, v13, vm0, $0xb8;
	[tilespmem:$0x12FA0] =	vst v63  }
0xe9: {  	s16 =	simm.s32 $0x8D00  }
0xea: {  	[tilespmem:s16], [sflag:$0x1] =	stream.indirect_vreg.gather [hbm4b:s23+s2], $0x80, v13, vm0, $0xb8;
	[tilespmem:$0x12FA0] =	vst v63  }
0xeb: {  	_ =	swait.ge [sflag:s14], $0x8000  }
0xec: {  	[sflag:s14] =	ssyncset.done $0x0  }
0xed: {  	[sflag:s14] =	ssyncadd.s32 $0xFFFF8000  }
0xee: {  	v13 =	vld [tilespmem:$0x1480];
	_ =	sdelay $0x4  }
0xef: {  	v14 =	vshll.u32 v13, $0x4  }
0xf0: {  	v13 =	vand.u32 $0x7, v13;
	v14 =	vand.u32 $0xFFFFFF80, v14  }
0xf1: {  	v13 =	vor.u32 v13, v14  }
0xf2: {  	v14 =	vperm.xlane v13, v8;
	_ =	sdelay $0x1  }
0xf3: {  	v14 =	vadd.s32 v9, v14;
	_ =	sdelay $0x3  }
0xf4: {  	s17 =	simm.s32 $0x9500;
	s5 =	rddreg [dreg:$0x4]  }
0xf5: {  	[tilespmem:s17], [sflag:$0x1] =	stream.indirect_vreg.gather [hbm4b:s5+s2], $0x80, v14, vm0, $0xb8;
	[tilespmem:$0x12FA0] =	vst v63  }
0xf6: {  	s8 =	simm.s32 $0x9D00  }
0xf7: {  	[tilespmem:s8], [sflag:$0x1] =	stream.indirect_vreg.gather [hbm4b:s24+s2], $0x80, v14, vm0, $0xb8;
	[tilespmem:$0x12FA0] =	vst v63  }
0xf8: {  	s15 =	simm.s32 $0xA500  }
0xf9: {  	[tilespmem:s15], [sflag:$0x1] =	stream.indirect_vreg.gather [hbm4b:s25+s2], $0x80, v14, vm0, $0xb8;
	[tilespmem:$0x12FA0] =	vst v63  }
0xfa: {  	s16 =	simm.s32 $0xAD00  }
0xfb: {  	[tilespmem:s16], [sflag:$0x1] =	stream.indirect_vreg.gather [hbm4b:s26+s2], $0x80, v14, vm0, $0xb8;
	[tilespmem:$0x12FA0] =	vst v63  }
0xfc: {  	s17 =	simm.s32 $0xB500  }
0xfd: {  	[tilespmem:s17], [sflag:$0x1] =	stream.indirect_vreg.gather [hbm4b:s28+s2], $0x80, v14, vm0, $0xb8;
	[tilespmem:$0x12FA0] =	vst v63  }
0xfe: {  	v13 =	vperm.xlane v13, v10;
	s8 =	simm.s32 $0xBD00  }
0xff: {  	[tilespmem:s8], [sflag:$0x1] =	stream.indirect_vreg.gather [hbm4b:s29+s2], $0x80, v14, vm0, $0xb8;
	[tilespmem:$0x12FA0] =	vst v63  }
0x100: {  	v13 =	vadd.s32 v9, v13;
	s15 =	simm.s32 $0xC500  }
0x101: {  	[tilespmem:s15], [sflag:$0x1] =	stream.indirect_vreg.gather [hbm4b:s30+s2], $0x80, v14, vm0, $0xb8;
	[tilespmem:$0x12FA0] =	vst v63  }
0x102: {  	s16 =	simm.s32 $0xCD00  }
0x103: {  	[tilespmem:s16], [sflag:$0x1] =	stream.indirect_vreg.gather [hbm4b:s31+s2], $0x80, v14, vm0, $0xb8;
	[tilespmem:$0x12FA0] =	vst v63  }
0x104: {  	s17 =	simm.s32 $0xD500  }
0x105: {  	[tilespmem:s17], [sflag:$0x1] =	stream.indirect_vreg.gather [hbm4b:s5+s2], $0x80, v13, vm0, $0xb8;
	[tilespmem:$0x12FA0] =	vst v63  }
0x106: {  	s8 =	simm.s32 $0xDD00  }
0x107: {  	[tilespmem:s8], [sflag:$0x1] =	stream.indirect_vreg.gather [hbm4b:s24+s2], $0x80, v13, vm0, $0xb8;
	[tilespmem:$0x12FA0] =	vst v63  }
0x108: {  	s15 =	simm.s32 $0xE500  }
0x109: {  	[tilespmem:s15], [sflag:$0x1] =	stream.indirect_vreg.gather [hbm4b:s25+s2], $0x80, v13, vm0, $0xb8;
	[tilespmem:$0x12FA0] =	vst v63  }
0x10a: {  	s16 =	simm.s32 $0xED00  }
0x10b: {  	[tilespmem:s16], [sflag:$0x1] =	stream.indirect_vreg.gather [hbm4b:s26+s2], $0x80, v13, vm0, $0xb8;
	[tilespmem:$0x12FA0] =	vst v63  }
0x10c: {  	s17 =	simm.s32 $0xF500  }
0x10d: {  	[tilespmem:s17], [sflag:$0x1] =	stream.indirect_vreg.gather [hbm4b:s28+s2], $0x80, v13, vm0, $0xb8;
	[tilespmem:$0x12FA0] =	vst v63  }
0x10e: {  	s7 =	simm.s32 $0xFD00  }
0x10f: {  	[tilespmem:s7], [sflag:$0x1] =	stream.indirect_vreg.gather [hbm4b:s29+s2], $0x80, v13, vm0, $0xb8;
	[tilespmem:$0x12FA0] =	vst v63  }
0x110: {  	s8 =	simm.s32 $0x10500  }
0x111: {  	[tilespmem:s8], [sflag:$0x1] =	stream.indirect_vreg.gather [hbm4b:s30+s2], $0x80, v13, vm0, $0xb8;
	[tilespmem:$0x12FA0] =	vst v63  }
0x112: {  	s15 =	simm.s32 $0x10D00  }
0x113: {  	[tilespmem:s15], [sflag:$0x1] =	stream.indirect_vreg.gather [hbm4b:s31+s2], $0x80, v13, vm0, $0xb8;
	[tilespmem:$0x12FA0] =	vst v63  }
0x114: {  	s16 =	sand.u32 $0x3C00, s2;
	_ =	swait.ge [sflag:s14], $0x8000  }
0x115: {  	s7 =	sadd.s32 s16, s11;
	[sflag:s14] =	ssyncset.done $0x0  }
0x116: {  	s17 =	sand.u32 $0x70, s2;
	s15 =	sadd.s32 s12, s7;
	[sflag:s14] =	ssyncadd.s32 $0xFFFF8000  }
0x117: {  	s5 =	sadd.s32 s17, s15;
	v15 =	vld [tilespmem:s2+$0x0]  }
0x118: {  	s7 =	sadd.s32 s10, s7;
	v14 =	vld [tilespmem:s5+$0x0]  }
0x119: {  	s8 =	sadd.s32 s17, s7;
	s15 =	simm.s32 $0x80  }
0x11a: {  	s7 =	sand.u32 $0x3C00, s15;
	v17 =	vld [tilespmem:s8+$0x0]  }
0x11b: {  	s7 =	sadd.s32 s7, s11;
	s2 =	simm.s32 $0x10  }
0x11c: {  	s17 =	sadd.s32 s12, s7;
	s16 =	sand.u32 $0x70, s2  }
0x11d: {  	s7 =	sadd.s32 s10, s7;
	v13 =	vld [tilespmem:s2+$0x0];
	s15 =	sadd.s32 s16, s17;
	v19 =	vmul.f32 v14, v15  }
0x11e: {  	v16 =	vimm.f32 $0.0e+00;
	s7 =	sadd.s32 s16, s7;
	v14 =	vld [tilespmem:s15+$0x0]  }
0x11f: {  	s8 =	simm.s32 $0x20;
	v18 =	vmul.f32 v17, v15;
	v17 =	vld [tilespmem:s7+$0x0];
	s7 =	simm.s32 $0x100;
	v15 =	vadd.f32 v19, v16  }
.LBB2_4:
0x120: {  	s15 =	sand.u32 $0x3C00, s7  }
0x121: {  	p1 =	sne.s32 s8, $0x7F0;
	v16 =	vadd.f32 v18, v16;
	s16 =	smov.u32 s8;
	s8 =	sadd.s32 $0x10, s8  }
.Ltmp3:
0x122: {  	s15 =	sadd.s32 s15, s11;
	(pc) =	sbr.rel @p1 .LBB2_4-.Ltmp3, $4  }
0x123: {  	s2 =	sadd.s32 $0x10, s2;
	s16 =	sand.u32 $0x70, s16;
	s5 =	sadd.s32 s12, s15;
	v18 =	vmov v13  }
0x124: {  	s15 =	sadd.s32 s10, s15;
	v13 =	vld [tilespmem:s2+$0x0];
	s5 =	sadd.s32 s16, s5;
	v19 =	vmul.f32 v14, v18  }
0x125: {  	s15 =	sadd.s32 s16, s15;
	v14 =	vld [tilespmem:s5+$0x0];
	v18 =	vmul.f32 v17, v18  }
0x126: {  	s7 =	sadd.s32 $0x80, s7;
	v17 =	vld [tilespmem:s15+$0x0];
	v15 =	vadd.f32 v19, v15  }
0x127: {  	_ =	sdelay $0x3  }
0x128: {  	v16 =	vadd.f32 v18, v16;
	v17 =	vmul.f32 v17, v13;
	_ =	sdelay $0x1  }
0x129: {  	v16 =	vadd.f32 v17, v16;
	_ =	sdelay $0x1  }
0x12a: {  	[tilespmem:$0x11E00] =	vst v16  }
0x12b: {  	v58 =	vld.idx.msk [tilespmem:v2+s6+$0x0], $0xffff;
	_ =	sdelay $0x4  }
0x12c: {  	v16 =	vadd.f32 v58, v16;
	_ =	sdelay $0x1  }
0x12d: {  	[tilespmem:$0x11E00] =	vst v16  }
0x12e: {  	v59 =	vld.idx.msk [tilespmem:v3+s6+$0x0], $0xffff;
	_ =	sdelay $0x4  }
0x12f: {  	v16 =	vadd.f32 v59, v16;
	_ =	sdelay $0x1  }
0x130: {  	[tilespmem:$0x11E00] =	vst v16  }
0x131: {  	v60 =	vld.idx.msk [tilespmem:v4+s6+$0x0], $0xffff;
	_ =	sdelay $0x3  }
0x132: {  	v13 =	vmul.f32 v14, v13  }
0x133: {  	v14 =	vadd.f32 v60, v16  }
0x134: {  	v13 =	vadd.f32 v13, v15  }
0x135: {  	[tilespmem:$0x11E00] =	vst v14  }
0x136: {  	v15 =	vld.idx.msk [tilespmem:v5+s6+$0x0], $0xffff;
	[tilespmem:$0x11E00] =	vst v13  }
0x137: {  	v61 =	vld.idx.msk [tilespmem:v2+s6+$0x0], $0xffff;
	_ =	sdelay $0x3  }
0x138: {  	v11 =	vsub.f32 v12, v11  }
0x139: {  	v12 =	vadd.f32 v61, v13  }
0x13a: {  	v11 =	vmul.f32 $1.442695020e+00, v11  }
0x13b: {  	[tilespmem:$0x11E00] =	vst v12  }
0x13c: {  	(erf) = vpow2.f32 v11;
	v11 =	vld.idx.msk [tilespmem:v3+s6+$0x0], $0xffff;
	_ =	sdelay $0x4  }
0x13d: {  	v11 =	vadd.f32 v11, v12;
	_ =	sdelay $0x1  }
0x13e: {  	[tilespmem:$0x11E00] =	vst v11  }
0x13f: {  	v12 =	vld.idx.msk [tilespmem:v4+s6+$0x0], $0xffff  }
0x140: {  	v13 =	vpop (erf)  }
0x141: {  	v13 =	vadd.f32 $1.000000000e+00, v13;
	_ =	sdelay $0x1  }
0x142: {  	(erf) = vrcp.f32 v13  }
0x143: {  	v11 =	vadd.f32 v12, v11;
	_ =	sdelay $0x1  }
0x144: {  	[tilespmem:$0x11E00] =	vst v11  }
0x145: {  	s2 =	simm.s32 $0x0;
	v12 =	vld.idx.msk [tilespmem:v5+s6+$0x0], $0xffff  }
0x146: {  	s5 =	sand.u32 $0x3C00, s2  }
0x147: {  	s5 =	sadd.s32 s5, s13  }
0x148: {  	s2 =	sand.u32 $0x70, s2;
	s7 =	sadd.s32 s10, s5  }
0x149: {  	s5 =	sadd.s32 s12, s5;
	s7 =	sadd.s32 s2, s7  }
0x14a: {  	s2 =	sadd.s32 s2, s5;
	v14 =	vadd.f32 v15, v14;
	v13 =	vpop (erf);
	v15 =	vld [tilespmem:s7+$0x0];
	v11 =	vadd.f32 v12, v11  }
0x14b: {  	v62 =	vld [tilespmem:s2+$0x0];
	v12 =	vsub.f32 $1.000000000e+00, v13  }
0x14c: {  	v14 =	vmul.f32 $1.250000000e-01, v14;
	v11 =	vmul.f32 $1.250000000e-01, v11  }
0x14d: {  	v63 =	vsel vm3, v13, v12;
	v13 =	vsel vm2, v13, v12  }
0x14e: {  	v12 =	vmul.f32 v14, v63;
	v11 =	vmul.f32 v11, v13;
	_ =	sdelay $0x1  }
0x14f: {  	s8 =	simm.s32 $0x80;
	v13 =	vmul.f32 v15, v12;
	v14 =	vmul.f32 v62, v11  }
0x150: {  	s15 =	simm.s32 $0x20;
	s17 =	sand.u32 $0x3C00, s8  }
0x151: {  	s16 =	sadd.s32 s17, s13;
	s2 =	simm.s32 $0x11500;
	s7 =	simm.s32 $0x10;
	v13 =	vadd.f32 v14, v13  }
.LBB2_6:
0x152: {  	p1 =	sne.s32 s15, $0x7F0;
	s5 =	sand.u32 $0x70, s7;
	s7 =	sadd.s32 s10, s16  }
0x153: {  	s16 =	sadd.s32 s12, s16;
	s17 =	sadd.s32 s5, s7;
	[tilespmem:s2+$0x0] =	vst v13;
	s7 =	smov.u32 s15  }
0x154: {  	s5 =	sadd.s32 s5, s16;
	v13 =	vld [tilespmem:s17+$0x0]  }
0x155: {  	v14 =	vld [tilespmem:s5+$0x0];
	_ =	sdelay $0x2  }
.Ltmp4:
0x156: {  	(pc) =	sbr.rel @p1 .LBB2_6-.Ltmp4, $4  }
0x157: {  	_ = 	snop  }
0x158: {  	s8 =	sadd.s32 $0x80, s8;
	v13 =	vmul.f32 v13, v12;
	v14 =	vmul.f32 v14, v11  }
0x159: {  	s5 =	sand.u32 $0x3C00, s8  }
0x15a: {  	s15 =	sadd.s32 $0x10, s15;
	s2 =	sadd.s32 $0x10, s2;
	s16 =	sadd.s32 s5, s13;
	v13 =	vadd.f32 v14, v13  }
0x15b: {  	s5 =	sand.u32 $0x70, s7;
	s17 =	sadd.s32 s10, s16  }
0x15c: {  	s8 =	sadd.s32 s12, s16;
	s7 =	sadd.s32 s5, s17;
	[tilespmem:s2+$0x0] =	vst v13  }
0x15d: {  	s5 =	sadd.s32 s5, s8;
	v13 =	vld [tilespmem:s7+$0x0]  }
0x15e: {  	v14 =	vld [tilespmem:s5+$0x0];
	_ =	sdelay $0x4  }
0x15f: {  	v13 =	vmul.f32 v13, v12;
	v14 =	vmul.f32 v14, v11;
	_ =	sdelay $0x1  }
0x160: {  	v13 =	vadd.f32 v14, v13  }
0x161: {  	s5 =	sadd.s32 $0x10, s2  }
0x162: {  	s8 =	simm.s32 $0x11500;
	s7 =	rddreg [dreg:$0xe];
	[tilespmem:s5+$0x0] =	vst v13  }
0x163: {  	[spmem:s7] =	stream.strided.scatter [tilespmem:s8], [sflag:$0x2], $0x800, s3, s0, $0x38;
	[tilespmem:$0x12FA0] =	vst v63  }
0x164: {  	_ =	swait.ge [sflag:s4], $0x800  }
0x165: {  	[sflag:s4] =	ssyncset.done $0x0  }
0x166: {  	s15 =	simm.s32 $0x1480;
	[sflag:s4] =	ssyncadd.s32 $0xFFFFF800  }
0x167: {  	v56 =	vld.idx.msk [tilespmem:v0+s15+$0x0], $0xffff  }
0x168: {  	v57 =	vld.idx.msk [tilespmem:v1+s15+$0x0], $0xffff;
	_ =	sdelay $0x3  }
0x169: {  	v17 =	vor.u32 $0x10, v7  }
0x16a: {  	v59 =	vor.u32 $0x20, v7;
	vm6 =	veq.s32 v56, v7;
	vm7 =	veq.s32 v57, v7  }
0x16b: {  	v19 =	vor.u32 $0x30, v7;
	v15 =	vnsel vm6, $0x0, v12;
	v16 =	vnsel vm7, $0x0, v11  }
0x16c: {  	vm6 =	veq.s32 v56, v17;
	vm7 =	veq.s32 v57, v59;
	v15 =	vadd.f32 v16, v15  }
0x16d: {  	v58 =	vnsel vm6, $0x0, v12;
	vm6 =	veq.s32 v57, v17;
	v61 =	vnsel vm7, $0x0, v11  }
0x16e: {  	vm7 =	veq.s32 v57, v19;
	v18 =	vnsel vm6, $0x0, v11;
	vm6 =	veq.s32 v56, v59  }
0x16f: {  	v60 =	vnsel vm6, $0x0, v12;
	vm6 =	veq.s32 v56, v19;
	v62 =	vadd.f32 v18, v58  }
0x170: {  	v11 =	vnsel vm7, $0x0, v11;
	[tilespmem:$0x11D00] =	vst v15;
	v63 =	vnsel vm6, $0x0, v12;
	v13 =	vadd.f32 v61, v60  }
0x171: {  	[tilespmem:$0x11D10] =	vst v62;
	v11 =	vadd.f32 v11, v63  }
0x172: {  	[tilespmem:$0x11D20] =	vst v13  }
0x173: {  	s17 =	simm.s32 $0x11D00;
	s16 =	rddreg [dreg:$0xf];
	[tilespmem:$0x11D30] =	vst v11  }
0x174: {  	[spmem:s16] =	stream.linear.scatter [tilespmem:s17], [sflag:$0x2], $0x80, $0x38;
	[tilespmem:$0x12FA0] =	vst v63  }
.Ltmp5:
0x175: {  	_ =	swait.ge [sflag:s4], $0x80;
	(pc) =	sbr.rel @p0 .LBB2_25-.Ltmp5, $4  }
0x176: {  	[sflag:s4] =	ssyncset.done $0x0  }
0x177: {  	[sflag:s4] =	ssyncadd.s32 $0xFFFFFF80  }
0x178: {  	[bflag:$0x0] =	sbarrier.arrive $0xFFFF  }
0x179: {  	s8 =	simm.s32 $0x800;
	s15 =	simm.s32 $0x11D80  }
0x17a: {  	s2 =	rddreg [dreg:$0x12]  }
0x17b: {  	[tilespmem:s8], [sflag:$0x2] =	stream.strided.gather [spmem:s2], $0x800, s3, s0, $0x38;
	[tilespmem:$0x12FA0] =	vst v63  }
0x17c: {  	_ =	swait.ge [sflag:s4], $0x800  }
0x17d: {  	[sflag:s4] =	ssyncset.done $0x0  }
0x17e: {  	s2 =	simm.s32 $0x0;
	[sflag:s4] =	ssyncadd.s32 $0xFFFFF800  }
0x17f: {  	s7 =	simm.s32 $0x40;
	v11 =	vld [tilespmem:s2+$0x800]  }
.LBB2_9:
0x180: {  	p1 =	sne.s32 s7, $0x1FC0;
	v12 =	vld [tilespmem:s2+$0x11500];
	_ =	sdelay $0x2  }
.Ltmp6:
0x181: {  	(pc) =	sbr.rel @p1 .LBB2_9-.Ltmp6, $4  }
0x182: {  	_ = 	snop  }
0x183: {  	v12 =	vadd.f32 v11, v12  }
0x184: {  	s5 =	sshra.s32 s7, $0x2  }
0x185: {  	s7 =	sadd.s32 $0x40, s7;
	v11 =	vld [tilespmem:s5+$0x800];
	[tilespmem:s2+$0x11500] =	vst v12;
	s2 =	smov.u32 s5  }
0x186: {  	v12 =	vld [tilespmem:s2+$0x11500];
	_ =	sdelay $0x4  }
0x187: {  	v11 =	vadd.f32 v11, v12;
	_ =	sdelay $0x1  }
0x188: {  	s16 =	rddreg [dreg:$0x17];
	[tilespmem:s2+$0x11500] =	vst v11  }
0x189: {  	[tilespmem:s15], [sflag:$0x2] =	stream.linear.gather [spmem:s16], $0x80, $0x38;
	[tilespmem:$0x12FA0] =	vst v63  }
0x18a: {  	_ =	swait.ge [sflag:s4], $0x80  }
0x18b: {  	[sflag:s4] =	ssyncset.done $0x0  }
0x18c: {  	[sflag:s4] =	ssyncadd.s32 $0xFFFFFF80  }
0x18d: {  	v11 =	vld [tilespmem:$0x11D00]  }
0x18e: {  	v61 =	vld [tilespmem:$0x11D80]  }
0x18f: {  	v13 =	vld [tilespmem:$0x11D10]  }
0x190: {  	v14 =	vld [tilespmem:$0x11D90]  }
0x191: {  	v15 =	vld [tilespmem:$0x11D20]  }
0x192: {  	v17 =	vld [tilespmem:$0x11D30]  }
0x193: {  	v18 =	vld [tilespmem:$0x11DB0]  }
0x194: {  	v16 =	vld [tilespmem:$0x11DA0];
	_ =	sdelay $0x1  }
0x195: {  	v11 =	vadd.f32 v61, v11  }
0x196: {  	v62 =	vadd.f32 v14, v13  }
0x197: {  	v63 =	vadd.f32 v18, v17;
	[tilespmem:$0x11D00] =	vst v11  }
0x198: {  	v11 =	vadd.f32 v16, v15;
	[tilespmem:$0x11D10] =	vst v62  }
0x199: {  	[tilespmem:$0x11D30] =	vst v63  }
0x19a: {  	s17 =	rddreg [dreg:$0x13];
	[tilespmem:$0x11D20] =	vst v11  }
0x19b: {  	[tilespmem:s8], [sflag:$0x2] =	stream.strided.gather [spmem:s17], $0x800, s3, s0, $0x38;
	[tilespmem:$0x12FA0] =	vst v63  }
0x19c: {  	_ =	swait.ge [sflag:s4], $0x800  }
0x19d: {  	[sflag:s4] =	ssyncset.done $0x0  }
0x19e: {  	s2 =	simm.s32 $0x0;
	[sflag:s4] =	ssyncadd.s32 $0xFFFFF800  }
0x19f: {  	s7 =	simm.s32 $0x40;
	v11 =	vld [tilespmem:s2+$0x800]  }
.LBB2_11:
0x1a0: {  	p1 =	sne.s32 s7, $0x1FC0;
	v12 =	vld [tilespmem:s2+$0x11500];
	_ =	sdelay $0x2  }
.Ltmp7:
0x1a1: {  	(pc) =	sbr.rel @p1 .LBB2_11-.Ltmp7, $4  }
0x1a2: {  	_ = 	snop  }
0x1a3: {  	v12 =	vadd.f32 v11, v12  }
0x1a4: {  	s5 =	sshra.s32 s7, $0x2  }
0x1a5: {  	s7 =	sadd.s32 $0x40, s7;
	v11 =	vld [tilespmem:s5+$0x800];
	[tilespmem:s2+$0x11500] =	vst v12;
	s2 =	smov.u32 s5  }
0x1a6: {  	v12 =	vld [tilespmem:s2+$0x11500];
	_ =	sdelay $0x4  }
0x1a7: {  	v11 =	vadd.f32 v11, v12;
	_ =	sdelay $0x1  }
0x1a8: {  	s16 =	rddreg [dreg:$0x18];
	[tilespmem:s2+$0x11500] =	vst v11  }
0x1a9: {  	[tilespmem:s15], [sflag:$0x2] =	stream.linear.gather [spmem:s16], $0x80, $0x38;
	[tilespmem:$0x12FA0] =	vst v63  }
0x1aa: {  	_ =	swait.ge [sflag:s4], $0x80  }
0x1ab: {  	[sflag:s4] =	ssyncset.done $0x0  }
0x1ac: {  	[sflag:s4] =	ssyncadd.s32 $0xFFFFFF80  }
0x1ad: {  	v11 =	vld [tilespmem:$0x11D00]  }
0x1ae: {  	v61 =	vld [tilespmem:$0x11D80]  }
0x1af: {  	v13 =	vld [tilespmem:$0x11D10]  }
0x1b0: {  	v14 =	vld [tilespmem:$0x11D90]  }
0x1b1: {  	v15 =	vld [tilespmem:$0x11D20]  }
0x1b2: {  	v17 =	vld [tilespmem:$0x11D30]  }
0x1b3: {  	v18 =	vld [tilespmem:$0x11DB0]  }
0x1b4: {  	v16 =	vld [tilespmem:$0x11DA0];
	_ =	sdelay $0x1  }
0x1b5: {  	v11 =	vadd.f32 v61, v11  }
0x1b6: {  	v62 =	vadd.f32 v14, v13  }
0x1b7: {  	v63 =	vadd.f32 v18, v17;
	[tilespmem:$0x11D00] =	vst v11  }
0x1b8: {  	v11 =	vadd.f32 v16, v15;
	[tilespmem:$0x11D10] =	vst v62  }
0x1b9: {  	[tilespmem:$0x11D30] =	vst v63  }
0x1ba: {  	s17 =	rddreg [dreg:$0x10];
	[tilespmem:$0x11D20] =	vst v11  }
0x1bb: {  	[tilespmem:s8], [sflag:$0x2] =	stream.strided.gather [spmem:s17], $0x800, s3, s0, $0x38;
	[tilespmem:$0x12FA0] =	vst v63  }
0x1bc: {  	_ =	swait.ge [sflag:s4], $0x800  }
0x1bd: {  	[sflag:s4] =	ssyncset.done $0x0  }
0x1be: {  	s2 =	simm.s32 $0x0;
	[sflag:s4] =	ssyncadd.s32 $0xFFFFF800  }
0x1bf: {  	s7 =	simm.s32 $0x40;
	v11 =	vld [tilespmem:s2+$0x800]  }
.LBB2_13:
0x1c0: {  	p1 =	sne.s32 s7, $0x1FC0;
	v12 =	vld [tilespmem:s2+$0x11500];
	_ =	sdelay $0x2  }
.Ltmp8:
0x1c1: {  	(pc) =	sbr.rel @p1 .LBB2_13-.Ltmp8, $4  }
0x1c2: {  	_ = 	snop  }
0x1c3: {  	v12 =	vadd.f32 v11, v12  }
0x1c4: {  	s5 =	sshra.s32 s7, $0x2  }
0x1c5: {  	s7 =	sadd.s32 $0x40, s7;
	v11 =	vld [tilespmem:s5+$0x800];
	[tilespmem:s2+$0x11500] =	vst v12;
	s2 =	smov.u32 s5  }
0x1c6: {  	v12 =	vld [tilespmem:s2+$0x11500];
	_ =	sdelay $0x4  }
0x1c7: {  	v11 =	vadd.f32 v11, v12;
	_ =	sdelay $0x1  }
0x1c8: {  	s16 =	rddreg [dreg:$0x19];
	[tilespmem:s2+$0x11500] =	vst v11  }
0x1c9: {  	[tilespmem:s15], [sflag:$0x2] =	stream.linear.gather [spmem:s16], $0x80, $0x38;
	[tilespmem:$0x12FA0] =	vst v63  }
0x1ca: {  	_ =	swait.ge [sflag:s4], $0x80  }
0x1cb: {  	[sflag:s4] =	ssyncset.done $0x0  }
0x1cc: {  	[sflag:s4] =	ssyncadd.s32 $0xFFFFFF80  }
0x1cd: {  	v11 =	vld [tilespmem:$0x11D00]  }
0x1ce: {  	v61 =	vld [tilespmem:$0x11D80]  }
0x1cf: {  	v13 =	vld [tilespmem:$0x11D10]  }
0x1d0: {  	v14 =	vld [tilespmem:$0x11D90]  }
0x1d1: {  	v15 =	vld [tilespmem:$0x11D20]  }
0x1d2: {  	v17 =	vld [tilespmem:$0x11D30]  }
0x1d3: {  	v18 =	vld [tilespmem:$0x11DB0]  }
0x1d4: {  	v16 =	vld [tilespmem:$0x11DA0];
	_ =	sdelay $0x1  }
0x1d5: {  	v11 =	vadd.f32 v61, v11  }
0x1d6: {  	v62 =	vadd.f32 v14, v13  }
0x1d7: {  	v63 =	vadd.f32 v18, v17;
	[tilespmem:$0x11D00] =	vst v11  }
0x1d8: {  	v11 =	vadd.f32 v16, v15;
	[tilespmem:$0x11D10] =	vst v62  }
0x1d9: {  	[tilespmem:$0x11D30] =	vst v63  }
0x1da: {  	s17 =	rddreg [dreg:$0x11];
	[tilespmem:$0x11D20] =	vst v11  }
0x1db: {  	[tilespmem:s8], [sflag:$0x2] =	stream.strided.gather [spmem:s17], $0x800, s3, s0, $0x38;
	[tilespmem:$0x12FA0] =	vst v63  }
0x1dc: {  	_ =	swait.ge [sflag:s4], $0x800  }
0x1dd: {  	[sflag:s4] =	ssyncset.done $0x0  }
0x1de: {  	s2 =	simm.s32 $0x0;
	[sflag:s4] =	ssyncadd.s32 $0xFFFFF800  }
0x1df: {  	s7 =	simm.s32 $0x40;
	v11 =	vld [tilespmem:s2+$0x800]  }
.LBB2_15:
0x1e0: {  	p1 =	sne.s32 s7, $0x1FC0;
	v12 =	vld [tilespmem:s2+$0x11500];
	_ =	sdelay $0x2  }
.Ltmp9:
0x1e1: {  	(pc) =	sbr.rel @p1 .LBB2_15-.Ltmp9, $4  }
0x1e2: {  	_ = 	snop  }
0x1e3: {  	v12 =	vadd.f32 v11, v12  }
0x1e4: {  	s5 =	sshra.s32 s7, $0x2  }
0x1e5: {  	s7 =	sadd.s32 $0x40, s7;
	v11 =	vld [tilespmem:s5+$0x800];
	[tilespmem:s2+$0x11500] =	vst v12;
	s2 =	smov.u32 s5  }
0x1e6: {  	v12 =	vld [tilespmem:s2+$0x11500];
	_ =	sdelay $0x4  }
0x1e7: {  	v11 =	vadd.f32 v11, v12;
	_ =	sdelay $0x1  }
0x1e8: {  	s16 =	rddreg [dreg:$0x1a];
	[tilespmem:s2+$0x11500] =	vst v11  }
0x1e9: {  	[tilespmem:s15], [sflag:$0x2] =	stream.linear.gather [spmem:s16], $0x80, $0x38;
	[tilespmem:$0x12FA0] =	vst v63  }
0x1ea: {  	_ =	swait.ge [sflag:s4], $0x80  }
0x1eb: {  	[sflag:s4] =	ssyncset.done $0x0  }
0x1ec: {  	[sflag:s4] =	ssyncadd.s32 $0xFFFFFF80  }
0x1ed: {  	v11 =	vld [tilespmem:$0x11D00]  }
0x1ee: {  	v61 =	vld [tilespmem:$0x11D80]  }
0x1ef: {  	v13 =	vld [tilespmem:$0x11D10]  }
0x1f0: {  	v14 =	vld [tilespmem:$0x11D90]  }
0x1f1: {  	v15 =	vld [tilespmem:$0x11D20]  }
0x1f2: {  	v17 =	vld [tilespmem:$0x11D30]  }
0x1f3: {  	v18 =	vld [tilespmem:$0x11DB0]  }
0x1f4: {  	v16 =	vld [tilespmem:$0x11DA0];
	_ =	sdelay $0x1  }
0x1f5: {  	v11 =	vadd.f32 v61, v11  }
0x1f6: {  	v62 =	vadd.f32 v14, v13  }
0x1f7: {  	v63 =	vadd.f32 v18, v17;
	[tilespmem:$0x11D00] =	vst v11  }
0x1f8: {  	v11 =	vadd.f32 v16, v15;
	[tilespmem:$0x11D10] =	vst v62  }
0x1f9: {  	[tilespmem:$0x11D30] =	vst v63  }
0x1fa: {  	s17 =	rddreg [dreg:$0x14];
	[tilespmem:$0x11D20] =	vst v11  }
0x1fb: {  	[tilespmem:s8], [sflag:$0x2] =	stream.strided.gather [spmem:s17], $0x800, s3, s0, $0x38;
	[tilespmem:$0x12FA0] =	vst v63  }
0x1fc: {  	_ =	swait.ge [sflag:s4], $0x800  }
0x1fd: {  	[sflag:s4] =	ssyncset.done $0x0  }
0x1fe: {  	s2 =	simm.s32 $0x0;
	[sflag:s4] =	ssyncadd.s32 $0xFFFFF800  }
0x1ff: {  	s7 =	simm.s32 $0x40;
	v11 =	vld [tilespmem:s2+$0x800]  }
.LBB2_17:
0x200: {  	p1 =	sne.s32 s7, $0x1FC0;
	v12 =	vld [tilespmem:s2+$0x11500];
	_ =	sdelay $0x2  }
.Ltmp10:
0x201: {  	(pc) =	sbr.rel @p1 .LBB2_17-.Ltmp10, $4  }
0x202: {  	_ = 	snop  }
0x203: {  	v12 =	vadd.f32 v11, v12  }
0x204: {  	s5 =	sshra.s32 s7, $0x2  }
0x205: {  	s7 =	sadd.s32 $0x40, s7;
	v11 =	vld [tilespmem:s5+$0x800];
	[tilespmem:s2+$0x11500] =	vst v12;
	s2 =	smov.u32 s5  }
0x206: {  	v12 =	vld [tilespmem:s2+$0x11500];
	_ =	sdelay $0x4  }
0x207: {  	v11 =	vadd.f32 v11, v12;
	_ =	sdelay $0x1  }
0x208: {  	s16 =	rddreg [dreg:$0x1b];
	[tilespmem:s2+$0x11500] =	vst v11  }
0x209: {  	[tilespmem:s15], [sflag:$0x2] =	stream.linear.gather [spmem:s16], $0x80, $0x38;
	[tilespmem:$0x12FA0] =	vst v63  }
0x20a: {  	_ =	swait.ge [sflag:s4], $0x80  }
0x20b: {  	[sflag:s4] =	ssyncset.done $0x0  }
0x20c: {  	[sflag:s4] =	ssyncadd.s32 $0xFFFFFF80  }
0x20d: {  	v11 =	vld [tilespmem:$0x11D00]  }
0x20e: {  	v61 =	vld [tilespmem:$0x11D80]  }
0x20f: {  	v13 =	vld [tilespmem:$0x11D10]  }
0x210: {  	v14 =	vld [tilespmem:$0x11D90]  }
0x211: {  	v15 =	vld [tilespmem:$0x11D20]  }
0x212: {  	v17 =	vld [tilespmem:$0x11D30]  }
0x213: {  	v18 =	vld [tilespmem:$0x11DB0]  }
0x214: {  	v16 =	vld [tilespmem:$0x11DA0];
	_ =	sdelay $0x1  }
0x215: {  	v11 =	vadd.f32 v61, v11  }
0x216: {  	v62 =	vadd.f32 v14, v13  }
0x217: {  	v63 =	vadd.f32 v18, v17;
	[tilespmem:$0x11D00] =	vst v11  }
0x218: {  	v11 =	vadd.f32 v16, v15;
	[tilespmem:$0x11D10] =	vst v62  }
0x219: {  	[tilespmem:$0x11D30] =	vst v63  }
0x21a: {  	s17 =	rddreg [dreg:$0x15];
	[tilespmem:$0x11D20] =	vst v11  }
0x21b: {  	[tilespmem:s8], [sflag:$0x2] =	stream.strided.gather [spmem:s17], $0x800, s3, s0, $0x38;
	[tilespmem:$0x12FA0] =	vst v63  }
0x21c: {  	_ =	swait.ge [sflag:s4], $0x800  }
0x21d: {  	[sflag:s4] =	ssyncset.done $0x0  }
0x21e: {  	s2 =	simm.s32 $0x0;
	[sflag:s4] =	ssyncadd.s32 $0xFFFFF800  }
0x21f: {  	s7 =	simm.s32 $0x40;
	v11 =	vld [tilespmem:s2+$0x800]  }
.LBB2_19:
0x220: {  	p1 =	sne.s32 s7, $0x1FC0;
	v12 =	vld [tilespmem:s2+$0x11500];
	_ =	sdelay $0x2  }
.Ltmp11:
0x221: {  	(pc) =	sbr.rel @p1 .LBB2_19-.Ltmp11, $4  }
0x222: {  	_ = 	snop  }
0x223: {  	v12 =	vadd.f32 v11, v12  }
0x224: {  	s5 =	sshra.s32 s7, $0x2  }
0x225: {  	s7 =	sadd.s32 $0x40, s7;
	v11 =	vld [tilespmem:s5+$0x800];
	[tilespmem:s2+$0x11500] =	vst v12;
	s2 =	smov.u32 s5  }
0x226: {  	v12 =	vld [tilespmem:s2+$0x11500];
	_ =	sdelay $0x4  }
0x227: {  	v11 =	vadd.f32 v11, v12;
	_ =	sdelay $0x1  }
0x228: {  	s16 =	rddreg [dreg:$0x1c];
	[tilespmem:s2+$0x11500] =	vst v11  }
0x229: {  	[tilespmem:s15], [sflag:$0x2] =	stream.linear.gather [spmem:s16], $0x80, $0x38;
	[tilespmem:$0x12FA0] =	vst v63  }
0x22a: {  	_ =	swait.ge [sflag:s4], $0x80  }
0x22b: {  	[sflag:s4] =	ssyncset.done $0x0  }
0x22c: {  	[sflag:s4] =	ssyncadd.s32 $0xFFFFFF80  }
0x22d: {  	v11 =	vld [tilespmem:$0x11D00]  }
0x22e: {  	v61 =	vld [tilespmem:$0x11D80]  }
0x22f: {  	v13 =	vld [tilespmem:$0x11D10]  }
0x230: {  	v14 =	vld [tilespmem:$0x11D90]  }
0x231: {  	v15 =	vld [tilespmem:$0x11D20]  }
0x232: {  	v17 =	vld [tilespmem:$0x11D30]  }
0x233: {  	v18 =	vld [tilespmem:$0x11DB0]  }
0x234: {  	v16 =	vld [tilespmem:$0x11DA0];
	_ =	sdelay $0x1  }
0x235: {  	v11 =	vadd.f32 v61, v11  }
0x236: {  	v62 =	vadd.f32 v14, v13  }
0x237: {  	v63 =	vadd.f32 v18, v17;
	[tilespmem:$0x11D00] =	vst v11  }
0x238: {  	v11 =	vadd.f32 v16, v15;
	[tilespmem:$0x11D10] =	vst v62  }
0x239: {  	[tilespmem:$0x11D30] =	vst v63  }
0x23a: {  	s17 =	rddreg [dreg:$0x16];
	[tilespmem:$0x11D20] =	vst v11  }
0x23b: {  	[tilespmem:s8], [sflag:$0x2] =	stream.strided.gather [spmem:s17], $0x800, s3, s0, $0x38;
	[tilespmem:$0x12FA0] =	vst v63  }
0x23c: {  	_ =	swait.ge [sflag:s4], $0x800  }
0x23d: {  	[sflag:s4] =	ssyncset.done $0x0  }
0x23e: {  	s2 =	simm.s32 $0x0;
	[sflag:s4] =	ssyncadd.s32 $0xFFFFF800  }
0x23f: {  	s7 =	simm.s32 $0x40;
	v11 =	vld [tilespmem:s2+$0x800]  }
.LBB2_21:
0x240: {  	p1 =	sne.s32 s7, $0x1FC0;
	v12 =	vld [tilespmem:s2+$0x11500];
	_ =	sdelay $0x2  }
.Ltmp12:
0x241: {  	(pc) =	sbr.rel @p1 .LBB2_21-.Ltmp12, $4  }
0x242: {  	_ = 	snop  }
0x243: {  	v12 =	vadd.f32 v11, v12  }
0x244: {  	s5 =	sshra.s32 s7, $0x2  }
0x245: {  	s7 =	sadd.s32 $0x40, s7;
	v11 =	vld [tilespmem:s5+$0x800];
	[tilespmem:s2+$0x11500] =	vst v12;
	s2 =	smov.u32 s5  }
0x246: {  	v12 =	vld [tilespmem:s2+$0x11500];
	_ =	sdelay $0x4  }
0x247: {  	v11 =	vadd.f32 v11, v12;
	_ =	sdelay $0x1  }
0x248: {  	s16 =	rddreg [dreg:$0x1d];
	[tilespmem:s2+$0x11500] =	vst v11  }
0x249: {  	[tilespmem:s15], [sflag:$0x2] =	stream.linear.gather [spmem:s16], $0x80, $0x38;
	[tilespmem:$0x12FA0] =	vst v63  }
0x24a: {  	_ =	swait.ge [sflag:s4], $0x80  }
0x24b: {  	[sflag:s4] =	ssyncset.done $0x0  }
0x24c: {  	[sflag:s4] =	ssyncadd.s32 $0xFFFFFF80  }
0x24d: {  	v11 =	vld [tilespmem:$0x11D00]  }
0x24e: {  	v12 =	vld [tilespmem:$0x11D80]  }
0x24f: {  	v13 =	vld [tilespmem:$0x11D10]  }
0x250: {  	v14 =	vld [tilespmem:$0x11D90]  }
0x251: {  	v15 =	vld [tilespmem:$0x11D20]  }
0x252: {  	v16 =	vld [tilespmem:$0x11DA0]  }
0x253: {  	v17 =	vld [tilespmem:$0x11D30]  }
0x254: {  	v18 =	vld [tilespmem:$0x11DB0];
	_ =	sdelay $0x1  }
0x255: {  	v11 =	vadd.f32 v12, v11  }
0x256: {  	v12 =	vadd.f32 v14, v13  }
0x257: {  	[tilespmem:$0x11D00] =	vst v11;
	v11 =	vadd.f32 v16, v15  }
0x258: {  	[tilespmem:$0x11D10] =	vst v12;
	v12 =	vadd.f32 v18, v17  }
0x259: {  	[tilespmem:$0x11D20] =	vst v11  }
0x25a: {  	s5 =	simm.s32 $0x200;
	s7 =	simm.s32 $0x11500;
	s17 =	rddreg [dreg:$0x1e];
	[tilespmem:$0x11D30] =	vst v12  }
0x25b: {  	[hbm4b:s17+s0] =	stream.strided.scatter [tilespmem:s7], [sflag:$0x2], $0x800, s5, s0, $0x38;
	[tilespmem:$0x12FA0] =	vst v63  }
0x25c: {  	_ =	swait.ge [sflag:s4], $0x800  }
0x25d: {  	s16 =	simm.s32 $0x11D00;
	[sflag:s4] =	ssyncset.done $0x0  }
0x25e: {  	s7 =	simm.s32 $0x0;
	s15 =	rddreg [dreg:$0x1f];
	[sflag:s4] =	ssyncadd.s32 $0xFFFFF800  }
0x25f: {  	[hbm4b:s15+s7] =	stream.linear.scatter [tilespmem:s16], [sflag:$0x2], $0x80, $0x38;
	[tilespmem:$0x12FA0] =	vst v63  }
0x260: {  	_ =	swait.ge [sflag:s4], $0x80  }
0x261: {  	[sflag:s4] =	ssyncset.done $0x0  }
0x262: {  	s17 =	simm.s32 $0x0;
	[sflag:s4] =	ssyncadd.s32 $0xFFFFFF80  }
0x263: {  	v12 =	vld [tilespmem:s17+$0x11500]  }
0x264: {  	s2 =	simm.s32 $0x40;
	v13 =	vimm.f32 $0.0e+00;
	v11 =	vimm.f32 $0.0e+00  }
.LBB2_23:
0x265: {  	p1 =	sne.s32 s2, $0x1FC0  }
.Ltmp13:
0x266: {  	_ = 	snop;
	(pc) =	sbr.rel @p1 .LBB2_23-.Ltmp13, $4  }
0x267: {  	_ = 	snop  }
0x268: {  	s5 =	sshra.s32 s2, $0x2;
	s2 =	sadd.s32 $0x40, s2;
	v13 =	vadd.f32 v12, v13;
	v14 =	vmul.f32 v12, v12  }
0x269: {  	v12 =	vld [tilespmem:s5+$0x11500]  }
0x26a: {  	v11 =	vadd.f32 v14, v11  }
.Ltmp14:
0x26b: {  	_ = 	snop;
	(pc) =	sbr.rel .LBB2_24-.Ltmp14, $1  }
0x26c: {  	_ =	sdelay $0x3  }
.LBB2_26:
0x26d: {  	_ =	sfence.sel $0x180000  }
0x26e: {  	[bflag:$0x0] =	sbarrier.arrive $0xFFFF  }
0x26f: {  	_ =	strace $0x90000047  }
0x270: {  	s0 =	stileid.u32;
	[bflag:$0x2] =	sbarrier.arrive $0xFFFF  }
0x271: {  	p0 =	sne.s32 s0, $0x0;
	s0 =	rddreg [dreg:$0x8]  }
0x272: {  	s0 =	sadd.s32 @!p0 $0x100000, s0  }
0x273: {  	[sflag:s0] =	ssyncadd.tile.s32 @!p0 $0x1;
	_ =	shalt  }
.Lfunc_end2:
_tile_overlayer_lowered:
.L_overlay_start_2:
0x274: {  	(tag) =	ssettag $0x2  }
0x275: {  	s0 =	rddreg [dreg:$0x0];
	s2 =	stileid.u32  }
0x276: {  	s1 =	rddreg [dreg:$0x1];
	p0 =	sne.s32 s2, $0x0  }
0x277: {  	s3 =	rddreg [dreg:$0x2];
	[bflag:$0x3] =	sbarrier.arrive $0xFFFF;
	s2 =	simm.s32 @!p0 $0x1C02  }
0x278: {  	[timem:s3], [sflag:s2] =	dma.local @!p0 [hbm:s0], s1  }
0x279: {  	s0 =	simm.s32 @!p0 $0x2  }
0x27a: {  	_ =	swait.ge @!p0 [sflag:s0], s1  }
0x27b: {  	s1 =	ssub.s32 @!p0 $0x0, s1;
	[sflag:s0] =	ssyncset.done @!p0 $0x0  }
0x27c: {  	[sflag:s0] =	ssyncadd.s32 @!p0 s1  }
0x27d: {  	[bflag:$0x3] =	sbarrier.arrive $0xFFFF  }
0x27e: {  	_ =	shalt  }

</sc_bundles>
